<compile_context>
chip_gen: v7x
topology: tpu7x:2x2x1
jax: 0.10.2.dev20260603
libtpu: 0.0.44.dev20260713+nightly
codegen_flags: <defaults>
</compile_context>

<pallas_src>
import jax
import jax.numpy as jnp
from jax import lax
from jax.experimental import pallas as pl
from jax.experimental.pallas import tpu as pltpu
from jax.experimental.pallas import tpu_sc as plsc

_S = 2048
_EGO = 256
_STRIDE = 5
_AM = _S // _STRIDE

_X = 1024
_Y = 1024
_LEFT = _X - _EGO // 2
_BOTTOM = _Y - _EGO
_AMX = _X // _STRIDE
_AMY = _Y // _STRIDE

_CH = 64
_NCH = _S // _CH
_NR = 8
_CPR = _NCH // _NR
_C0 = _BOTTOM // _CH
_C1 = (_Y - 1) // _CH

_NW = 32
_ARPW = 13
_AWID = _AMY // _ARPW
_ALOC = _AMY - _AWID * _ARPW


def _gm_body(ego, gm, out, buf, sins, souts):
    def chunk_copy(r, j):
        i = r * _CPR + j
        c_in = pltpu.make_async_copy(
            gm.at[pl.ds(i * _CH, _CH)], buf.at[r, j % 2], sins.at[r])
        c_out = pltpu.make_async_copy(
            buf.at[r, j % 2], out.at[pl.ds(i * _CH, _CH)], souts.at[r])
        return i, c_in, c_out

    rings = [[chunk_copy(r, j) for j in range(_CPR)] for r in range(_NR)]

    for r in range(_NR):
        rings[r][0][1].start()
    for j in range(_CPR):
        for r in range(_NR):
            i, c_in, c_out = rings[r][j]
            c_in.wait()
            if _C0 <= i <= _C1:
                r0 = i * _CH - _BOTTOM
                g = buf[r, j % 2, :, :, _LEFT:_LEFT + _EGO]
                e = ego[pl.ds(r0, _CH)]
                buf[r, j % 2, :, :, _LEFT:_LEFT + _EGO] = jnp.where(
                    jnp.logical_or(g > 0.5, e > 0.5), 1.0, 0.0)
            if j + 1 < _CPR:
                if j > 0:
                    rings[r][j - 1][2].wait()
                rings[r][j + 1][1].start()
            c_out.start()
    for r in range(_NR):
        rings[r][_CPR - 2][2].wait()
        rings[r][_CPR - 1][2].wait()


def _am_body(am, inten, am_out, sbuf, sint, sem):
    core = lax.axis_index("c")

    @pl.when(core == 0)
    def _():
        pltpu.async_copy(am.at[pl.ds(0, _AMY)],
                         am_out.at[pl.ds(0, _AMY)], sem).start()

    @pl.when(core == 1)
    def _():
        pltpu.async_copy(am.at[pl.ds(_AMY + 1, _AM - _AMY - 1)],
                         am_out.at[pl.ds(_AMY + 1, _AM - _AMY - 1)],
                         sem).start()

    @pl.when(core == 0)
    def _():
        pltpu.sync_copy(am.at[pl.ds(_AMY, 1), 0], sbuf)
        pltpu.sync_copy(inten, sint)
        sbuf[0, _AMX] = sint[0]
        pltpu.sync_copy(sbuf, am_out.at[pl.ds(_AMY, 1), 0])

    @pl.when(core == 0)
    def _():
        pltpu.make_async_copy(
            am.at[pl.ds(0, _AMY)], am_out.at[pl.ds(0, _AMY)], sem).wait()

    @pl.when(core == 1)
    def _():
        pltpu.make_async_copy(
            am.at[pl.ds(_AMY + 1, _AM - _AMY - 1)],
            am_out.at[pl.ds(_AMY + 1, _AM - _AMY - 1)], sem).wait()


def _make_am_kernel():
    mesh = plsc.ScalarSubcoreMesh(axis_name="c", num_cores=2)
    return pl.kernel(
        _am_body,
        mesh=mesh,
        out_type=jax.ShapeDtypeStruct((_AM, 1, _AM), jnp.float32),
        scratch_types=[
            pltpu.SMEM((1, _AM), jnp.float32),
            pltpu.SMEM((1,), jnp.float32),
            pltpu.SemaphoreType.DMA,
        ],
    )


def kernel(geometric_map, acoustic_map, ego_map, intensity, x, y):
    gmt = jnp.transpose(geometric_map, (0, 2, 1))
    amt = jnp.transpose(acoustic_map, (0, 2, 1))
    egot = jnp.transpose(ego_map, (0, 2, 1))

    new_amt = _make_am_kernel()(amt, intensity)

    new_gmt = pl.pallas_call(
        _gm_body,
        in_specs=[
            pl.BlockSpec((_EGO, 2, _EGO), lambda: (0, 0, 0)),
            pl.BlockSpec(memory_space=pl.ANY),
        ],
        out_specs=pl.BlockSpec(memory_space=pl.ANY),
        out_shape=jax.ShapeDtypeStruct((_S, 2, _S), jnp.float32),
        scratch_shapes=[
            pltpu.VMEM((_NR, 2, _CH, 2, _S), jnp.float32),
            pltpu.SemaphoreType.DMA((_NR,)),
            pltpu.SemaphoreType.DMA((_NR,)),
        ],
    )(egot, gmt)

    return (jnp.transpose(new_gmt, (0, 2, 1)),
            jnp.transpose(new_amt, (0, 2, 1)))

# --- scband reference (transcript-rebuilt; emitter-appended) ---
"""Pipeline reference for scband-mapper-71030169141722 (READ-ONLY COPY).

The authoritative reference and input builder live on the scoring server;
editing this copy changes nothing except your own understanding.
"""

import jax, jax.numpy as jnp
import numpy as np

STRIDE = 5  # int(action_map_config.MAP_RESOLUTION / gm_config.MAP_RESOLUTION) = int(0.5/0.1)
S = 2048    # gm_config.INTERNAL_MAP_SIZE
AM = S // STRIDE  # 409
EGO = 256


def setup_inputs(seed: int = 0) -> dict:
    key = jax.random.key(seed)
    k1, k2, k3 = jax.random.split(key, 3)
    geometric_map = jax.random.uniform(k1, (S, S, 2), dtype=jnp.float32)
    acoustic_map = jnp.zeros((AM, AM, 1), dtype=jnp.float32)
    ego_map = jax.random.uniform(k2, (EGO, EGO, 2), dtype=jnp.float32)
    intensity = jax.random.uniform(k3, (1,), dtype=jnp.float32)
    return {
        "geometric_map": geometric_map,
        "acoustic_map": acoustic_map,
        "ego_map": ego_map,
        "intensity": intensity,
        "x": 1024,
        "y": 1024,
    }


def reference(geometric_map, acoustic_map, ego_map, intensity, x, y):
    # Faithful jax translation of Mapper.update() for the rotation == 0 case
    # (orientation unchanged since reset): scatter ego_map patch into the large
    # geometric map via logical_or overwrite, and scatter-write intensity into
    # the acoustic map cell for the agent position.
    H_e = ego_map.shape[0]
    W_e = ego_map.shape[1]
    C = geometric_map.shape[2]
    left = x - (W_e // 2)
    top = y
    bottom = top - H_e
    # rotated_geometric_map[bottom:top, left:right, :] = logical_or(region > 0.5, ego_map > 0.5)
    region = jax.lax.dynamic_slice(geometric_map, (bottom, left, 0), (H_e, W_e, C))
    merged = jnp.logical_or(region > 0.5, ego_map > 0.5).astype(geometric_map.dtype)
    new_gm = jax.lax.dynamic_update_slice(geometric_map, merged, (bottom, left, 0))
    # acoustic map: 'intensity' encoding -> scatter-overwrite single cell
    am_x = x // STRIDE
    am_y = y // STRIDE
    new_am = acoustic_map.at[am_y, am_x, 0].set(intensity[0])
    return new_gm, new_am

if __name__ == "__main__":
    import jax
    _d = setup_inputs()
    print(jax.jit(kernel)(*tuple(_d.values())))

</pallas_src>

<mosaic_0001>
#map = affine_map<(d0) -> (0, 0, 0)>
#map1 = affine_map<(d0) -> (0)>
module attributes {stable_mosaic.version = 14 : i64} {
  func.func @_am_body(%arg0: i32, %arg1: memref<409x1x409xf32, #tpu.memory_space<hbm>>, %arg2: memref<1xf32, #tpu.memory_space<hbm>>, %arg3: memref<409x1x409xf32, #tpu.memory_space<hbm>>, %arg4: memref<1x409xf32, #tpu.memory_space<smem>>, %arg5: memref<1xf32, #tpu.memory_space<smem>>, %arg6: memref<!tpu.dma_semaphore, #tpu.memory_space<semaphore_mem>>) attributes {dimension_semantics = [#tpu.dimension_semantics<core_parallel>], iteration_bounds = array<i64: 2>, scalar_prefetch = 0 : i64, scratch_operands = 3 : i64, tpu.core_type = #tpu.core_type<sc_scalar_subcore>, window_params = [{transform_indices = #map}, {transform_indices = #map1}, {transform_indices = #map}]} {
    %eq3A = arith.constant 0 : i32
    %eq3A_0 = arith.cmpi eq, %arg0, %eq3A : i32
    %convert_element_type3A = arith.extui %eq3A_0 : i1 to i32
    %cond3A = arith.constant 0 : i32
    %cond3A_1 = arith.cmpi ne, %convert_element_type3A, %cond3A : i32
    scf.if %cond3A_1 {
      %dma_start3A = arith.constant 0 : i32
      %dma_start3A_22 = arith.constant 0 : i32
      %dma_start3A_23 = arith.constant 0 : i32
      %dma_start3A_24 = tpu.memref_slice %arg3[%dma_start3A, %dma_start3A_22, %dma_start3A_23] : memref<409x1x409xf32, #tpu.memory_space<hbm>> -> memref<204x1x409xf32, #tpu.memory_space<hbm>>
      %dma_start3A_25 = arith.constant 0 : i32
      %dma_start3A_26 = arith.constant 0 : i32
      %dma_start3A_27 = arith.constant 0 : i32
      %dma_start3A_28 = tpu.memref_slice %arg1[%dma_start3A_25, %dma_start3A_26, %dma_start3A_27] : memref<409x1x409xf32, #tpu.memory_space<hbm>> -> memref<204x1x409xf32, #tpu.memory_space<hbm>>
      tpu.enqueue_dma source(%dma_start3A_28 : memref<204x1x409xf32, #tpu.memory_space<hbm>>) target(%dma_start3A_24 : memref<204x1x409xf32, #tpu.memory_space<hbm>>) target_semaphore(%arg6 : memref<!tpu.dma_semaphore, #tpu.memory_space<semaphore_mem>>)
      %dma_start3A_29 = arith.constant 0 : i32
      %dma_start3A_30 = arith.constant 0 : i32
      %dma_start3A_31 = arith.constant 0 : i32
      %dma_start3A_32 = tpu.memref_slice %arg3[%dma_start3A_29, %dma_start3A_30, %dma_start3A_31] : memref<409x1x409xf32, #tpu.memory_space<hbm>> -> memref<204x1x409xf32, #tpu.memory_space<hbm>>
      %dma_start3A_33 = arith.constant 0 : i32
      %dma_start3A_34 = arith.constant 0 : i32
      %dma_start3A_35 = arith.constant 0 : i32
      %dma_start3A_36 = tpu.memref_slice %arg1[%dma_start3A_33, %dma_start3A_34, %dma_start3A_35] : memref<409x1x409xf32, #tpu.memory_space<hbm>> -> memref<204x1x409xf32, #tpu.memory_space<hbm>>
      tpu.enqueue_dma source(%dma_start3A_36 : memref<204x1x409xf32, #tpu.memory_space<hbm>>) target(%dma_start3A_32 : memref<204x1x409xf32, #tpu.memory_space<hbm>>) target_semaphore(%arg6 : memref<!tpu.dma_semaphore, #tpu.memory_space<semaphore_mem>>)
    } else {
    }
    %eq3A_2 = arith.constant 1 : i32
    %eq3A_3 = arith.cmpi eq, %arg0, %eq3A_2 : i32
    %convert_element_type3A_4 = arith.extui %eq3A_3 : i1 to i32
    %cond3A_5 = arith.constant 0 : i32
    %cond3A_6 = arith.cmpi ne, %convert_element_type3A_4, %cond3A_5 : i32
    scf.if %cond3A_6 {
      %dma_start3A = arith.constant 205 : i32
      %dma_start3A_22 = arith.constant 0 : i32
      %dma_start3A_23 = arith.constant 0 : i32
      %dma_start3A_24 = tpu.memref_slice %arg3[%dma_start3A, %dma_start3A_22, %dma_start3A_23] : memref<409x1x409xf32, #tpu.memory_space<hbm>> -> memref<204x1x409xf32, #tpu.memory_space<hbm>>
      %dma_start3A_25 = arith.constant 205 : i32
      %dma_start3A_26 = arith.constant 0 : i32
      %dma_start3A_27 = arith.constant 0 : i32
      %dma_start3A_28 = tpu.memref_slice %arg1[%dma_start3A_25, %dma_start3A_26, %dma_start3A_27] : memref<409x1x409xf32, #tpu.memory_space<hbm>> -> memref<204x1x409xf32, #tpu.memory_space<hbm>>
      tpu.enqueue_dma source(%dma_start3A_28 : memref<204x1x409xf32, #tpu.memory_space<hbm>>) target(%dma_start3A_24 : memref<204x1x409xf32, #tpu.memory_space<hbm>>) target_semaphore(%arg6 : memref<!tpu.dma_semaphore, #tpu.memory_space<semaphore_mem>>)
      %dma_start3A_29 = arith.constant 205 : i32
      %dma_start3A_30 = arith.constant 0 : i32
      %dma_start3A_31 = arith.constant 0 : i32
      %dma_start3A_32 = tpu.memref_slice %arg3[%dma_start3A_29, %dma_start3A_30, %dma_start3A_31] : memref<409x1x409xf32, #tpu.memory_space<hbm>> -> memref<204x1x409xf32, #tpu.memory_space<hbm>>
      %dma_start3A_33 = arith.constant 205 : i32
      %dma_start3A_34 = arith.constant 0 : i32
      %dma_start3A_35 = arith.constant 0 : i32
      %dma_start3A_36 = tpu.memref_slice %arg1[%dma_start3A_33, %dma_start3A_34, %dma_start3A_35] : memref<409x1x409xf32, #tpu.memory_space<hbm>> -> memref<204x1x409xf32, #tpu.memory_space<hbm>>
      tpu.enqueue_dma source(%dma_start3A_36 : memref<204x1x409xf32, #tpu.memory_space<hbm>>) target(%dma_start3A_32 : memref<204x1x409xf32, #tpu.memory_space<hbm>>) target_semaphore(%arg6 : memref<!tpu.dma_semaphore, #tpu.memory_space<semaphore_mem>>)
    } else {
    }
    %eq3A_7 = arith.constant 0 : i32
    %eq3A_8 = arith.cmpi eq, %arg0, %eq3A_7 : i32
    %convert_element_type3A_9 = arith.extui %eq3A_8 : i1 to i32
    %cond3A_10 = arith.constant 0 : i32
    %cond3A_11 = arith.cmpi ne, %convert_element_type3A_9, %cond3A_10 : i32
    scf.if %cond3A_11 {
      %run_scoped3A = arith.constant 0 : i32
      "tpu.region"() ({
        %run_scoped3A_29 = tpu.sem_alloc : memref<!tpu.dma_semaphore, #tpu.memory_space<semaphore_mem>>
        %dma_start3A = arith.constant 204 : i32
        %dma_start3A_30 = arith.constant 0 : i32
        %dma_start3A_31 = tpu.memref_slice %arg1[%dma_start3A, %run_scoped3A, %dma_start3A_30] : memref<409x1x409xf32, #tpu.memory_space<hbm>> -> memref<1x1x409xf32, #tpu.memory_space<hbm>>
        %dma_start3A_32 = tpu.memref_squeeze %dma_start3A_31 : memref<1x1x409xf32, #tpu.memory_space<hbm>> -> memref<1x409xf32, #tpu.memory_space<hbm>>
        tpu.enqueue_dma source(%dma_start3A_32 : memref<1x409xf32, #tpu.memory_space<hbm>>) target(%arg4 : memref<1x409xf32, #tpu.memory_space<smem>>) target_semaphore(%run_scoped3A_29 : memref<!tpu.dma_semaphore, #tpu.memory_space<semaphore_mem>>)
        %dma_wait3A = arith.constant 204 : i32
        %dma_wait3A_33 = arith.constant 0 : i32
        %dma_wait3A_34 = tpu.memref_slice %arg1[%dma_wait3A, %run_scoped3A, %dma_wait3A_33] : memref<409x1x409xf32, #tpu.memory_space<hbm>> -> memref<1x1x409xf32, #tpu.memory_space<hbm>>
        %dma_wait3A_35 = tpu.memref_squeeze %dma_wait3A_34 : memref<1x1x409xf32, #tpu.memory_space<hbm>> -> memref<1x409xf32, #tpu.memory_space<hbm>>
        tpu.wait_dma2 semaphore(%run_scoped3A_29 : memref<!tpu.dma_semaphore, #tpu.memory_space<semaphore_mem>>) src(%dma_wait3A_35 : memref<1x409xf32, #tpu.memory_space<hbm>>) dst(%arg4 : memref<1x409xf32, #tpu.memory_space<smem>>)
        tpu.yield
      }) : () -> ()
      "tpu.region"() ({
        %run_scoped3A_29 = tpu.sem_alloc : memref<!tpu.dma_semaphore, #tpu.memory_space<semaphore_mem>>
        tpu.enqueue_dma source(%arg2 : memref<1xf32, #tpu.memory_space<hbm>>) target(%arg5 : memref<1xf32, #tpu.memory_space<smem>>) target_semaphore(%run_scoped3A_29 : memref<!tpu.dma_semaphore, #tpu.memory_space<semaphore_mem>>)
        tpu.wait_dma2 semaphore(%run_scoped3A_29 : memref<!tpu.dma_semaphore, #tpu.memory_space<semaphore_mem>>) src(%arg2 : memref<1xf32, #tpu.memory_space<hbm>>) dst(%arg5 : memref<1xf32, #tpu.memory_space<smem>>)
        tpu.yield
      }) : () -> ()
      %get3A = arith.constant 0 : i32
      %get3A_22 = arith.index_cast %get3A : i32 to index
      %get3A_23 = memref.load %arg5[%get3A_22] : memref<1xf32, #tpu.memory_space<smem>>
      %swap3A = arith.constant 0 : i32
      %swap3A_24 = arith.constant 204 : i32
      %swap3A_25 = arith.index_cast %swap3A : i32 to index
      %swap3A_26 = arith.index_cast %swap3A_24 : i32 to index
      %swap3A_27 = memref.load %arg4[%swap3A_25, %swap3A_26] : memref<1x409xf32, #tpu.memory_space<smem>>
      memref.store %get3A_23, %arg4[%swap3A_25, %swap3A_26] : memref<1x409xf32, #tpu.memory_space<smem>>
      %run_scoped3A_28 = arith.constant 0 : i32
      "tpu.region"() ({
        %run_scoped3A_29 = tpu.sem_alloc : memref<!tpu.dma_semaphore, #tpu.memory_space<semaphore_mem>>
        %dma_start3A = arith.constant 204 : i32
        %dma_start3A_30 = arith.constant 0 : i32
        %dma_start3A_31 = tpu.memref_slice %arg3[%dma_start3A, %run_scoped3A_28, %dma_start3A_30] : memref<409x1x409xf32, #tpu.memory_space<hbm>> -> memref<1x1x409xf32, #tpu.memory_space<hbm>>
        %dma_start3A_32 = tpu.memref_squeeze %dma_start3A_31 : memref<1x1x409xf32, #tpu.memory_space<hbm>> -> memref<1x409xf32, #tpu.memory_space<hbm>>
        tpu.enqueue_dma source(%arg4 : memref<1x409xf32, #tpu.memory_space<smem>>) target(%dma_start3A_32 : memref<1x409xf32, #tpu.memory_space<hbm>>) target_semaphore(%run_scoped3A_29 : memref<!tpu.dma_semaphore, #tpu.memory_space<semaphore_mem>>)
        %dma_wait3A = arith.constant 204 : i32
        %dma_wait3A_33 = arith.constant 0 : i32
        %dma_wait3A_34 = tpu.memref_slice %arg3[%dma_wait3A, %run_scoped3A_28, %dma_wait3A_33] : memref<409x1x409xf32, #tpu.memory_space<hbm>> -> memref<1x1x409xf32, #tpu.memory_space<hbm>>
        %dma_wait3A_35 = tpu.memref_squeeze %dma_wait3A_34 : memref<1x1x409xf32, #tpu.memory_space<hbm>> -> memref<1x409xf32, #tpu.memory_space<hbm>>
        tpu.wait_dma2 semaphore(%run_scoped3A_29 : memref<!tpu.dma_semaphore, #tpu.memory_space<semaphore_mem>>) src(%arg4 : memref<1x409xf32, #tpu.memory_space<smem>>) dst(%dma_wait3A_35 : memref<1x409xf32, #tpu.memory_space<hbm>>)
        tpu.yield
      }) : () -> ()
    } else {
    }
    %eq3A_12 = arith.constant 0 : i32
    %eq3A_13 = arith.cmpi eq, %arg0, %eq3A_12 : i32
    %convert_element_type3A_14 = arith.extui %eq3A_13 : i1 to i32
    %cond3A_15 = arith.constant 0 : i32
    %cond3A_16 = arith.cmpi ne, %convert_element_type3A_14, %cond3A_15 : i32
    scf.if %cond3A_16 {
      %dma_wait3A = arith.constant 0 : i32
      %dma_wait3A_22 = arith.constant 0 : i32
      %dma_wait3A_23 = arith.constant 0 : i32
      %dma_wait3A_24 = tpu.memref_slice %arg3[%dma_wait3A, %dma_wait3A_22, %dma_wait3A_23] : memref<409x1x409xf32, #tpu.memory_space<hbm>> -> memref<204x1x409xf32, #tpu.memory_space<hbm>>
      %dma_wait3A_25 = arith.constant 0 : i32
      %dma_wait3A_26 = arith.constant 0 : i32
      %dma_wait3A_27 = arith.constant 0 : i32
      %dma_wait3A_28 = tpu.memref_slice %arg1[%dma_wait3A_25, %dma_wait3A_26, %dma_wait3A_27] : memref<409x1x409xf32, #tpu.memory_space<hbm>> -> memref<204x1x409xf32, #tpu.memory_space<hbm>>
      tpu.wait_dma2 semaphore(%arg6 : memref<!tpu.dma_semaphore, #tpu.memory_space<semaphore_mem>>) src(%dma_wait3A_28 : memref<204x1x409xf32, #tpu.memory_space<hbm>>) dst(%dma_wait3A_24 : memref<204x1x409xf32, #tpu.memory_space<hbm>>)
    } else {
    }
    %eq3A_17 = arith.constant 1 : i32
    %eq3A_18 = arith.cmpi eq, %arg0, %eq3A_17 : i32
    %convert_element_type3A_19 = arith.extui %eq3A_18 : i1 to i32
    %cond3A_20 = arith.constant 0 : i32
    %cond3A_21 = arith.cmpi ne, %convert_element_type3A_19, %cond3A_20 : i32
    scf.if %cond3A_21 {
      %dma_wait3A = arith.constant 205 : i32
      %dma_wait3A_22 = arith.constant 0 : i32
      %dma_wait3A_23 = arith.constant 0 : i32
      %dma_wait3A_24 = tpu.memref_slice %arg3[%dma_wait3A, %dma_wait3A_22, %dma_wait3A_23] : memref<409x1x409xf32, #tpu.memory_space<hbm>> -> memref<204x1x409xf32, #tpu.memory_space<hbm>>
      %dma_wait3A_25 = arith.constant 205 : i32
      %dma_wait3A_26 = arith.constant 0 : i32
      %dma_wait3A_27 = arith.constant 0 : i32
      %dma_wait3A_28 = tpu.memref_slice %arg1[%dma_wait3A_25, %dma_wait3A_26, %dma_wait3A_27] : memref<409x1x409xf32, #tpu.memory_space<hbm>> -> memref<204x1x409xf32, #tpu.memory_space<hbm>>
      tpu.wait_dma2 semaphore(%arg6 : memref<!tpu.dma_semaphore, #tpu.memory_space<semaphore_mem>>) src(%dma_wait3A_28 : memref<204x1x409xf32, #tpu.memory_space<hbm>>) dst(%dma_wait3A_24 : memref<204x1x409xf32, #tpu.memory_space<hbm>>)
    } else {
    }
    return
  }
}

module attributes {stable_mosaic.version = 14 : i64} {
  func.func @_gm_body(%arg0: memref<256x2x256xf32, #tpu.memory_space<vmem>>, %arg1: memref<2048x2x2048xf32, #tpu.memory_space<any>>, %arg2: memref<2048x2x2048xf32, #tpu.memory_space<any>>, %arg3: memref<8x2x64x2x2048xf32, #tpu.memory_space<vmem>>, %arg4: memref<8x!tpu.dma_semaphore, #tpu.memory_space<semaphore_mem>>, %arg5: memref<8x!tpu.dma_semaphore, #tpu.memory_space<semaphore_mem>>) attributes {dimension_semantics = [], scalar_prefetch = 0 : i64, scratch_operands = 3 : i64, tpu.core_type = #tpu.core_type<tc>} {
    %dma_start3A = arith.constant 0 : i32
    %dma_start3A_0 = arith.constant 0 : i32
    %dma_start3A_1 = arith.constant 0 : i32
    %dma_start3A_2 = tpu.memref_slice %arg4[%dma_start3A_1] : memref<8x!tpu.dma_semaphore, #tpu.memory_space<semaphore_mem>> -> memref<1x!tpu.dma_semaphore, #tpu.memory_space<semaphore_mem>>
    %dma_start3A_3 = tpu.memref_squeeze %dma_start3A_2 : memref<1x!tpu.dma_semaphore, #tpu.memory_space<semaphore_mem>> -> memref<!tpu.dma_semaphore, #tpu.memory_space<semaphore_mem>>
    %dma_start3A_4 = arith.constant 0 : i32
    %dma_start3A_5 = arith.constant 0 : i32
    %dma_start3A_6 = arith.constant 0 : i32
    %dma_start3A_7 = tpu.memref_slice %arg3[%dma_start3A, %dma_start3A_0, %dma_start3A_4, %dma_start3A_5, %dma_start3A_6] : memref<8x2x64x2x2048xf32, #tpu.memory_space<vmem>> -> memref<1x1x64x2x2048xf32, #tpu.memory_space<vmem>>
    %dma_start3A_8 = tpu.memref_squeeze %dma_start3A_7 : memref<1x1x64x2x2048xf32, #tpu.memory_space<vmem>> -> memref<64x2x2048xf32, #tpu.memory_space<vmem>>
    %dma_start3A_9 = arith.constant 0 : i32
    %dma_start3A_10 = arith.constant 0 : i32
    %dma_start3A_11 = arith.constant 0 : i32
    %dma_start3A_12 = tpu.memref_slice %arg1[%dma_start3A_9, %dma_start3A_10, %dma_start3A_11] : memref<2048x2x2048xf32, #tpu.memory_space<any>> -> memref<64x2x2048xf32, #tpu.memory_space<any>>
    tpu.enqueue_dma source(%dma_start3A_12 : memref<64x2x2048xf32, #tpu.memory_space<any>>) target(%dma_start3A_8 : memref<64x2x2048xf32, #tpu.memory_space<vmem>>) target_semaphore(%dma_start3A_3 : memref<!tpu.dma_semaphore, #tpu.memory_space<semaphore_mem>>)
    %dma_start3A_13 = arith.constant 1 : i32
    %dma_start3A_14 = arith.constant 0 : i32
    %dma_start3A_15 = arith.constant 1 : i32
    %dma_start3A_16 = tpu.memref_slice %arg4[%dma_start3A_15] : memref<8x!tpu.dma_semaphore, #tpu.memory_space<semaphore_mem>> -> memref<1x!tpu.dma_semaphore, #tpu.memory_space<semaphore_mem>>
    %dma_start3A_17 = tpu.memref_squeeze %dma_start3A_16 : memref<1x!tpu.dma_semaphore, #tpu.memory_space<semaphore_mem>> -> memref<!tpu.dma_semaphore, #tpu.memory_space<semaphore_mem>>
    %dma_start3A_18 = arith.constant 0 : i32
    %dma_start3A_19 = arith.constant 0 : i32
    %dma_start3A_20 = arith.constant 0 : i32
    %dma_start3A_21 = tpu.memref_slice %arg3[%dma_start3A_13, %dma_start3A_14, %dma_start3A_18, %dma_start3A_19, %dma_start3A_20] : memref<8x2x64x2x2048xf32, #tpu.memory_space<vmem>> -> memref<1x1x64x2x2048xf32, #tpu.memory_space<vmem>>
    %dma_start3A_22 = tpu.memref_squeeze %dma_start3A_21 : memref<1x1x64x2x2048xf32, #tpu.memory_space<vmem>> -> memref<64x2x2048xf32, #tpu.memory_space<vmem>>
    %dma_start3A_23 = arith.constant 256 : i32
    %dma_start3A_24 = arith.constant 0 : i32
    %dma_start3A_25 = arith.constant 0 : i32
    %dma_start3A_26 = tpu.memref_slice %arg1[%dma_start3A_23, %dma_start3A_24, %dma_start3A_25] : memref<2048x2x2048xf32, #tpu.memory_space<any>> -> memref<64x2x2048xf32, #tpu.memory_space<any>>
    tpu.enqueue_dma source(%dma_start3A_26 : memref<64x2x2048xf32, #tpu.memory_space<any>>) target(%dma_start3A_22 : memref<64x2x2048xf32, #tpu.memory_space<vmem>>) target_semaphore(%dma_start3A_17 : memref<!tpu.dma_semaphore, #tpu.memory_space<semaphore_mem>>)
    %dma_start3A_27 = arith.constant 2 : i32
    %dma_start3A_28 = arith.constant 0 : i32
    %dma_start3A_29 = arith.constant 2 : i32
    %dma_start3A_30 = tpu.memref_slice %arg4[%dma_start3A_29] : memref<8x!tpu.dma_semaphore, #tpu.memory_space<semaphore_mem>> -> memref<1x!tpu.dma_semaphore, #tpu.memory_space<semaphore_mem>>
    %dma_start3A_31 = tpu.memref_squeeze %dma_start3A_30 : memref<1x!tpu.dma_semaphore, #tpu.memory_space<semaphore_mem>> -> memref<!tpu.dma_semaphore, #tpu.memory_space<semaphore_mem>>
    %dma_start3A_32 = arith.constant 0 : i32
    %dma_start3A_33 = arith.constant 0 : i32
    %dma_start3A_34 = arith.constant 0 : i32
    %dma_start3A_35 = tpu.memref_slice %arg3[%dma_start3A_27, %dma_start3A_28, %dma_start3A_32, %dma_start3A_33, %dma_start3A_34] : memref<8x2x64x2x2048xf32, #tpu.memory_space<vmem>> -> memref<1x1x64x2x2048xf32, #tpu.memory_space<vmem>>
    %dma_start3A_36 = tpu.memref_squeeze %dma_start3A_35 : memref<1x1x64x2x2048xf32, #tpu.memory_space<vmem>> -> memref<64x2x2048xf32, #tpu.memory_space<vmem>>
    %dma_start3A_37 = arith.constant 512 : i32
    %dma_start3A_38 = arith.constant 0 : i32
    %dma_start3A_39 = arith.constant 0 : i32
    %dma_start3A_40 = tpu.memref_slice %arg1[%dma_start3A_37, %dma_start3A_38, %dma_start3A_39] : memref<2048x2x2048xf32, #tpu.memory_space<any>> -> memref<64x2x2048xf32, #tpu.memory_space<any>>
    tpu.enqueue_dma source(%dma_start3A_40 : memref<64x2x2048xf32, #tpu.memory_space<any>>) target(%dma_start3A_36 : memref<64x2x2048xf32, #tpu.memory_space<vmem>>) target_semaphore(%dma_start3A_31 : memref<!tpu.dma_semaphore, #tpu.memory_space<semaphore_mem>>)
    %dma_start3A_41 = arith.constant 3 : i32
    %dma_start3A_42 = arith.constant 0 : i32
    %dma_start3A_43 = arith.constant 3 : i32
    %dma_start3A_44 = tpu.memref_slice %arg4[%dma_start3A_43] : memref<8x!tpu.dma_semaphore, #tpu.memory_space<semaphore_mem>> -> memref<1x!tpu.dma_semaphore, #tpu.memory_space<semaphore_mem>>
    %dma_start3A_45 = tpu.memref_squeeze %dma_start3A_44 : memref<1x!tpu.dma_semaphore, #tpu.memory_space<semaphore_mem>> -> memref<!tpu.dma_semaphore, #tpu.memory_space<semaphore_mem>>
    %dma_start3A_46 = arith.constant 0 : i32
    %dma_start3A_47 = arith.constant 0 : i32
    %dma_start3A_48 = arith.constant 0 : i32
    %dma_start3A_49 = tpu.memref_slice %arg3[%dma_start3A_41, %dma_start3A_42, %dma_start3A_46, %dma_start3A_47, %dma_start3A_48] : memref<8x2x64x2x2048xf32, #tpu.memory_space<vmem>> -> memref<1x1x64x2x2048xf32, #tpu.memory_space<vmem>>
    %dma_start3A_50 = tpu.memref_squeeze %dma_start3A_49 : memref<1x1x64x2x2048xf32, #tpu.memory_space<vmem>> -> memref<64x2x2048xf32, #tpu.memory_space<vmem>>
    %dma_start3A_51 = arith.constant 768 : i32
    %dma_start3A_52 = arith.constant 0 : i32
    %dma_start3A_53 = arith.constant 0 : i32
    %dma_start3A_54 = tpu.memref_slice %arg1[%dma_start3A_51, %dma_start3A_52, %dma_start3A_53] : memref<2048x2x2048xf32, #tpu.memory_space<any>> -> memref<64x2x2048xf32, #tpu.memory_space<any>>
    tpu.enqueue_dma source(%dma_start3A_54 : memref<64x2x2048xf32, #tpu.memory_space<any>>) target(%dma_start3A_50 : memref<64x2x2048xf32, #tpu.memory_space<vmem>>) target_semaphore(%dma_start3A_45 : memref<!tpu.dma_semaphore, #tpu.memory_space<semaphore_mem>>)
    %dma_start3A_55 = arith.constant 4 : i32
    %dma_start3A_56 = arith.constant 0 : i32
    %dma_start3A_57 = arith.constant 4 : i32
    %dma_start3A_58 = tpu.memref_slice %arg4[%dma_start3A_57] : memref<8x!tpu.dma_semaphore, #tpu.memory_space<semaphore_mem>> -> memref<1x!tpu.dma_semaphore, #tpu.memory_space<semaphore_mem>>
    %dma_start3A_59 = tpu.memref_squeeze %dma_start3A_58 : memref<1x!tpu.dma_semaphore, #tpu.memory_space<semaphore_mem>> -> memref<!tpu.dma_semaphore, #tpu.memory_space<semaphore_mem>>
    %dma_start3A_60 = arith.constant 0 : i32
    %dma_start3A_61 = arith.constant 0 : i32
    %dma_start3A_62 = arith.constant 0 : i32
    %dma_start3A_63 = tpu.memref_slice %arg3[%dma_start3A_55, %dma_start3A_56, %dma_start3A_60, %dma_start3A_61, %dma_start3A_62] : memref<8x2x64x2x2048xf32, #tpu.memory_space<vmem>> -> memref<1x1x64x2x2048xf32, #tpu.memory_space<vmem>>
    %dma_start3A_64 = tpu.memref_squeeze %dma_start3A_63 : memref<1x1x64x2x2048xf32, #tpu.memory_space<vmem>> -> memref<64x2x2048xf32, #tpu.memory_space<vmem>>
    %dma_start3A_65 = arith.constant 1024 : i32
    %dma_start3A_66 = arith.constant 0 : i32
    %dma_start3A_67 = arith.constant 0 : i32
    %dma_start3A_68 = tpu.memref_slice %arg1[%dma_start3A_65, %dma_start3A_66, %dma_start3A_67] : memref<2048x2x2048xf32, #tpu.memory_space<any>> -> memref<64x2x2048xf32, #tpu.memory_space<any>>
    tpu.enqueue_dma source(%dma_start3A_68 : memref<64x2x2048xf32, #tpu.memory_space<any>>) target(%dma_start3A_64 : memref<64x2x2048xf32, #tpu.memory_space<vmem>>) target_semaphore(%dma_start3A_59 : memref<!tpu.dma_semaphore, #tpu.memory_space<semaphore_mem>>)
    %dma_start3A_69 = arith.constant 5 : i32
    %dma_start3A_70 = arith.constant 0 : i32
    %dma_start3A_71 = arith.constant 5 : i32
    %dma_start3A_72 = tpu.memref_slice %arg4[%dma_start3A_71] : memref<8x!tpu.dma_semaphore, #tpu.memory_space<semaphore_mem>> -> memref<1x!tpu.dma_semaphore, #tpu.memory_space<semaphore_mem>>
    %dma_start3A_73 = tpu.memref_squeeze %dma_start3A_72 : memref<1x!tpu.dma_semaphore, #tpu.memory_space<semaphore_mem>> -> memref<!tpu.dma_semaphore, #tpu.memory_space<semaphore_mem>>
    %dma_start3A_74 = arith.constant 0 : i32
    %dma_start3A_75 = arith.constant 0 : i32
    %dma_start3A_76 = arith.constant 0 : i32
    %dma_start3A_77 = tpu.memref_slice %arg3[%dma_start3A_69, %dma_start3A_70, %dma_start3A_74, %dma_start3A_75, %dma_start3A_76] : memref<8x2x64x2x2048xf32, #tpu.memory_space<vmem>> -> memref<1x1x64x2x2048xf32, #tpu.memory_space<vmem>>
    %dma_start3A_78 = tpu.memref_squeeze %dma_start3A_77 : memref<1x1x64x2x2048xf32, #tpu.memory_space<vmem>> -> memref<64x2x2048xf32, #tpu.memory_space<vmem>>
    %dma_start3A_79 = arith.constant 1280 : i32
    %dma_start3A_80 = arith.constant 0 : i32
    %dma_start3A_81 = arith.constant 0 : i32
    %dma_start3A_82 = tpu.memref_slice %arg1[%dma_start3A_79, %dma_start3A_80, %dma_start3A_81] : memref<2048x2x2048xf32, #tpu.memory_space<any>> -> memref<64x2x2048xf32, #tpu.memory_space<any>>
    tpu.enqueue_dma source(%dma_start3A_82 : memref<64x2x2048xf32, #tpu.memory_space<any>>) target(%dma_start3A_78 : memref<64x2x2048xf32, #tpu.memory_space<vmem>>) target_semaphore(%dma_start3A_73 : memref<!tpu.dma_semaphore, #tpu.memory_space<semaphore_mem>>)
    %dma_start3A_83 = arith.constant 6 : i32
    %dma_start3A_84 = arith.constant 0 : i32
    %dma_start3A_85 = arith.constant 6 : i32
    %dma_start3A_86 = tpu.memref_slice %arg4[%dma_start3A_85] : memref<8x!tpu.dma_semaphore, #tpu.memory_space<semaphore_mem>> -> memref<1x!tpu.dma_semaphore, #tpu.memory_space<semaphore_mem>>
    %dma_start3A_87 = tpu.memref_squeeze %dma_start3A_86 : memref<1x!tpu.dma_semaphore, #tpu.memory_space<semaphore_mem>> -> memref<!tpu.dma_semaphore, #tpu.memory_space<semaphore_mem>>
    %dma_start3A_88 = arith.constant 0 : i32
    %dma_start3A_89 = arith.constant 0 : i32
    %dma_start3A_90 = arith.constant 0 : i32
    %dma_start3A_91 = tpu.memref_slice %arg3[%dma_start3A_83, %dma_start3A_84, %dma_start3A_88, %dma_start3A_89, %dma_start3A_90] : memref<8x2x64x2x2048xf32, #tpu.memory_space<vmem>> -> memref<1x1x64x2x2048xf32, #tpu.memory_space<vmem>>
    %dma_start3A_92 = tpu.memref_squeeze %dma_start3A_91 : memref<1x1x64x2x2048xf32, #tpu.memory_space<vmem>> -> memref<64x2x2048xf32, #tpu.memory_space<vmem>>
    %dma_start3A_93 = arith.constant 1536 : i32
    %dma_start3A_94 = arith.constant 0 : i32
    %dma_start3A_95 = arith.constant 0 : i32
    %dma_start3A_96 = tpu.memref_slice %arg1[%dma_start3A_93, %dma_start3A_94, %dma_start3A_95] : memref<2048x2x2048xf32, #tpu.memory_space<any>> -> memref<64x2x2048xf32, #tpu.memory_space<any>>
    tpu.enqueue_dma source(%dma_start3A_96 : memref<64x2x2048xf32, #tpu.memory_space<any>>) target(%dma_start3A_92 : memref<64x2x2048xf32, #tpu.memory_space<vmem>>) target_semaphore(%dma_start3A_87 : memref<!tpu.dma_semaphore, #tpu.memory_space<semaphore_mem>>)
    %dma_start3A_97 = arith.constant 7 : i32
    %dma_start3A_98 = arith.constant 0 : i32
    %dma_start3A_99 = arith.constant 7 : i32
    %dma_start3A_100 = tpu.memref_slice %arg4[%dma_start3A_99] : memref<8x!tpu.dma_semaphore, #tpu.memory_space<semaphore_mem>> -> memref<1x!tpu.dma_semaphore, #tpu.memory_space<semaphore_mem>>
    %dma_start3A_101 = tpu.memref_squeeze %dma_start3A_100 : memref<1x!tpu.dma_semaphore, #tpu.memory_space<semaphore_mem>> -> memref<!tpu.dma_semaphore, #tpu.memory_space<semaphore_mem>>
    %dma_start3A_102 = arith.constant 0 : i32
    %dma_start3A_103 = arith.constant 0 : i32
    %dma_start3A_104 = arith.constant 0 : i32
    %dma_start3A_105 = tpu.memref_slice %arg3[%dma_start3A_97, %dma_start3A_98, %dma_start3A_102, %dma_start3A_103, %dma_start3A_104] : memref<8x2x64x2x2048xf32, #tpu.memory_space<vmem>> -> memref<1x1x64x2x2048xf32, #tpu.memory_space<vmem>>
    %dma_start3A_106 = tpu.memref_squeeze %dma_start3A_105 : memref<1x1x64x2x2048xf32, #tpu.memory_space<vmem>> -> memref<64x2x2048xf32, #tpu.memory_space<vmem>>
    %dma_start3A_107 = arith.constant 1792 : i32
    %dma_start3A_108 = arith.constant 0 : i32
    %dma_start3A_109 = arith.constant 0 : i32
    %dma_start3A_110 = tpu.memref_slice %arg1[%dma_start3A_107, %dma_start3A_108, %dma_start3A_109] : memref<2048x2x2048xf32, #tpu.memory_space<any>> -> memref<64x2x2048xf32, #tpu.memory_space<any>>
    tpu.enqueue_dma source(%dma_start3A_110 : memref<64x2x2048xf32, #tpu.memory_space<any>>) target(%dma_start3A_106 : memref<64x2x2048xf32, #tpu.memory_space<vmem>>) target_semaphore(%dma_start3A_101 : memref<!tpu.dma_semaphore, #tpu.memory_space<semaphore_mem>>)
    %dma_wait3A = arith.constant 0 : i32
    %dma_wait3A_111 = arith.constant 0 : i32
    %dma_wait3A_112 = arith.constant 0 : i32
    %dma_wait3A_113 = tpu.memref_slice %arg4[%dma_wait3A_112] : memref<8x!tpu.dma_semaphore, #tpu.memory_space<semaphore_mem>> -> memref<1x!tpu.dma_semaphore, #tpu.memory_space<semaphore_mem>>
    %dma_wait3A_114 = tpu.memref_squeeze %dma_wait3A_113 : memref<1x!tpu.dma_semaphore, #tpu.memory_space<semaphore_mem>> -> memref<!tpu.dma_semaphore, #tpu.memory_space<semaphore_mem>>
    %dma_wait3A_115 = arith.constant 0 : i32
    %dma_wait3A_116 = arith.constant 0 : i32
    %dma_wait3A_117 = arith.constant 0 : i32
    %dma_wait3A_118 = tpu.memref_slice %arg3[%dma_wait3A, %dma_wait3A_111, %dma_wait3A_115, %dma_wait3A_116, %dma_wait3A_117] : memref<8x2x64x2x2048xf32, #tpu.memory_space<vmem>> -> memref<1x1x64x2x2048xf32, #tpu.memory_space<vmem>>
    %dma_wait3A_119 = tpu.memref_squeeze %dma_wait3A_118 : memref<1x1x64x2x2048xf32, #tpu.memory_space<vmem>> -> memref<64x2x2048xf32, #tpu.memory_space<vmem>>
    %dma_wait3A_120 = arith.constant 0 : i32
    %dma_wait3A_121 = arith.constant 0 : i32
    %dma_wait3A_122 = arith.constant 0 : i32
    %dma_wait3A_123 = tpu.memref_slice %arg1[%dma_wait3A_120, %dma_wait3A_121, %dma_wait3A_122] : memref<2048x2x2048xf32, #tpu.memory_space<any>> -> memref<64x2x2048xf32, #tpu.memory_space<any>>
    tpu.wait_dma2 semaphore(%dma_wait3A_114 : memref<!tpu.dma_semaphore, #tpu.memory_space<semaphore_mem>>) src(%dma_wait3A_123 : memref<64x2x2048xf32, #tpu.memory_space<any>>) dst(%dma_wait3A_119 : memref<64x2x2048xf32, #tpu.memory_space<vmem>>)
    %dma_start3A_124 = arith.constant 0 : i32
    %dma_start3A_125 = arith.constant 1 : i32
    %dma_start3A_126 = arith.constant 0 : i32
    %dma_start3A_127 = tpu.memref_slice %arg4[%dma_start3A_126] : memref<8x!tpu.dma_semaphore, #tpu.memory_space<semaphore_mem>> -> memref<1x!tpu.dma_semaphore, #tpu.memory_space<semaphore_mem>>
    %dma_start3A_128 = tpu.memref_squeeze %dma_start3A_127 : memref<1x!tpu.dma_semaphore, #tpu.memory_space<semaphore_mem>> -> memref<!tpu.dma_semaphore, #tpu.memory_space<semaphore_mem>>
    %dma_start3A_129 = arith.constant 0 : i32
    %dma_start3A_130 = arith.constant 0 : i32
    %dma_start3A_131 = arith.constant 0 : i32
    %dma_start3A_132 = tpu.memref_slice %arg3[%dma_start3A_124, %dma_start3A_125, %dma_start3A_129, %dma_start3A_130, %dma_start3A_131] : memref<8x2x64x2x2048xf32, #tpu.memory_space<vmem>> -> memref<1x1x64x2x2048xf32, #tpu.memory_space<vmem>>
    %dma_start3A_133 = tpu.memref_squeeze %dma_start3A_132 : memref<1x1x64x2x2048xf32, #tpu.memory_space<vmem>> -> memref<64x2x2048xf32, #tpu.memory_space<vmem>>
    %dma_start3A_134 = arith.constant 64 : i32
    %dma_start3A_135 = arith.constant 0 : i32
    %dma_start3A_136 = arith.constant 0 : i32
    %dma_start3A_137 = tpu.memref_slice %arg1[%dma_start3A_134, %dma_start3A_135, %dma_start3A_136] : memref<2048x2x2048xf32, #tpu.memory_space<any>> -> memref<64x2x2048xf32, #tpu.memory_space<any>>
    tpu.enqueue_dma source(%dma_start3A_137 : memref<64x2x2048xf32, #tpu.memory_space<any>>) target(%dma_start3A_133 : memref<64x2x2048xf32, #tpu.memory_space<vmem>>) target_semaphore(%dma_start3A_128 : memref<!tpu.dma_semaphore, #tpu.memory_space<semaphore_mem>>)
    %dma_start3A_138 = arith.constant 0 : i32
    %dma_start3A_139 = arith.constant 0 : i32
    %dma_start3A_140 = arith.constant 0 : i32
    %dma_start3A_141 = tpu.memref_slice %arg5[%dma_start3A_140] : memref<8x!tpu.dma_semaphore, #tpu.memory_space<semaphore_mem>> -> memref<1x!tpu.dma_semaphore, #tpu.memory_space<semaphore_mem>>
    %dma_start3A_142 = tpu.memref_squeeze %dma_start3A_141 : memref<1x!tpu.dma_semaphore, #tpu.memory_space<semaphore_mem>> -> memref<!tpu.dma_semaphore, #tpu.memory_space<semaphore_mem>>
    %dma_start3A_143 = arith.constant 0 : i32
    %dma_start3A_144 = arith.constant 0 : i32
    %dma_start3A_145 = arith.constant 0 : i32
    %dma_start3A_146 = tpu.memref_slice %arg2[%dma_start3A_143, %dma_start3A_144, %dma_start3A_145] : memref<2048x2x2048xf32, #tpu.memory_space<any>> -> memref<64x2x2048xf32, #tpu.memory_space<any>>
    %dma_start3A_147 = arith.constant 0 : i32
    %dma_start3A_148 = arith.constant 0 : i32
    %dma_start3A_149 = arith.constant 0 : i32
    %dma_start3A_150 = tpu.memref_slice %arg3[%dma_start3A_138, %dma_start3A_139, %dma_start3A_147, %dma_start3A_148, %dma_start3A_149] : memref<8x2x64x2x2048xf32, #tpu.memory_space<vmem>> -> memref<1x1x64x2x2048xf32, #tpu.memory_space<vmem>>
    %dma_start3A_151 = tpu.memref_squeeze %dma_start3A_150 : memref<1x1x64x2x2048xf32, #tpu.memory_space<vmem>> -> memref<64x2x2048xf32, #tpu.memory_space<vmem>>
    tpu.enqueue_dma source(%dma_start3A_151 : memref<64x2x2048xf32, #tpu.memory_space<vmem>>) target(%dma_start3A_146 : memref<64x2x2048xf32, #tpu.memory_space<any>>) target_semaphore(%dma_start3A_142 : memref<!tpu.dma_semaphore, #tpu.memory_space<semaphore_mem>>)
    %dma_wait3A_152 = arith.constant 1 : i32
    %dma_wait3A_153 = arith.constant 0 : i32
    %dma_wait3A_154 = arith.constant 1 : i32
    %dma_wait3A_155 = tpu.memref_slice %arg4[%dma_wait3A_154] : memref<8x!tpu.dma_semaphore, #tpu.memory_space<semaphore_mem>> -> memref<1x!tpu.dma_semaphore, #tpu.memory_space<semaphore_mem>>
    %dma_wait3A_156 = tpu.memref_squeeze %dma_wait3A_155 : memref<1x!tpu.dma_semaphore, #tpu.memory_space<semaphore_mem>> -> memref<!tpu.dma_semaphore, #tpu.memory_space<semaphore_mem>>
    %dma_wait3A_157 = arith.constant 0 : i32
    %dma_wait3A_158 = arith.constant 0 : i32
    %dma_wait3A_159 = arith.constant 0 : i32
    %dma_wait3A_160 = tpu.memref_slice %arg3[%dma_wait3A_152, %dma_wait3A_153, %dma_wait3A_157, %dma_wait3A_158, %dma_wait3A_159] : memref<8x2x64x2x2048xf32, #tpu.memory_space<vmem>> -> memref<1x1x64x2x2048xf32, #tpu.memory_space<vmem>>
    %dma_wait3A_161 = tpu.memref_squeeze %dma_wait3A_160 : memref<1x1x64x2x2048xf32, #tpu.memory_space<vmem>> -> memref<64x2x2048xf32, #tpu.memory_space<vmem>>
    %dma_wait3A_162 = arith.constant 256 : i32
    %dma_wait3A_163 = arith.constant 0 : i32
    %dma_wait3A_164 = arith.constant 0 : i32
    %dma_wait3A_165 = tpu.memref_slice %arg1[%dma_wait3A_162, %dma_wait3A_163, %dma_wait3A_164] : memref<2048x2x2048xf32, #tpu.memory_space<any>> -> memref<64x2x2048xf32, #tpu.memory_space<any>>
    tpu.wait_dma2 semaphore(%dma_wait3A_156 : memref<!tpu.dma_semaphore, #tpu.memory_space<semaphore_mem>>) src(%dma_wait3A_165 : memref<64x2x2048xf32, #tpu.memory_space<any>>) dst(%dma_wait3A_161 : memref<64x2x2048xf32, #tpu.memory_space<vmem>>)
    %dma_start3A_166 = arith.constant 1 : i32
    %dma_start3A_167 = arith.constant 1 : i32
    %dma_start3A_168 = arith.constant 1 : i32
    %dma_start3A_169 = tpu.memref_slice %arg4[%dma_start3A_168] : memref<8x!tpu.dma_semaphore, #tpu.memory_space<semaphore_mem>> -> memref<1x!tpu.dma_semaphore, #tpu.memory_space<semaphore_mem>>
    %dma_start3A_170 = tpu.memref_squeeze %dma_start3A_169 : memref<1x!tpu.dma_semaphore, #tpu.memory_space<semaphore_mem>> -> memref<!tpu.dma_semaphore, #tpu.memory_space<semaphore_mem>>
    %dma_start3A_171 = arith.constant 0 : i32
    %dma_start3A_172 = arith.constant 0 : i32
    %dma_start3A_173 = arith.constant 0 : i32
    %dma_start3A_174 = tpu.memref_slice %arg3[%dma_start3A_166, %dma_start3A_167, %dma_start3A_171, %dma_start3A_172, %dma_start3A_173] : memref<8x2x64x2x2048xf32, #tpu.memory_space<vmem>> -> memref<1x1x64x2x2048xf32, #tpu.memory_space<vmem>>
    %dma_start3A_175 = tpu.memref_squeeze %dma_start3A_174 : memref<1x1x64x2x2048xf32, #tpu.memory_space<vmem>> -> memref<64x2x2048xf32, #tpu.memory_space<vmem>>
    %dma_start3A_176 = arith.constant 320 : i32
    %dma_start3A_177 = arith.constant 0 : i32
    %dma_start3A_178 = arith.constant 0 : i32
    %dma_start3A_179 = tpu.memref_slice %arg1[%dma_start3A_176, %dma_start3A_177, %dma_start3A_178] : memref<2048x2x2048xf32, #tpu.memory_space<any>> -> memref<64x2x2048xf32, #tpu.memory_space<any>>
    tpu.enqueue_dma source(%dma_start3A_179 : memref<64x2x2048xf32, #tpu.memory_space<any>>) target(%dma_start3A_175 : memref<64x2x2048xf32, #tpu.memory_space<vmem>>) target_semaphore(%dma_start3A_170 : memref<!tpu.dma_semaphore, #tpu.memory_space<semaphore_mem>>)
    %dma_start3A_180 = arith.constant 1 : i32
    %dma_start3A_181 = arith.constant 0 : i32
    %dma_start3A_182 = arith.constant 1 : i32
    %dma_start3A_183 = tpu.memref_slice %arg5[%dma_start3A_182] : memref<8x!tpu.dma_semaphore, #tpu.memory_space<semaphore_mem>> -> memref<1x!tpu.dma_semaphore, #tpu.memory_space<semaphore_mem>>
    %dma_start3A_184 = tpu.memref_squeeze %dma_start3A_183 : memref<1x!tpu.dma_semaphore, #tpu.memory_space<semaphore_mem>> -> memref<!tpu.dma_semaphore, #tpu.memory_space<semaphore_mem>>
    %dma_start3A_185 = arith.constant 256 : i32
    %dma_start3A_186 = arith.constant 0 : i32
    %dma_start3A_187 = arith.constant 0 : i32
    %dma_start3A_188 = tpu.memref_slice %arg2[%dma_start3A_185, %dma_start3A_186, %dma_start3A_187] : memref<2048x2x2048xf32, #tpu.memory_space<any>> -> memref<64x2x2048xf32, #tpu.memory_space<any>>
    %dma_start3A_189 = arith.constant 0 : i32
    %dma_start3A_190 = arith.constant 0 : i32
    %dma_start3A_191 = arith.constant 0 : i32
    %dma_start3A_192 = tpu.memref_slice %arg3[%dma_start3A_180, %dma_start3A_181, %dma_start3A_189, %dma_start3A_190, %dma_start3A_191] : memref<8x2x64x2x2048xf32, #tpu.memory_space<vmem>> -> memref<1x1x64x2x2048xf32, #tpu.memory_space<vmem>>
    %dma_start3A_193 = tpu.memref_squeeze %dma_start3A_192 : memref<1x1x64x2x2048xf32, #tpu.memory_space<vmem>> -> memref<64x2x2048xf32, #tpu.memory_space<vmem>>
    tpu.enqueue_dma source(%dma_start3A_193 : memref<64x2x2048xf32, #tpu.memory_space<vmem>>) target(%dma_start3A_188 : memref<64x2x2048xf32, #tpu.memory_space<any>>) target_semaphore(%dma_start3A_184 : memref<!tpu.dma_semaphore, #tpu.memory_space<semaphore_mem>>)
    %dma_wait3A_194 = arith.constant 2 : i32
    %dma_wait3A_195 = arith.constant 0 : i32
    %dma_wait3A_196 = arith.constant 2 : i32
    %dma_wait3A_197 = tpu.memref_slice %arg4[%dma_wait3A_196] : memref<8x!tpu.dma_semaphore, #tpu.memory_space<semaphore_mem>> -> memref<1x!tpu.dma_semaphore, #tpu.memory_space<semaphore_mem>>
    %dma_wait3A_198 = tpu.memref_squeeze %dma_wait3A_197 : memref<1x!tpu.dma_semaphore, #tpu.memory_space<semaphore_mem>> -> memref<!tpu.dma_semaphore, #tpu.memory_space<semaphore_mem>>
    %dma_wait3A_199 = arith.constant 0 : i32
    %dma_wait3A_200 = arith.constant 0 : i32
    %dma_wait3A_201 = arith.constant 0 : i32
    %dma_wait3A_202 = tpu.memref_slice %arg3[%dma_wait3A_194, %dma_wait3A_195, %dma_wait3A_199, %dma_wait3A_200, %dma_wait3A_201] : memref<8x2x64x2x2048xf32, #tpu.memory_space<vmem>> -> memref<1x1x64x2x2048xf32, #tpu.memory_space<vmem>>
    %dma_wait3A_203 = tpu.memref_squeeze %dma_wait3A_202 : memref<1x1x64x2x2048xf32, #tpu.memory_space<vmem>> -> memref<64x2x2048xf32, #tpu.memory_space<vmem>>
    %dma_wait3A_204 = arith.constant 512 : i32
    %dma_wait3A_205 = arith.constant 0 : i32
    %dma_wait3A_206 = arith.constant 0 : i32
    %dma_wait3A_207 = tpu.memref_slice %arg1[%dma_wait3A_204, %dma_wait3A_205, %dma_wait3A_206] : memref<2048x2x2048xf32, #tpu.memory_space<any>> -> memref<64x2x2048xf32, #tpu.memory_space<any>>
    tpu.wait_dma2 semaphore(%dma_wait3A_198 : memref<!tpu.dma_semaphore, #tpu.memory_space<semaphore_mem>>) src(%dma_wait3A_207 : memref<64x2x2048xf32, #tpu.memory_space<any>>) dst(%dma_wait3A_203 : memref<64x2x2048xf32, #tpu.memory_space<vmem>>)
    %dma_start3A_208 = arith.constant 2 : i32
    %dma_start3A_209 = arith.constant 1 : i32
    %dma_start3A_210 = arith.constant 2 : i32
    %dma_start3A_211 = tpu.memref_slice %arg4[%dma_start3A_210] : memref<8x!tpu.dma_semaphore, #tpu.memory_space<semaphore_mem>> -> memref<1x!tpu.dma_semaphore, #tpu.memory_space<semaphore_mem>>
    %dma_start3A_212 = tpu.memref_squeeze %dma_start3A_211 : memref<1x!tpu.dma_semaphore, #tpu.memory_space<semaphore_mem>> -> memref<!tpu.dma_semaphore, #tpu.memory_space<semaphore_mem>>
    %dma_start3A_213 = arith.constant 0 : i32
    %dma_start3A_214 = arith.constant 0 : i32
    %dma_start3A_215 = arith.constant 0 : i32
    %dma_start3A_216 = tpu.memref_slice %arg3[%dma_start3A_208, %dma_start3A_209, %dma_start3A_213, %dma_start3A_214, %dma_start3A_215] : memref<8x2x64x2x2048xf32, #tpu.memory_space<vmem>> -> memref<1x1x64x2x2048xf32, #tpu.memory_space<vmem>>
    %dma_start3A_217 = tpu.memref_squeeze %dma_start3A_216 : memref<1x1x64x2x2048xf32, #tpu.memory_space<vmem>> -> memref<64x2x2048xf32, #tpu.memory_space<vmem>>
    %dma_start3A_218 = arith.constant 576 : i32
    %dma_start3A_219 = arith.constant 0 : i32
    %dma_start3A_220 = arith.constant 0 : i32
    %dma_start3A_221 = tpu.memref_slice %arg1[%dma_start3A_218, %dma_start3A_219, %dma_start3A_220] : memref<2048x2x2048xf32, #tpu.memory_space<any>> -> memref<64x2x2048xf32, #tpu.memory_space<any>>
    tpu.enqueue_dma source(%dma_start3A_221 : memref<64x2x2048xf32, #tpu.memory_space<any>>) target(%dma_start3A_217 : memref<64x2x2048xf32, #tpu.memory_space<vmem>>) target_semaphore(%dma_start3A_212 : memref<!tpu.dma_semaphore, #tpu.memory_space<semaphore_mem>>)
    %dma_start3A_222 = arith.constant 2 : i32
    %dma_start3A_223 = arith.constant 0 : i32
    %dma_start3A_224 = arith.constant 2 : i32
    %dma_start3A_225 = tpu.memref_slice %arg5[%dma_start3A_224] : memref<8x!tpu.dma_semaphore, #tpu.memory_space<semaphore_mem>> -> memref<1x!tpu.dma_semaphore, #tpu.memory_space<semaphore_mem>>
    %dma_start3A_226 = tpu.memref_squeeze %dma_start3A_225 : memref<1x!tpu.dma_semaphore, #tpu.memory_space<semaphore_mem>> -> memref<!tpu.dma_semaphore, #tpu.memory_space<semaphore_mem>>
    %dma_start3A_227 = arith.constant 512 : i32
    %dma_start3A_228 = arith.constant 0 : i32
    %dma_start3A_229 = arith.constant 0 : i32
    %dma_start3A_230 = tpu.memref_slice %arg2[%dma_start3A_227, %dma_start3A_228, %dma_start3A_229] : memref<2048x2x2048xf32, #tpu.memory_space<any>> -> memref<64x2x2048xf32, #tpu.memory_space<any>>
    %dma_start3A_231 = arith.constant 0 : i32
    %dma_start3A_232 = arith.constant 0 : i32
    %dma_start3A_233 = arith.constant 0 : i32
    %dma_start3A_234 = tpu.memref_slice %arg3[%dma_start3A_222, %dma_start3A_223, %dma_start3A_231, %dma_start3A_232, %dma_start3A_233] : memref<8x2x64x2x2048xf32, #tpu.memory_space<vmem>> -> memref<1x1x64x2x2048xf32, #tpu.memory_space<vmem>>
    %dma_start3A_235 = tpu.memref_squeeze %dma_start3A_234 : memref<1x1x64x2x2048xf32, #tpu.memory_space<vmem>> -> memref<64x2x2048xf32, #tpu.memory_space<vmem>>
    tpu.enqueue_dma source(%dma_start3A_235 : memref<64x2x2048xf32, #tpu.memory_space<vmem>>) target(%dma_start3A_230 : memref<64x2x2048xf32, #tpu.memory_space<any>>) target_semaphore(%dma_start3A_226 : memref<!tpu.dma_semaphore, #tpu.memory_space<semaphore_mem>>)
    %dma_wait3A_236 = arith.constant 3 : i32
    %dma_wait3A_237 = arith.constant 0 : i32
    %dma_wait3A_238 = arith.constant 3 : i32
    %dma_wait3A_239 = tpu.memref_slice %arg4[%dma_wait3A_238] : memref<8x!tpu.dma_semaphore, #tpu.memory_space<semaphore_mem>> -> memref<1x!tpu.dma_semaphore, #tpu.memory_space<semaphore_mem>>
    %dma_wait3A_240 = tpu.memref_squeeze %dma_wait3A_239 : memref<1x!tpu.dma_semaphore, #tpu.memory_space<semaphore_mem>> -> memref<!tpu.dma_semaphore, #tpu.memory_space<semaphore_mem>>
    %dma_wait3A_241 = arith.constant 0 : i32
    %dma_wait3A_242 = arith.constant 0 : i32
    %dma_wait3A_243 = arith.constant 0 : i32
    %dma_wait3A_244 = tpu.memref_slice %arg3[%dma_wait3A_236, %dma_wait3A_237, %dma_wait3A_241, %dma_wait3A_242, %dma_wait3A_243] : memref<8x2x64x2x2048xf32, #tpu.memory_space<vmem>> -> memref<1x1x64x2x2048xf32, #tpu.memory_space<vmem>>
    %dma_wait3A_245 = tpu.memref_squeeze %dma_wait3A_244 : memref<1x1x64x2x2048xf32, #tpu.memory_space<vmem>> -> memref<64x2x2048xf32, #tpu.memory_space<vmem>>
    %dma_wait3A_246 = arith.constant 768 : i32
    %dma_wait3A_247 = arith.constant 0 : i32
    %dma_wait3A_248 = arith.constant 0 : i32
    %dma_wait3A_249 = tpu.memref_slice %arg1[%dma_wait3A_246, %dma_wait3A_247, %dma_wait3A_248] : memref<2048x2x2048xf32, #tpu.memory_space<any>> -> memref<64x2x2048xf32, #tpu.memory_space<any>>
    tpu.wait_dma2 semaphore(%dma_wait3A_240 : memref<!tpu.dma_semaphore, #tpu.memory_space<semaphore_mem>>) src(%dma_wait3A_249 : memref<64x2x2048xf32, #tpu.memory_space<any>>) dst(%dma_wait3A_245 : memref<64x2x2048xf32, #tpu.memory_space<vmem>>)
    %get3A = arith.constant 3 : index
    %get3A_250 = arith.constant 0 : index
    %get3A_251 = arith.constant 0 : index
    %get3A_252 = arith.constant 0 : index
    %get3A_253 = arith.constant 896 : index
    %get3A_254 = vector.load %arg3[%get3A, %get3A_250, %get3A_251, %get3A_252, %get3A_253] : memref<8x2x64x2x2048xf32, #tpu.memory_space<vmem>>, vector<1x1x64x2x256xf32>
    %get3A_255 = vector.shape_cast %get3A_254 : vector<1x1x64x2x256xf32> to vector<64x2x256xf32>
    %get3A_256 = arith.constant 0 : index
    %get3A_257 = arith.constant 0 : index
    %get3A_258 = arith.constant 0 : index
    %get3A_259 = vector.load %arg0[%get3A_256, %get3A_257, %get3A_258] : memref<256x2x256xf32, #tpu.memory_space<vmem>>, vector<64x2x256xf32>
    %gt3A = arith.constant 5.000000e-01 : f32
    %gt3A_260 = vector.broadcast %gt3A : f32 to vector<64x2x256xf32>
    %gt3A_261 = arith.cmpf ogt, %get3A_255, %gt3A_260 : vector<64x2x256xf32>
    %gt3A_262 = arith.constant 5.000000e-01 : f32
    %gt3A_263 = vector.broadcast %gt3A_262 : f32 to vector<64x2x256xf32>
    %gt3A_264 = arith.cmpf ogt, %get3A_259, %gt3A_263 : vector<64x2x256xf32>
    %or3A = arith.ori %gt3A_261, %gt3A_264 : vector<64x2x256xi1>
    %jit3A = arith.constant 1.000000e+00 : f32
    %jit3A_265 = arith.constant 0.000000e+00 : f32
    %broadcast_in_dim3A = vector.broadcast %jit3A : f32 to vector<64x2x256xf32>
    %broadcast_in_dim3A_266 = vector.broadcast %jit3A_265 : f32 to vector<64x2x256xf32>
    %select_n3A = arith.select %or3A, %broadcast_in_dim3A, %broadcast_in_dim3A_266 : vector<64x2x256xi1>, vector<64x2x256xf32>
    %swap3A = arith.constant 3 : index
    %swap3A_267 = arith.constant 0 : index
    %swap3A_268 = arith.constant 0 : index
    %swap3A_269 = arith.constant 0 : index
    %swap3A_270 = arith.constant 896 : index
    %swap3A_271 = vector.load %arg3[%swap3A, %swap3A_267, %swap3A_268, %swap3A_269, %swap3A_270] : memref<8x2x64x2x2048xf32, #tpu.memory_space<vmem>>, vector<1x1x64x2x256xf32>
    %swap3A_272 = vector.shape_cast %swap3A_271 : vector<1x1x64x2x256xf32> to vector<64x2x256xf32>
    %swap3A_273 = vector.shape_cast %select_n3A : vector<64x2x256xf32> to vector<1x1x64x2x256xf32>
    tpu.vector_store %arg3[%swap3A, %swap3A_267, %swap3A_268, %swap3A_269, %swap3A_270], %swap3A_273 {strides = array<i32>} : memref<8x2x64x2x2048xf32, #tpu.memory_space<vmem>>, vector<1x1x64x2x256xf32>,
    %dma_start3A_274 = arith.constant 3 : i32
    %dma_start3A_275 = arith.constant 1 : i32
    %dma_start3A_276 = arith.constant 3 : i32
    %dma_start3A_277 = tpu.memref_slice %arg4[%dma_start3A_276] : memref<8x!tpu.dma_semaphore, #tpu.memory_space<semaphore_mem>> -> memref<1x!tpu.dma_semaphore, #tpu.memory_space<semaphore_mem>>
    %dma_start3A_278 = tpu.memref_squeeze %dma_start3A_277 : memref<1x!tpu.dma_semaphore, #tpu.memory_space<semaphore_mem>> -> memref<!tpu.dma_semaphore, #tpu.memory_space<semaphore_mem>>
    %dma_start3A_279 = arith.constant 0 : i32
    %dma_start3A_280 = arith.constant 0 : i32
    %dma_start3A_281 = arith.constant 0 : i32
    %dma_start3A_282 = tpu.memref_slice %arg3[%dma_start3A_274, %dma_start3A_275, %dma_start3A_279, %dma_start3A_280, %dma_start3A_281] : memref<8x2x64x2x2048xf32, #tpu.memory_space<vmem>> -> memref<1x1x64x2x2048xf32, #tpu.memory_space<vmem>>
    %dma_start3A_283 = tpu.memref_squeeze %dma_start3A_282 : memref<1x1x64x2x2048xf32, #tpu.memory_space<vmem>> -> memref<64x2x2048xf32, #tpu.memory_space<vmem>>
    %dma_start3A_284 = arith.constant 832 : i32
    %dma_start3A_285 = arith.constant 0 : i32
    %dma_start3A_286 = arith.constant 0 : i32
    %dma_start3A_287 = tpu.memref_slice %arg1[%dma_start3A_284, %dma_start3A_285, %dma_start3A_286] : memref<2048x2x2048xf32, #tpu.memory_space<any>> -> memref<64x2x2048xf32, #tpu.memory_space<any>>
    tpu.enqueue_dma source(%dma_start3A_287 : memref<64x2x2048xf32, #tpu.memory_space<any>>) target(%dma_start3A_283 : memref<64x2x2048xf32, #tpu.memory_space<vmem>>) target_semaphore(%dma_start3A_278 : memref<!tpu.dma_semaphore, #tpu.memory_space<semaphore_mem>>)
    %dma_start3A_288 = arith.constant 3 : i32
    %dma_start3A_289 = arith.constant 0 : i32
    %dma_start3A_290 = arith.constant 3 : i32
    %dma_start3A_291 = tpu.memref_slice %arg5[%dma_start3A_290] : memref<8x!tpu.dma_semaphore, #tpu.memory_space<semaphore_mem>> -> memref<1x!tpu.dma_semaphore, #tpu.memory_space<semaphore_mem>>
    %dma_start3A_292 = tpu.memref_squeeze %dma_start3A_291 : memref<1x!tpu.dma_semaphore, #tpu.memory_space<semaphore_mem>> -> memref<!tpu.dma_semaphore, #tpu.memory_space<semaphore_mem>>
    %dma_start3A_293 = arith.constant 768 : i32
    %dma_start3A_294 = arith.constant 0 : i32
    %dma_start3A_295 = arith.constant 0 : i32
    %dma_start3A_296 = tpu.memref_slice %arg2[%dma_start3A_293, %dma_start3A_294, %dma_start3A_295] : memref<2048x2x2048xf32, #tpu.memory_space<any>> -> memref<64x2x2048xf32, #tpu.memory_space<any>>
    %dma_start3A_297 = arith.constant 0 : i32
    %dma_start3A_298 = arith.constant 0 : i32
    %dma_start3A_299 = arith.constant 0 : i32
    %dma_start3A_300 = tpu.memref_slice %arg3[%dma_start3A_288, %dma_start3A_289, %dma_start3A_297, %dma_start3A_298, %dma_start3A_299] : memref<8x2x64x2x2048xf32, #tpu.memory_space<vmem>> -> memref<1x1x64x2x2048xf32, #tpu.memory_space<vmem>>
    %dma_start3A_301 = tpu.memref_squeeze %dma_start3A_300 : memref<1x1x64x2x2048xf32, #tpu.memory_space<vmem>> -> memref<64x2x2048xf32, #tpu.memory_space<vmem>>
    tpu.enqueue_dma source(%dma_start3A_301 : memref<64x2x2048xf32, #tpu.memory_space<vmem>>) target(%dma_start3A_296 : memref<64x2x2048xf32, #tpu.memory_space<any>>) target_semaphore(%dma_start3A_292 : memref<!tpu.dma_semaphore, #tpu.memory_space<semaphore_mem>>)
    %dma_wait3A_302 = arith.constant 4 : i32
    %dma_wait3A_303 = arith.constant 0 : i32
    %dma_wait3A_304 = arith.constant 4 : i32
    %dma_wait3A_305 = tpu.memref_slice %arg4[%dma_wait3A_304] : memref<8x!tpu.dma_semaphore, #tpu.memory_space<semaphore_mem>> -> memref<1x!tpu.dma_semaphore, #tpu.memory_space<semaphore_mem>>
    %dma_wait3A_306 = tpu.memref_squeeze %dma_wait3A_305 : memref<1x!tpu.dma_semaphore, #tpu.memory_space<semaphore_mem>> -> memref<!tpu.dma_semaphore, #tpu.memory_space<semaphore_mem>>
    %dma_wait3A_307 = arith.constant 0 : i32
    %dma_wait3A_308 = arith.constant 0 : i32
    %dma_wait3A_309 = arith.constant 0 : i32
    %dma_wait3A_310 = tpu.memref_slice %arg3[%dma_wait3A_302, %dma_wait3A_303, %dma_wait3A_307, %dma_wait3A_308, %dma_wait3A_309] : memref<8x2x64x2x2048xf32, #tpu.memory_space<vmem>> -> memref<1x1x64x2x2048xf32, #tpu.memory_space<vmem>>
    %dma_wait3A_311 = tpu.memref_squeeze %dma_wait3A_310 : memref<1x1x64x2x2048xf32, #tpu.memory_space<vmem>> -> memref<64x2x2048xf32, #tpu.memory_space<vmem>>
    %dma_wait3A_312 = arith.constant 1024 : i32
    %dma_wait3A_313 = arith.constant 0 : i32
    %dma_wait3A_314 = arith.constant 0 : i32
    %dma_wait3A_315 = tpu.memref_slice %arg1[%dma_wait3A_312, %dma_wait3A_313, %dma_wait3A_314] : memref<2048x2x2048xf32, #tpu.memory_space<any>> -> memref<64x2x2048xf32, #tpu.memory_space<any>>
    tpu.wait_dma2 semaphore(%dma_wait3A_306 : memref<!tpu.dma_semaphore, #tpu.memory_space<semaphore_mem>>) src(%dma_wait3A_315 : memref<64x2x2048xf32, #tpu.memory_space<any>>) dst(%dma_wait3A_311 : memref<64x2x2048xf32, #tpu.memory_space<vmem>>)
    %dma_start3A_316 = arith.constant 4 : i32
    %dma_start3A_317 = arith.constant 1 : i32
    %dma_start3A_318 = arith.constant 4 : i32
    %dma_start3A_319 = tpu.memref_slice %arg4[%dma_start3A_318] : memref<8x!tpu.dma_semaphore, #tpu.memory_space<semaphore_mem>> -> memref<1x!tpu.dma_semaphore, #tpu.memory_space<semaphore_mem>>
    %dma_start3A_320 = tpu.memref_squeeze %dma_start3A_319 : memref<1x!tpu.dma_semaphore, #tpu.memory_space<semaphore_mem>> -> memref<!tpu.dma_semaphore, #tpu.memory_space<semaphore_mem>>
    %dma_start3A_321 = arith.constant 0 : i32
    %dma_start3A_322 = arith.constant 0 : i32
    %dma_start3A_323 = arith.constant 0 : i32
    %dma_start3A_324 = tpu.memref_slice %arg3[%dma_start3A_316, %dma_start3A_317, %dma_start3A_321, %dma_start3A_322, %dma_start3A_323] : memref<8x2x64x2x2048xf32, #tpu.memory_space<vmem>> -> memref<1x1x64x2x2048xf32, #tpu.memory_space<vmem>>
    %dma_start3A_325 = tpu.memref_squeeze %dma_start3A_324 : memref<1x1x64x2x2048xf32, #tpu.memory_space<vmem>> -> memref<64x2x2048xf32, #tpu.memory_space<vmem>>
    %dma_start3A_326 = arith.constant 1088 : i32
    %dma_start3A_327 = arith.constant 0 : i32
    %dma_start3A_328 = arith.constant 0 : i32
    %dma_start3A_329 = tpu.memref_slice %arg1[%dma_start3A_326, %dma_start3A_327, %dma_start3A_328] : memref<2048x2x2048xf32, #tpu.memory_space<any>> -> memref<64x2x2048xf32, #tpu.memory_space<any>>
    tpu.enqueue_dma source(%dma_start3A_329 : memref<64x2x2048xf32, #tpu.memory_space<any>>) target(%dma_start3A_325 : memref<64x2x2048xf32, #tpu.memory_space<vmem>>) target_semaphore(%dma_start3A_320 : memref<!tpu.dma_semaphore, #tpu.memory_space<semaphore_mem>>)
    %dma_start3A_330 = arith.constant 4 : i32
    %dma_start3A_331 = arith.constant 0 : i32
    %dma_start3A_332 = arith.constant 4 : i32
    %dma_start3A_333 = tpu.memref_slice %arg5[%dma_start3A_332] : memref<8x!tpu.dma_semaphore, #tpu.memory_space<semaphore_mem>> -> memref<1x!tpu.dma_semaphore, #tpu.memory_space<semaphore_mem>>
    %dma_start3A_334 = tpu.memref_squeeze %dma_start3A_333 : memref<1x!tpu.dma_semaphore, #tpu.memory_space<semaphore_mem>> -> memref<!tpu.dma_semaphore, #tpu.memory_space<semaphore_mem>>
    %dma_start3A_335 = arith.constant 1024 : i32
    %dma_start3A_336 = arith.constant 0 : i32
    %dma_start3A_337 = arith.constant 0 : i32
    %dma_start3A_338 = tpu.memref_slice %arg2[%dma_start3A_335, %dma_start3A_336, %dma_start3A_337] : memref<2048x2x2048xf32, #tpu.memory_space<any>> -> memref<64x2x2048xf32, #tpu.memory_space<any>>
    %dma_start3A_339 = arith.constant 0 : i32
    %dma_start3A_340 = arith.constant 0 : i32
    %dma_start3A_341 = arith.constant 0 : i32
    %dma_start3A_342 = tpu.memref_slice %arg3[%dma_start3A_330, %dma_start3A_331, %dma_start3A_339, %dma_start3A_340, %dma_start3A_341] : memref<8x2x64x2x2048xf32, #tpu.memory_space<vmem>> -> memref<1x1x64x2x2048xf32, #tpu.memory_space<vmem>>
    %dma_start3A_343 = tpu.memref_squeeze %dma_start3A_342 : memref<1x1x64x2x2048xf32, #tpu.memory_space<vmem>> -> memref<64x2x2048xf32, #tpu.memory_space<vmem>>
    tpu.enqueue_dma source(%dma_start3A_343 : memref<64x2x2048xf32, #tpu.memory_space<vmem>>) target(%dma_start3A_338 : memref<64x2x2048xf32, #tpu.memory_space<any>>) target_semaphore(%dma_start3A_334 : memref<!tpu.dma_semaphore, #tpu.memory_space<semaphore_mem>>)
    %dma_wait3A_344 = arith.constant 5 : i32
    %dma_wait3A_345 = arith.constant 0 : i32
    %dma_wait3A_346 = arith.constant 5 : i32
    %dma_wait3A_347 = tpu.memref_slice %arg4[%dma_wait3A_346] : memref<8x!tpu.dma_semaphore, #tpu.memory_space<semaphore_mem>> -> memref<1x!tpu.dma_semaphore, #tpu.memory_space<semaphore_mem>>
    %dma_wait3A_348 = tpu.memref_squeeze %dma_wait3A_347 : memref<1x!tpu.dma_semaphore, #tpu.memory_space<semaphore_mem>> -> memref<!tpu.dma_semaphore, #tpu.memory_space<semaphore_mem>>
    %dma_wait3A_349 = arith.constant 0 : i32
    %dma_wait3A_350 = arith.constant 0 : i32
    %dma_wait3A_351 = arith.constant 0 : i32
    %dma_wait3A_352 = tpu.memref_slice %arg3[%dma_wait3A_344, %dma_wait3A_345, %dma_wait3A_349, %dma_wait3A_350, %dma_wait3A_351] : memref<8x2x64x2x2048xf32, #tpu.memory_space<vmem>> -> memref<1x1x64x2x2048xf32, #tpu.memory_space<vmem>>
    %dma_wait3A_353 = tpu.memref_squeeze %dma_wait3A_352 : memref<1x1x64x2x2048xf32, #tpu.memory_space<vmem>> -> memref<64x2x2048xf32, #tpu.memory_space<vmem>>
    %dma_wait3A_354 = arith.constant 1280 : i32
    %dma_wait3A_355 = arith.constant 0 : i32
    %dma_wait3A_356 = arith.constant 0 : i32
    %dma_wait3A_357 = tpu.memref_slice %arg1[%dma_wait3A_354, %dma_wait3A_355, %dma_wait3A_356] : memref<2048x2x2048xf32, #tpu.memory_space<any>> -> memref<64x2x2048xf32, #tpu.memory_space<any>>
    tpu.wait_dma2 semaphore(%dma_wait3A_348 : memref<!tpu.dma_semaphore, #tpu.memory_space<semaphore_mem>>) src(%dma_wait3A_357 : memref<64x2x2048xf32, #tpu.memory_space<any>>) dst(%dma_wait3A_353 : memref<64x2x2048xf32, #tpu.memory_space<vmem>>)
    %dma_start3A_358 = arith.constant 5 : i32
    %dma_start3A_359 = arith.constant 1 : i32
    %dma_start3A_360 = arith.constant 5 : i32
    %dma_start3A_361 = tpu.memref_slice %arg4[%dma_start3A_360] : memref<8x!tpu.dma_semaphore, #tpu.memory_space<semaphore_mem>> -> memref<1x!tpu.dma_semaphore, #tpu.memory_space<semaphore_mem>>
    %dma_start3A_362 = tpu.memref_squeeze %dma_start3A_361 : memref<1x!tpu.dma_semaphore, #tpu.memory_space<semaphore_mem>> -> memref<!tpu.dma_semaphore, #tpu.memory_space<semaphore_mem>>
    %dma_start3A_363 = arith.constant 0 : i32
    %dma_start3A_364 = arith.constant 0 : i32
    %dma_start3A_365 = arith.constant 0 : i32
    %dma_start3A_366 = tpu.memref_slice %arg3[%dma_start3A_358, %dma_start3A_359, %dma_start3A_363, %dma_start3A_364, %dma_start3A_365] : memref<8x2x64x2x2048xf32, #tpu.memory_space<vmem>> -> memref<1x1x64x2x2048xf32, #tpu.memory_space<vmem>>
    %dma_start3A_367 = tpu.memref_squeeze %dma_start3A_366 : memref<1x1x64x2x2048xf32, #tpu.memory_space<vmem>> -> memref<64x2x2048xf32, #tpu.memory_space<vmem>>
    %dma_start3A_368 = arith.constant 1344 : i32
    %dma_start3A_369 = arith.constant 0 : i32
    %dma_start3A_370 = arith.constant 0 : i32
    %dma_start3A_371 = tpu.memref_slice %arg1[%dma_start3A_368, %dma_start3A_369, %dma_start3A_370] : memref<2048x2x2048xf32, #tpu.memory_space<any>> -> memref<64x2x2048xf32, #tpu.memory_space<any>>
    tpu.enqueue_dma source(%dma_start3A_371 : memref<64x2x2048xf32, #tpu.memory_space<any>>) target(%dma_start3A_367 : memref<64x2x2048xf32, #tpu.memory_space<vmem>>) target_semaphore(%dma_start3A_362 : memref<!tpu.dma_semaphore, #tpu.memory_space<semaphore_mem>>)
    %dma_start3A_372 = arith.constant 5 : i32
    %dma_start3A_373 = arith.constant 0 : i32
    %dma_start3A_374 = arith.constant 5 : i32
    %dma_start3A_375 = tpu.memref_slice %arg5[%dma_start3A_374] : memref<8x!tpu.dma_semaphore, #tpu.memory_space<semaphore_mem>> -> memref<1x!tpu.dma_semaphore, #tpu.memory_space<semaphore_mem>>
    %dma_start3A_376 = tpu.memref_squeeze %dma_start3A_375 : memref<1x!tpu.dma_semaphore, #tpu.memory_space<semaphore_mem>> -> memref<!tpu.dma_semaphore, #tpu.memory_space<semaphore_mem>>
    %dma_start3A_377 = arith.constant 1280 : i32
    %dma_start3A_378 = arith.constant 0 : i32
    %dma_start3A_379 = arith.constant 0 : i32
    %dma_start3A_380 = tpu.memref_slice %arg2[%dma_start3A_377, %dma_start3A_378, %dma_start3A_379] : memref<2048x2x2048xf32, #tpu.memory_space<any>> -> memref<64x2x2048xf32, #tpu.memory_space<any>>
    %dma_start3A_381 = arith.constant 0 : i32
    %dma_start3A_382 = arith.constant 0 : i32
    %dma_start3A_383 = arith.constant 0 : i32
    %dma_start3A_384 = tpu.memref_slice %arg3[%dma_start3A_372, %dma_start3A_373, %dma_start3A_381, %dma_start3A_382, %dma_start3A_383] : memref<8x2x64x2x2048xf32, #tpu.memory_space<vmem>> -> memref<1x1x64x2x2048xf32, #tpu.memory_space<vmem>>
    %dma_start3A_385 = tpu.memref_squeeze %dma_start3A_384 : memref<1x1x64x2x2048xf32, #tpu.memory_space<vmem>> -> memref<64x2x2048xf32, #tpu.memory_space<vmem>>
    tpu.enqueue_dma source(%dma_start3A_385 : memref<64x2x2048xf32, #tpu.memory_space<vmem>>) target(%dma_start3A_380 : memref<64x2x2048xf32, #tpu.memory_space<any>>) target_semaphore(%dma_start3A_376 : memref<!tpu.dma_semaphore, #tpu.memory_space<semaphore_mem>>)
    %dma_wait3A_386 = arith.constant 6 : i32
    %dma_wait3A_387 = arith.constant 0 : i32
    %dma_wait3A_388 = arith.constant 6 : i32
    %dma_wait3A_389 = tpu.memref_slice %arg4[%dma_wait3A_388] : memref<8x!tpu.dma_semaphore, #tpu.memory_space<semaphore_mem>> -> memref<1x!tpu.dma_semaphore, #tpu.memory_space<semaphore_mem>>
    %dma_wait3A_390 = tpu.memref_squeeze %dma_wait3A_389 : memref<1x!tpu.dma_semaphore, #tpu.memory_space<semaphore_mem>> -> memref<!tpu.dma_semaphore, #tpu.memory_space<semaphore_mem>>
    %dma_wait3A_391 = arith.constant 0 : i32
    %dma_wait3A_392 = arith.constant 0 : i32
    %dma_wait3A_393 = arith.constant 0 : i32
    %dma_wait3A_394 = tpu.memref_slice %arg3[%dma_wait3A_386, %dma_wait3A_387, %dma_wait3A_391, %dma_wait3A_392, %dma_wait3A_393] : memref<8x2x64x2x2048xf32, #tpu.memory_space<vmem>> -> memref<1x1x64x2x2048xf32, #tpu.memory_space<vmem>>
    %dma_wait3A_395 = tpu.memref_squeeze %dma_wait3A_394 : memref<1x1x64x2x2048xf32, #tpu.memory_space<vmem>> -> memref<64x2x2048xf32, #tpu.memory_space<vmem>>
    %dma_wait3A_396 = arith.constant 1536 : i32
    %dma_wait3A_397 = arith.constant 0 : i32
    %dma_wait3A_398 = arith.constant 0 : i32
    %dma_wait3A_399 = tpu.memref_slice %arg1[%dma_wait3A_396, %dma_wait3A_397, %dma_wait3A_398] : memref<2048x2x2048xf32, #tpu.memory_space<any>> -> memref<64x2x2048xf32, #tpu.memory_space<any>>
    tpu.wait_dma2 semaphore(%dma_wait3A_390 : memref<!tpu.dma_semaphore, #tpu.memory_space<semaphore_mem>>) src(%dma_wait3A_399 : memref<64x2x2048xf32, #tpu.memory_space<any>>) dst(%dma_wait3A_395 : memref<64x2x2048xf32, #tpu.memory_space<vmem>>)
    %dma_start3A_400 = arith.constant 6 : i32
    %dma_start3A_401 = arith.constant 1 : i32
    %dma_start3A_402 = arith.constant 6 : i32
    %dma_start3A_403 = tpu.memref_slice %arg4[%dma_start3A_402] : memref<8x!tpu.dma_semaphore, #tpu.memory_space<semaphore_mem>> -> memref<1x!tpu.dma_semaphore, #tpu.memory_space<semaphore_mem>>
    %dma_start3A_404 = tpu.memref_squeeze %dma_start3A_403 : memref<1x!tpu.dma_semaphore, #tpu.memory_space<semaphore_mem>> -> memref<!tpu.dma_semaphore, #tpu.memory_space<semaphore_mem>>
    %dma_start3A_405 = arith.constant 0 : i32
    %dma_start3A_406 = arith.constant 0 : i32
    %dma_start3A_407 = arith.constant 0 : i32
    %dma_start3A_408 = tpu.memref_slice %arg3[%dma_start3A_400, %dma_start3A_401, %dma_start3A_405, %dma_start3A_406, %dma_start3A_407] : memref<8x2x64x2x2048xf32, #tpu.memory_space<vmem>> -> memref<1x1x64x2x2048xf32, #tpu.memory_space<vmem>>
    %dma_start3A_409 = tpu.memref_squeeze %dma_start3A_408 : memref<1x1x64x2x2048xf32, #tpu.memory_space<vmem>> -> memref<64x2x2048xf32, #tpu.memory_space<vmem>>
    %dma_start3A_410 = arith.constant 1600 : i32
    %dma_start3A_411 = arith.constant 0 : i32
    %dma_start3A_412 = arith.constant 0 : i32
    %dma_start3A_413 = tpu.memref_slice %arg1[%dma_start3A_410, %dma_start3A_411, %dma_start3A_412] : memref<2048x2x2048xf32, #tpu.memory_space<any>> -> memref<64x2x2048xf32, #tpu.memory_space<any>>
    tpu.enqueue_dma source(%dma_start3A_413 : memref<64x2x2048xf32, #tpu.memory_space<any>>) target(%dma_start3A_409 : memref<64x2x2048xf32, #tpu.memory_space<vmem>>) target_semaphore(%dma_start3A_404 : memref<!tpu.dma_semaphore, #tpu.memory_space<semaphore_mem>>)
    %dma_start3A_414 = arith.constant 6 : i32
    %dma_start3A_415 = arith.constant 0 : i32
    %dma_start3A_416 = arith.constant 6 : i32
    %dma_start3A_417 = tpu.memref_slice %arg5[%dma_start3A_416] : memref<8x!tpu.dma_semaphore, #tpu.memory_space<semaphore_mem>> -> memref<1x!tpu.dma_semaphore, #tpu.memory_space<semaphore_mem>>
    %dma_start3A_418 = tpu.memref_squeeze %dma_start3A_417 : memref<1x!tpu.dma_semaphore, #tpu.memory_space<semaphore_mem>> -> memref<!tpu.dma_semaphore, #tpu.memory_space<semaphore_mem>>
    %dma_start3A_419 = arith.constant 1536 : i32
    %dma_start3A_420 = arith.constant 0 : i32
    %dma_start3A_421 = arith.constant 0 : i32
    %dma_start3A_422 = tpu.memref_slice %arg2[%dma_start3A_419, %dma_start3A_420, %dma_start3A_421] : memref<2048x2x2048xf32, #tpu.memory_space<any>> -> memref<64x2x2048xf32, #tpu.memory_space<any>>
    %dma_start3A_423 = arith.constant 0 : i32
    %dma_start3A_424 = arith.constant 0 : i32
    %dma_start3A_425 = arith.constant 0 : i32
    %dma_start3A_426 = tpu.memref_slice %arg3[%dma_start3A_414, %dma_start3A_415, %dma_start3A_423, %dma_start3A_424, %dma_start3A_425] : memref<8x2x64x2x2048xf32, #tpu.memory_space<vmem>> -> memref<1x1x64x2x2048xf32, #tpu.memory_space<vmem>>
    %dma_start3A_427 = tpu.memref_squeeze %dma_start3A_426 : memref<1x1x64x2x2048xf32, #tpu.memory_space<vmem>> -> memref<64x2x2048xf32, #tpu.memory_space<vmem>>
    tpu.enqueue_dma source(%dma_start3A_427 : memref<64x2x2048xf32, #tpu.memory_space<vmem>>) target(%dma_start3A_422 : memref<64x2x2048xf32, #tpu.memory_space<any>>) target_semaphore(%dma_start3A_418 : memref<!tpu.dma_semaphore, #tpu.memory_space<semaphore_mem>>)
    %dma_wait3A_428 = arith.constant 7 : i32
    %dma_wait3A_429 = arith.constant 0 : i32
    %dma_wait3A_430 = arith.constant 7 : i32
    %dma_wait3A_431 = tpu.memref_slice %arg4[%dma_wait3A_430] : memref<8x!tpu.dma_semaphore, #tpu.memory_space<semaphore_mem>> -> memref<1x!tpu.dma_semaphore, #tpu.memory_space<semaphore_mem>>
    %dma_wait3A_432 = tpu.memref_squeeze %dma_wait3A_431 : memref<1x!tpu.dma_semaphore, #tpu.memory_space<semaphore_mem>> -> memref<!tpu.dma_semaphore, #tpu.memory_space<semaphore_mem>>
    %dma_wait3A_433 = arith.constant 0 : i32
    %dma_wait3A_434 = arith.constant 0 : i32
    %dma_wait3A_435 = arith.constant 0 : i32
    %dma_wait3A_436 = tpu.memref_slice %arg3[%dma_wait3A_428, %dma_wait3A_429, %dma_wait3A_433, %dma_wait3A_434, %dma_wait3A_435] : memref<8x2x64x2x2048xf32, #tpu.memory_space<vmem>> -> memref<1x1x64x2x2048xf32, #tpu.memory_space<vmem>>
    %dma_wait3A_437 = tpu.memref_squeeze %dma_wait3A_436 : memref<1x1x64x2x2048xf32, #tpu.memory_space<vmem>> -> memref<64x2x2048xf32, #tpu.memory_space<vmem>>
    %dma_wait3A_438 = arith.constant 1792 : i32
    %dma_wait3A_439 = arith.constant 0 : i32
    %dma_wait3A_440 = arith.constant 0 : i32
    %dma_wait3A_441 = tpu.memref_slice %arg1[%dma_wait3A_438, %dma_wait3A_439, %dma_wait3A_440] : memref<2048x2x2048xf32, #tpu.memory_space<any>> -> memref<64x2x2048xf32, #tpu.memory_space<any>>
    tpu.wait_dma2 semaphore(%dma_wait3A_432 : memref<!tpu.dma_semaphore, #tpu.memory_space<semaphore_mem>>) src(%dma_wait3A_441 : memref<64x2x2048xf32, #tpu.memory_space<any>>) dst(%dma_wait3A_437 : memref<64x2x2048xf32, #tpu.memory_space<vmem>>)
    %dma_start3A_442 = arith.constant 7 : i32
    %dma_start3A_443 = arith.constant 1 : i32
    %dma_start3A_444 = arith.constant 7 : i32
    %dma_start3A_445 = tpu.memref_slice %arg4[%dma_start3A_444] : memref<8x!tpu.dma_semaphore, #tpu.memory_space<semaphore_mem>> -> memref<1x!tpu.dma_semaphore, #tpu.memory_space<semaphore_mem>>
    %dma_start3A_446 = tpu.memref_squeeze %dma_start3A_445 : memref<1x!tpu.dma_semaphore, #tpu.memory_space<semaphore_mem>> -> memref<!tpu.dma_semaphore, #tpu.memory_space<semaphore_mem>>
    %dma_start3A_447 = arith.constant 0 : i32
    %dma_start3A_448 = arith.constant 0 : i32
    %dma_start3A_449 = arith.constant 0 : i32
    %dma_start3A_450 = tpu.memref_slice %arg3[%dma_start3A_442, %dma_start3A_443, %dma_start3A_447, %dma_start3A_448, %dma_start3A_449] : memref<8x2x64x2x2048xf32, #tpu.memory_space<vmem>> -> memref<1x1x64x2x2048xf32, #tpu.memory_space<vmem>>
    %dma_start3A_451 = tpu.memref_squeeze %dma_start3A_450 : memref<1x1x64x2x2048xf32, #tpu.memory_space<vmem>> -> memref<64x2x2048xf32, #tpu.memory_space<vmem>>
    %dma_start3A_452 = arith.constant 1856 : i32
    %dma_start3A_453 = arith.constant 0 : i32
    %dma_start3A_454 = arith.constant 0 : i32
    %dma_start3A_455 = tpu.memref_slice %arg1[%dma_start3A_452, %dma_start3A_453, %dma_start3A_454] : memref<2048x2x2048xf32, #tpu.memory_space<any>> -> memref<64x2x2048xf32, #tpu.memory_space<any>>
    tpu.enqueue_dma source(%dma_start3A_455 : memref<64x2x2048xf32, #tpu.memory_space<any>>) target(%dma_start3A_451 : memref<64x2x2048xf32, #tpu.memory_space<vmem>>) target_semaphore(%dma_start3A_446 : memref<!tpu.dma_semaphore, #tpu.memory_space<semaphore_mem>>)
    %dma_start3A_456 = arith.constant 7 : i32
    %dma_start3A_457 = arith.constant 0 : i32
    %dma_start3A_458 = arith.constant 7 : i32
    %dma_start3A_459 = tpu.memref_slice %arg5[%dma_start3A_458] : memref<8x!tpu.dma_semaphore, #tpu.memory_space<semaphore_mem>> -> memref<1x!tpu.dma_semaphore, #tpu.memory_space<semaphore_mem>>
    %dma_start3A_460 = tpu.memref_squeeze %dma_start3A_459 : memref<1x!tpu.dma_semaphore, #tpu.memory_space<semaphore_mem>> -> memref<!tpu.dma_semaphore, #tpu.memory_space<semaphore_mem>>
    %dma_start3A_461 = arith.constant 1792 : i32
    %dma_start3A_462 = arith.constant 0 : i32
    %dma_start3A_463 = arith.constant 0 : i32
    %dma_start3A_464 = tpu.memref_slice %arg2[%dma_start3A_461, %dma_start3A_462, %dma_start3A_463] : memref<2048x2x2048xf32, #tpu.memory_space<any>> -> memref<64x2x2048xf32, #tpu.memory_space<any>>
    %dma_start3A_465 = arith.constant 0 : i32
    %dma_start3A_466 = arith.constant 0 : i32
    %dma_start3A_467 = arith.constant 0 : i32
    %dma_start3A_468 = tpu.memref_slice %arg3[%dma_start3A_456, %dma_start3A_457, %dma_start3A_465, %dma_start3A_466, %dma_start3A_467] : memref<8x2x64x2x2048xf32, #tpu.memory_space<vmem>> -> memref<1x1x64x2x2048xf32, #tpu.memory_space<vmem>>
    %dma_start3A_469 = tpu.memref_squeeze %dma_start3A_468 : memref<1x1x64x2x2048xf32, #tpu.memory_space<vmem>> -> memref<64x2x2048xf32, #tpu.memory_space<vmem>>
    tpu.enqueue_dma source(%dma_start3A_469 : memref<64x2x2048xf32, #tpu.memory_space<vmem>>) target(%dma_start3A_464 : memref<64x2x2048xf32, #tpu.memory_space<any>>) target_semaphore(%dma_start3A_460 : memref<!tpu.dma_semaphore, #tpu.memory_space<semaphore_mem>>)
    %dma_wait3A_470 = arith.constant 0 : i32
    %dma_wait3A_471 = arith.constant 1 : i32
    %dma_wait3A_472 = arith.constant 0 : i32
    %dma_wait3A_473 = tpu.memref_slice %arg4[%dma_wait3A_472] : memref<8x!tpu.dma_semaphore, #tpu.memory_space<semaphore_mem>> -> memref<1x!tpu.dma_semaphore, #tpu.memory_space<semaphore_mem>>
    %dma_wait3A_474 = tpu.memref_squeeze %dma_wait3A_473 : memref<1x!tpu.dma_semaphore, #tpu.memory_space<semaphore_mem>> -> memref<!tpu.dma_semaphore, #tpu.memory_space<semaphore_mem>>
    %dma_wait3A_475 = arith.constant 0 : i32
    %dma_wait3A_476 = arith.constant 0 : i32
    %dma_wait3A_477 = arith.constant 0 : i32
    %dma_wait3A_478 = tpu.memref_slice %arg3[%dma_wait3A_470, %dma_wait3A_471, %dma_wait3A_475, %dma_wait3A_476, %dma_wait3A_477] : memref<8x2x64x2x2048xf32, #tpu.memory_space<vmem>> -> memref<1x1x64x2x2048xf32, #tpu.memory_space<vmem>>
    %dma_wait3A_479 = tpu.memref_squeeze %dma_wait3A_478 : memref<1x1x64x2x2048xf32, #tpu.memory_space<vmem>> -> memref<64x2x2048xf32, #tpu.memory_space<vmem>>
    %dma_wait3A_480 = arith.constant 64 : i32
    %dma_wait3A_481 = arith.constant 0 : i32
    %dma_wait3A_482 = arith.constant 0 : i32
    %dma_wait3A_483 = tpu.memref_slice %arg1[%dma_wait3A_480, %dma_wait3A_481, %dma_wait3A_482] : memref<2048x2x2048xf32, #tpu.memory_space<any>> -> memref<64x2x2048xf32, #tpu.memory_space<any>>
    tpu.wait_dma2 semaphore(%dma_wait3A_474 : memref<!tpu.dma_semaphore, #tpu.memory_space<semaphore_mem>>) src(%dma_wait3A_483 : memref<64x2x2048xf32, #tpu.memory_space<any>>) dst(%dma_wait3A_479 : memref<64x2x2048xf32, #tpu.memory_space<vmem>>)
    %dma_wait3A_484 = arith.constant 0 : i32
    %dma_wait3A_485 = arith.constant 0 : i32
    %dma_wait3A_486 = arith.constant 0 : i32
    %dma_wait3A_487 = tpu.memref_slice %arg5[%dma_wait3A_486] : memref<8x!tpu.dma_semaphore, #tpu.memory_space<semaphore_mem>> -> memref<1x!tpu.dma_semaphore, #tpu.memory_space<semaphore_mem>>
    %dma_wait3A_488 = tpu.memref_squeeze %dma_wait3A_487 : memref<1x!tpu.dma_semaphore, #tpu.memory_space<semaphore_mem>> -> memref<!tpu.dma_semaphore, #tpu.memory_space<semaphore_mem>>
    %dma_wait3A_489 = arith.constant 0 : i32
    %dma_wait3A_490 = arith.constant 0 : i32
    %dma_wait3A_491 = arith.constant 0 : i32
    %dma_wait3A_492 = tpu.memref_slice %arg2[%dma_wait3A_489, %dma_wait3A_490, %dma_wait3A_491] : memref<2048x2x2048xf32, #tpu.memory_space<any>> -> memref<64x2x2048xf32, #tpu.memory_space<any>>
    %dma_wait3A_493 = arith.constant 0 : i32
    %dma_wait3A_494 = arith.constant 0 : i32
    %dma_wait3A_495 = arith.constant 0 : i32
    %dma_wait3A_496 = tpu.memref_slice %arg3[%dma_wait3A_484, %dma_wait3A_485, %dma_wait3A_493, %dma_wait3A_494, %dma_wait3A_495] : memref<8x2x64x2x2048xf32, #tpu.memory_space<vmem>> -> memref<1x1x64x2x2048xf32, #tpu.memory_space<vmem>>
    %dma_wait3A_497 = tpu.memref_squeeze %dma_wait3A_496 : memref<1x1x64x2x2048xf32, #tpu.memory_space<vmem>> -> memref<64x2x2048xf32, #tpu.memory_space<vmem>>
    tpu.wait_dma2 semaphore(%dma_wait3A_488 : memref<!tpu.dma_semaphore, #tpu.memory_space<semaphore_mem>>) src(%dma_wait3A_497 : memref<64x2x2048xf32, #tpu.memory_space<vmem>>) dst(%dma_wait3A_492 : memref<64x2x2048xf32, #tpu.memory_space<any>>)
    %dma_start3A_498 = arith.constant 0 : i32
    %dma_start3A_499 = arith.constant 0 : i32
    %dma_start3A_500 = arith.constant 0 : i32
    %dma_start3A_501 = tpu.memref_slice %arg4[%dma_start3A_500] : memref<8x!tpu.dma_semaphore, #tpu.memory_space<semaphore_mem>> -> memref<1x!tpu.dma_semaphore, #tpu.memory_space<semaphore_mem>>
    %dma_start3A_502 = tpu.memref_squeeze %dma_start3A_501 : memref<1x!tpu.dma_semaphore, #tpu.memory_space<semaphore_mem>> -> memref<!tpu.dma_semaphore, #tpu.memory_space<semaphore_mem>>
    %dma_start3A_503 = arith.constant 0 : i32
    %dma_start3A_504 = arith.constant 0 : i32
    %dma_start3A_505 = arith.constant 0 : i32
    %dma_start3A_506 = tpu.memref_slice %arg3[%dma_start3A_498, %dma_start3A_499, %dma_start3A_503, %dma_start3A_504, %dma_start3A_505] : memref<8x2x64x2x2048xf32, #tpu.memory_space<vmem>> -> memref<1x1x64x2x2048xf32, #tpu.memory_space<vmem>>
    %dma_start3A_507 = tpu.memref_squeeze %dma_start3A_506 : memref<1x1x64x2x2048xf32, #tpu.memory_space<vmem>> -> memref<64x2x2048xf32, #tpu.memory_space<vmem>>
    %dma_start3A_508 = arith.constant 128 : i32
    %dma_start3A_509 = arith.constant 0 : i32
    %dma_start3A_510 = arith.constant 0 : i32
    %dma_start3A_511 = tpu.memref_slice %arg1[%dma_start3A_508, %dma_start3A_509, %dma_start3A_510] : memref<2048x2x2048xf32, #tpu.memory_space<any>> -> memref<64x2x2048xf32, #tpu.memory_space<any>>
    tpu.enqueue_dma source(%dma_start3A_511 : memref<64x2x2048xf32, #tpu.memory_space<any>>) target(%dma_start3A_507 : memref<64x2x2048xf32, #tpu.memory_space<vmem>>) target_semaphore(%dma_start3A_502 : memref<!tpu.dma_semaphore, #tpu.memory_space<semaphore_mem>>)
    %dma_start3A_512 = arith.constant 0 : i32
    %dma_start3A_513 = arith.constant 1 : i32
    %dma_start3A_514 = arith.constant 0 : i32
    %dma_start3A_515 = tpu.memref_slice %arg5[%dma_start3A_514] : memref<8x!tpu.dma_semaphore, #tpu.memory_space<semaphore_mem>> -> memref<1x!tpu.dma_semaphore, #tpu.memory_space<semaphore_mem>>
    %dma_start3A_516 = tpu.memref_squeeze %dma_start3A_515 : memref<1x!tpu.dma_semaphore, #tpu.memory_space<semaphore_mem>> -> memref<!tpu.dma_semaphore, #tpu.memory_space<semaphore_mem>>
    %dma_start3A_517 = arith.constant 64 : i32
    %dma_start3A_518 = arith.constant 0 : i32
    %dma_start3A_519 = arith.constant 0 : i32
    %dma_start3A_520 = tpu.memref_slice %arg2[%dma_start3A_517, %dma_start3A_518, %dma_start3A_519] : memref<2048x2x2048xf32, #tpu.memory_space<any>> -> memref<64x2x2048xf32, #tpu.memory_space<any>>
    %dma_start3A_521 = arith.constant 0 : i32
    %dma_start3A_522 = arith.constant 0 : i32
    %dma_start3A_523 = arith.constant 0 : i32
    %dma_start3A_524 = tpu.memref_slice %arg3[%dma_start3A_512, %dma_start3A_513, %dma_start3A_521, %dma_start3A_522, %dma_start3A_523] : memref<8x2x64x2x2048xf32, #tpu.memory_space<vmem>> -> memref<1x1x64x2x2048xf32, #tpu.memory_space<vmem>>
    %dma_start3A_525 = tpu.memref_squeeze %dma_start3A_524 : memref<1x1x64x2x2048xf32, #tpu.memory_space<vmem>> -> memref<64x2x2048xf32, #tpu.memory_space<vmem>>
    tpu.enqueue_dma source(%dma_start3A_525 : memref<64x2x2048xf32, #tpu.memory_space<vmem>>) target(%dma_start3A_520 : memref<64x2x2048xf32, #tpu.memory_space<any>>) target_semaphore(%dma_start3A_516 : memref<!tpu.dma_semaphore, #tpu.memory_space<semaphore_mem>>)
    %dma_wait3A_526 = arith.constant 1 : i32
    %dma_wait3A_527 = arith.constant 1 : i32
    %dma_wait3A_528 = arith.constant 1 : i32
    %dma_wait3A_529 = tpu.memref_slice %arg4[%dma_wait3A_528] : memref<8x!tpu.dma_semaphore, #tpu.memory_space<semaphore_mem>> -> memref<1x!tpu.dma_semaphore, #tpu.memory_space<semaphore_mem>>
    %dma_wait3A_530 = tpu.memref_squeeze %dma_wait3A_529 : memref<1x!tpu.dma_semaphore, #tpu.memory_space<semaphore_mem>> -> memref<!tpu.dma_semaphore, #tpu.memory_space<semaphore_mem>>
    %dma_wait3A_531 = arith.constant 0 : i32
    %dma_wait3A_532 = arith.constant 0 : i32
    %dma_wait3A_533 = arith.constant 0 : i32
    %dma_wait3A_534 = tpu.memref_slice %arg3[%dma_wait3A_526, %dma_wait3A_527, %dma_wait3A_531, %dma_wait3A_532, %dma_wait3A_533] : memref<8x2x64x2x2048xf32, #tpu.memory_space<vmem>> -> memref<1x1x64x2x2048xf32, #tpu.memory_space<vmem>>
    %dma_wait3A_535 = tpu.memref_squeeze %dma_wait3A_534 : memref<1x1x64x2x2048xf32, #tpu.memory_space<vmem>> -> memref<64x2x2048xf32, #tpu.memory_space<vmem>>
    %dma_wait3A_536 = arith.constant 320 : i32
    %dma_wait3A_537 = arith.constant 0 : i32
    %dma_wait3A_538 = arith.constant 0 : i32
    %dma_wait3A_539 = tpu.memref_slice %arg1[%dma_wait3A_536, %dma_wait3A_537, %dma_wait3A_538] : memref<2048x2x2048xf32, #tpu.memory_space<any>> -> memref<64x2x2048xf32, #tpu.memory_space<any>>
    tpu.wait_dma2 semaphore(%dma_wait3A_530 : memref<!tpu.dma_semaphore, #tpu.memory_space<semaphore_mem>>) src(%dma_wait3A_539 : memref<64x2x2048xf32, #tpu.memory_space<any>>) dst(%dma_wait3A_535 : memref<64x2x2048xf32, #tpu.memory_space<vmem>>)
    %dma_wait3A_540 = arith.constant 1 : i32
    %dma_wait3A_541 = arith.constant 0 : i32
    %dma_wait3A_542 = arith.constant 1 : i32
    %dma_wait3A_543 = tpu.memref_slice %arg5[%dma_wait3A_542] : memref<8x!tpu.dma_semaphore, #tpu.memory_space<semaphore_mem>> -> memref<1x!tpu.dma_semaphore, #tpu.memory_space<semaphore_mem>>
    %dma_wait3A_544 = tpu.memref_squeeze %dma_wait3A_543 : memref<1x!tpu.dma_semaphore, #tpu.memory_space<semaphore_mem>> -> memref<!tpu.dma_semaphore, #tpu.memory_space<semaphore_mem>>
    %dma_wait3A_545 = arith.constant 256 : i32
    %dma_wait3A_546 = arith.constant 0 : i32
    %dma_wait3A_547 = arith.constant 0 : i32
    %dma_wait3A_548 = tpu.memref_slice %arg2[%dma_wait3A_545, %dma_wait3A_546, %dma_wait3A_547] : memref<2048x2x2048xf32, #tpu.memory_space<any>> -> memref<64x2x2048xf32, #tpu.memory_space<any>>
    %dma_wait3A_549 = arith.constant 0 : i32
    %dma_wait3A_550 = arith.constant 0 : i32
    %dma_wait3A_551 = arith.constant 0 : i32
    %dma_wait3A_552 = tpu.memref_slice %arg3[%dma_wait3A_540, %dma_wait3A_541, %dma_wait3A_549, %dma_wait3A_550, %dma_wait3A_551] : memref<8x2x64x2x2048xf32, #tpu.memory_space<vmem>> -> memref<1x1x64x2x2048xf32, #tpu.memory_space<vmem>>
    %dma_wait3A_553 = tpu.memref_squeeze %dma_wait3A_552 : memref<1x1x64x2x2048xf32, #tpu.memory_space<vmem>> -> memref<64x2x2048xf32, #tpu.memory_space<vmem>>
    tpu.wait_dma2 semaphore(%dma_wait3A_544 : memref<!tpu.dma_semaphore, #tpu.memory_space<semaphore_mem>>) src(%dma_wait3A_553 : memref<64x2x2048xf32, #tpu.memory_space<vmem>>) dst(%dma_wait3A_548 : memref<64x2x2048xf32, #tpu.memory_space<any>>)
    %dma_start3A_554 = arith.constant 1 : i32
    %dma_start3A_555 = arith.constant 0 : i32
    %dma_start3A_556 = arith.constant 1 : i32
    %dma_start3A_557 = tpu.memref_slice %arg4[%dma_start3A_556] : memref<8x!tpu.dma_semaphore, #tpu.memory_space<semaphore_mem>> -> memref<1x!tpu.dma_semaphore, #tpu.memory_space<semaphore_mem>>
    %dma_start3A_558 = tpu.memref_squeeze %dma_start3A_557 : memref<1x!tpu.dma_semaphore, #tpu.memory_space<semaphore_mem>> -> memref<!tpu.dma_semaphore, #tpu.memory_space<semaphore_mem>>
    %dma_start3A_559 = arith.constant 0 : i32
    %dma_start3A_560 = arith.constant 0 : i32
    %dma_start3A_561 = arith.constant 0 : i32
    %dma_start3A_562 = tpu.memref_slice %arg3[%dma_start3A_554, %dma_start3A_555, %dma_start3A_559, %dma_start3A_560, %dma_start3A_561] : memref<8x2x64x2x2048xf32, #tpu.memory_space<vmem>> -> memref<1x1x64x2x2048xf32, #tpu.memory_space<vmem>>
    %dma_start3A_563 = tpu.memref_squeeze %dma_start3A_562 : memref<1x1x64x2x2048xf32, #tpu.memory_space<vmem>> -> memref<64x2x2048xf32, #tpu.memory_space<vmem>>
    %dma_start3A_564 = arith.constant 384 : i32
    %dma_start3A_565 = arith.constant 0 : i32
    %dma_start3A_566 = arith.constant 0 : i32
    %dma_start3A_567 = tpu.memref_slice %arg1[%dma_start3A_564, %dma_start3A_565, %dma_start3A_566] : memref<2048x2x2048xf32, #tpu.memory_space<any>> -> memref<64x2x2048xf32, #tpu.memory_space<any>>
    tpu.enqueue_dma source(%dma_start3A_567 : memref<64x2x2048xf32, #tpu.memory_space<any>>) target(%dma_start3A_563 : memref<64x2x2048xf32, #tpu.memory_space<vmem>>) target_semaphore(%dma_start3A_558 : memref<!tpu.dma_semaphore, #tpu.memory_space<semaphore_mem>>)
    %dma_start3A_568 = arith.constant 1 : i32
    %dma_start3A_569 = arith.constant 1 : i32
    %dma_start3A_570 = arith.constant 1 : i32
    %dma_start3A_571 = tpu.memref_slice %arg5[%dma_start3A_570] : memref<8x!tpu.dma_semaphore, #tpu.memory_space<semaphore_mem>> -> memref<1x!tpu.dma_semaphore, #tpu.memory_space<semaphore_mem>>
    %dma_start3A_572 = tpu.memref_squeeze %dma_start3A_571 : memref<1x!tpu.dma_semaphore, #tpu.memory_space<semaphore_mem>> -> memref<!tpu.dma_semaphore, #tpu.memory_space<semaphore_mem>>
    %dma_start3A_573 = arith.constant 320 : i32
    %dma_start3A_574 = arith.constant 0 : i32
    %dma_start3A_575 = arith.constant 0 : i32
    %dma_start3A_576 = tpu.memref_slice %arg2[%dma_start3A_573, %dma_start3A_574, %dma_start3A_575] : memref<2048x2x2048xf32, #tpu.memory_space<any>> -> memref<64x2x2048xf32, #tpu.memory_space<any>>
    %dma_start3A_577 = arith.constant 0 : i32
    %dma_start3A_578 = arith.constant 0 : i32
    %dma_start3A_579 = arith.constant 0 : i32
    %dma_start3A_580 = tpu.memref_slice %arg3[%dma_start3A_568, %dma_start3A_569, %dma_start3A_577, %dma_start3A_578, %dma_start3A_579] : memref<8x2x64x2x2048xf32, #tpu.memory_space<vmem>> -> memref<1x1x64x2x2048xf32, #tpu.memory_space<vmem>>
    %dma_start3A_581 = tpu.memref_squeeze %dma_start3A_580 : memref<1x1x64x2x2048xf32, #tpu.memory_space<vmem>> -> memref<64x2x2048xf32, #tpu.memory_space<vmem>>
    tpu.enqueue_dma source(%dma_start3A_581 : memref<64x2x2048xf32, #tpu.memory_space<vmem>>) target(%dma_start3A_576 : memref<64x2x2048xf32, #tpu.memory_space<any>>) target_semaphore(%dma_start3A_572 : memref<!tpu.dma_semaphore, #tpu.memory_space<semaphore_mem>>)
    %dma_wait3A_582 = arith.constant 2 : i32
    %dma_wait3A_583 = arith.constant 1 : i32
    %dma_wait3A_584 = arith.constant 2 : i32
    %dma_wait3A_585 = tpu.memref_slice %arg4[%dma_wait3A_584] : memref<8x!tpu.dma_semaphore, #tpu.memory_space<semaphore_mem>> -> memref<1x!tpu.dma_semaphore, #tpu.memory_space<semaphore_mem>>
    %dma_wait3A_586 = tpu.memref_squeeze %dma_wait3A_585 : memref<1x!tpu.dma_semaphore, #tpu.memory_space<semaphore_mem>> -> memref<!tpu.dma_semaphore, #tpu.memory_space<semaphore_mem>>
    %dma_wait3A_587 = arith.constant 0 : i32
    %dma_wait3A_588 = arith.constant 0 : i32
    %dma_wait3A_589 = arith.constant 0 : i32
    %dma_wait3A_590 = tpu.memref_slice %arg3[%dma_wait3A_582, %dma_wait3A_583, %dma_wait3A_587, %dma_wait3A_588, %dma_wait3A_589] : memref<8x2x64x2x2048xf32, #tpu.memory_space<vmem>> -> memref<1x1x64x2x2048xf32, #tpu.memory_space<vmem>>
    %dma_wait3A_591 = tpu.memref_squeeze %dma_wait3A_590 : memref<1x1x64x2x2048xf32, #tpu.memory_space<vmem>> -> memref<64x2x2048xf32, #tpu.memory_space<vmem>>
    %dma_wait3A_592 = arith.constant 576 : i32
    %dma_wait3A_593 = arith.constant 0 : i32
    %dma_wait3A_594 = arith.constant 0 : i32
    %dma_wait3A_595 = tpu.memref_slice %arg1[%dma_wait3A_592, %dma_wait3A_593, %dma_wait3A_594] : memref<2048x2x2048xf32, #tpu.memory_space<any>> -> memref<64x2x2048xf32, #tpu.memory_space<any>>
    tpu.wait_dma2 semaphore(%dma_wait3A_586 : memref<!tpu.dma_semaphore, #tpu.memory_space<semaphore_mem>>) src(%dma_wait3A_595 : memref<64x2x2048xf32, #tpu.memory_space<any>>) dst(%dma_wait3A_591 : memref<64x2x2048xf32, #tpu.memory_space<vmem>>)
    %dma_wait3A_596 = arith.constant 2 : i32
    %dma_wait3A_597 = arith.constant 0 : i32
    %dma_wait3A_598 = arith.constant 2 : i32
    %dma_wait3A_599 = tpu.memref_slice %arg5[%dma_wait3A_598] : memref<8x!tpu.dma_semaphore, #tpu.memory_space<semaphore_mem>> -> memref<1x!tpu.dma_semaphore, #tpu.memory_space<semaphore_mem>>
    %dma_wait3A_600 = tpu.memref_squeeze %dma_wait3A_599 : memref<1x!tpu.dma_semaphore, #tpu.memory_space<semaphore_mem>> -> memref<!tpu.dma_semaphore, #tpu.memory_space<semaphore_mem>>
    %dma_wait3A_601 = arith.constant 512 : i32
    %dma_wait3A_602 = arith.constant 0 : i32
    %dma_wait3A_603 = arith.constant 0 : i32
    %dma_wait3A_604 = tpu.memref_slice %arg2[%dma_wait3A_601, %dma_wait3A_602, %dma_wait3A_603] : memref<2048x2x2048xf32, #tpu.memory_space<any>> -> memref<64x2x2048xf32, #tpu.memory_space<any>>
    %dma_wait3A_605 = arith.constant 0 : i32
    %dma_wait3A_606 = arith.constant 0 : i32
    %dma_wait3A_607 = arith.constant 0 : i32
    %dma_wait3A_608 = tpu.memref_slice %arg3[%dma_wait3A_596, %dma_wait3A_597, %dma_wait3A_605, %dma_wait3A_606, %dma_wait3A_607] : memref<8x2x64x2x2048xf32, #tpu.memory_space<vmem>> -> memref<1x1x64x2x2048xf32, #tpu.memory_space<vmem>>
    %dma_wait3A_609 = tpu.memref_squeeze %dma_wait3A_608 : memref<1x1x64x2x2048xf32, #tpu.memory_space<vmem>> -> memref<64x2x2048xf32, #tpu.memory_space<vmem>>
    tpu.wait_dma2 semaphore(%dma_wait3A_600 : memref<!tpu.dma_semaphore, #tpu.memory_space<semaphore_mem>>) src(%dma_wait3A_609 : memref<64x2x2048xf32, #tpu.memory_space<vmem>>) dst(%dma_wait3A_604 : memref<64x2x2048xf32, #tpu.memory_space<any>>)
    %dma_start3A_610 = arith.constant 2 : i32
    %dma_start3A_611 = arith.constant 0 : i32
    %dma_start3A_612 = arith.constant 2 : i32
    %dma_start3A_613 = tpu.memref_slice %arg4[%dma_start3A_612] : memref<8x!tpu.dma_semaphore, #tpu.memory_space<semaphore_mem>> -> memref<1x!tpu.dma_semaphore, #tpu.memory_space<semaphore_mem>>
    %dma_start3A_614 = tpu.memref_squeeze %dma_start3A_613 : memref<1x!tpu.dma_semaphore, #tpu.memory_space<semaphore_mem>> -> memref<!tpu.dma_semaphore, #tpu.memory_space<semaphore_mem>>
    %dma_start3A_615 = arith.constant 0 : i32
    %dma_start3A_616 = arith.constant 0 : i32
    %dma_start3A_617 = arith.constant 0 : i32
    %dma_start3A_618 = tpu.memref_slice %arg3[%dma_start3A_610, %dma_start3A_611, %dma_start3A_615, %dma_start3A_616, %dma_start3A_617] : memref<8x2x64x2x2048xf32, #tpu.memory_space<vmem>> -> memref<1x1x64x2x2048xf32, #tpu.memory_space<vmem>>
    %dma_start3A_619 = tpu.memref_squeeze %dma_start3A_618 : memref<1x1x64x2x2048xf32, #tpu.memory_space<vmem>> -> memref<64x2x2048xf32, #tpu.memory_space<vmem>>
    %dma_start3A_620 = arith.constant 640 : i32
    %dma_start3A_621 = arith.constant 0 : i32
    %dma_start3A_622 = arith.constant 0 : i32
    %dma_start3A_623 = tpu.memref_slice %arg1[%dma_start3A_620, %dma_start3A_621, %dma_start3A_622] : memref<2048x2x2048xf32, #tpu.memory_space<any>> -> memref<64x2x2048xf32, #tpu.memory_space<any>>
    tpu.enqueue_dma source(%dma_start3A_623 : memref<64x2x2048xf32, #tpu.memory_space<any>>) target(%dma_start3A_619 : memref<64x2x2048xf32, #tpu.memory_space<vmem>>) target_semaphore(%dma_start3A_614 : memref<!tpu.dma_semaphore, #tpu.memory_space<semaphore_mem>>)
    %dma_start3A_624 = arith.constant 2 : i32
    %dma_start3A_625 = arith.constant 1 : i32
    %dma_start3A_626 = arith.constant 2 : i32
    %dma_start3A_627 = tpu.memref_slice %arg5[%dma_start3A_626] : memref<8x!tpu.dma_semaphore, #tpu.memory_space<semaphore_mem>> -> memref<1x!tpu.dma_semaphore, #tpu.memory_space<semaphore_mem>>
    %dma_start3A_628 = tpu.memref_squeeze %dma_start3A_627 : memref<1x!tpu.dma_semaphore, #tpu.memory_space<semaphore_mem>> -> memref<!tpu.dma_semaphore, #tpu.memory_space<semaphore_mem>>
    %dma_start3A_629 = arith.constant 576 : i32
    %dma_start3A_630 = arith.constant 0 : i32
    %dma_start3A_631 = arith.constant 0 : i32
    %dma_start3A_632 = tpu.memref_slice %arg2[%dma_start3A_629, %dma_start3A_630, %dma_start3A_631] : memref<2048x2x2048xf32, #tpu.memory_space<any>> -> memref<64x2x2048xf32, #tpu.memory_space<any>>
    %dma_start3A_633 = arith.constant 0 : i32
    %dma_start3A_634 = arith.constant 0 : i32
    %dma_start3A_635 = arith.constant 0 : i32
    %dma_start3A_636 = tpu.memref_slice %arg3[%dma_start3A_624, %dma_start3A_625, %dma_start3A_633, %dma_start3A_634, %dma_start3A_635] : memref<8x2x64x2x2048xf32, #tpu.memory_space<vmem>> -> memref<1x1x64x2x2048xf32, #tpu.memory_space<vmem>>
    %dma_start3A_637 = tpu.memref_squeeze %dma_start3A_636 : memref<1x1x64x2x2048xf32, #tpu.memory_space<vmem>> -> memref<64x2x2048xf32, #tpu.memory_space<vmem>>
    tpu.enqueue_dma source(%dma_start3A_637 : memref<64x2x2048xf32, #tpu.memory_space<vmem>>) target(%dma_start3A_632 : memref<64x2x2048xf32, #tpu.memory_space<any>>) target_semaphore(%dma_start3A_628 : memref<!tpu.dma_semaphore, #tpu.memory_space<semaphore_mem>>)
    %dma_wait3A_638 = arith.constant 3 : i32
    %dma_wait3A_639 = arith.constant 1 : i32
    %dma_wait3A_640 = arith.constant 3 : i32
    %dma_wait3A_641 = tpu.memref_slice %arg4[%dma_wait3A_640] : memref<8x!tpu.dma_semaphore, #tpu.memory_space<semaphore_mem>> -> memref<1x!tpu.dma_semaphore, #tpu.memory_space<semaphore_mem>>
    %dma_wait3A_642 = tpu.memref_squeeze %dma_wait3A_641 : memref<1x!tpu.dma_semaphore, #tpu.memory_space<semaphore_mem>> -> memref<!tpu.dma_semaphore, #tpu.memory_space<semaphore_mem>>
    %dma_wait3A_643 = arith.constant 0 : i32
    %dma_wait3A_644 = arith.constant 0 : i32
    %dma_wait3A_645 = arith.constant 0 : i32
    %dma_wait3A_646 = tpu.memref_slice %arg3[%dma_wait3A_638, %dma_wait3A_639, %dma_wait3A_643, %dma_wait3A_644, %dma_wait3A_645] : memref<8x2x64x2x2048xf32, #tpu.memory_space<vmem>> -> memref<1x1x64x2x2048xf32, #tpu.memory_space<vmem>>
    %dma_wait3A_647 = tpu.memref_squeeze %dma_wait3A_646 : memref<1x1x64x2x2048xf32, #tpu.memory_space<vmem>> -> memref<64x2x2048xf32, #tpu.memory_space<vmem>>
    %dma_wait3A_648 = arith.constant 832 : i32
    %dma_wait3A_649 = arith.constant 0 : i32
    %dma_wait3A_650 = arith.constant 0 : i32
    %dma_wait3A_651 = tpu.memref_slice %arg1[%dma_wait3A_648, %dma_wait3A_649, %dma_wait3A_650] : memref<2048x2x2048xf32, #tpu.memory_space<any>> -> memref<64x2x2048xf32, #tpu.memory_space<any>>
    tpu.wait_dma2 semaphore(%dma_wait3A_642 : memref<!tpu.dma_semaphore, #tpu.memory_space<semaphore_mem>>) src(%dma_wait3A_651 : memref<64x2x2048xf32, #tpu.memory_space<any>>) dst(%dma_wait3A_647 : memref<64x2x2048xf32, #tpu.memory_space<vmem>>)
    %get3A_652 = arith.constant 3 : index
    %get3A_653 = arith.constant 1 : index
    %get3A_654 = arith.constant 0 : index
    %get3A_655 = arith.constant 0 : index
    %get3A_656 = arith.constant 896 : index
    %get3A_657 = vector.load %arg3[%get3A_652, %get3A_653, %get3A_654, %get3A_655, %get3A_656] : memref<8x2x64x2x2048xf32, #tpu.memory_space<vmem>>, vector<1x1x64x2x256xf32>
    %get3A_658 = vector.shape_cast %get3A_657 : vector<1x1x64x2x256xf32> to vector<64x2x256xf32>
    %get3A_659 = arith.constant 64 : index
    %get3A_660 = arith.constant 0 : index
    %get3A_661 = arith.constant 0 : index
    %get3A_662 = vector.load %arg0[%get3A_659, %get3A_660, %get3A_661] : memref<256x2x256xf32, #tpu.memory_space<vmem>>, vector<64x2x256xf32>
    %gt3A_663 = arith.constant 5.000000e-01 : f32
    %gt3A_664 = vector.broadcast %gt3A_663 : f32 to vector<64x2x256xf32>
    %gt3A_665 = arith.cmpf ogt, %get3A_658, %gt3A_664 : vector<64x2x256xf32>
    %gt3A_666 = arith.constant 5.000000e-01 : f32
    %gt3A_667 = vector.broadcast %gt3A_666 : f32 to vector<64x2x256xf32>
    %gt3A_668 = arith.cmpf ogt, %get3A_662, %gt3A_667 : vector<64x2x256xf32>
    %or3A_669 = arith.ori %gt3A_665, %gt3A_668 : vector<64x2x256xi1>
    %jit3A_670 = arith.constant 1.000000e+00 : f32
    %jit3A_671 = arith.constant 0.000000e+00 : f32
    %broadcast_in_dim3A_672 = vector.broadcast %jit3A_670 : f32 to vector<64x2x256xf32>
    %broadcast_in_dim3A_673 = vector.broadcast %jit3A_671 : f32 to vector<64x2x256xf32>
    %select_n3A_674 = arith.select %or3A_669, %broadcast_in_dim3A_672, %broadcast_in_dim3A_673 : vector<64x2x256xi1>, vector<64x2x256xf32>
    %swap3A_675 = arith.constant 3 : index
    %swap3A_676 = arith.constant 1 : index
    %swap3A_677 = arith.constant 0 : index
    %swap3A_678 = arith.constant 0 : index
    %swap3A_679 = arith.constant 896 : index
    %swap3A_680 = vector.load %arg3[%swap3A_675, %swap3A_676, %swap3A_677, %swap3A_678, %swap3A_679] : memref<8x2x64x2x2048xf32, #tpu.memory_space<vmem>>, vector<1x1x64x2x256xf32>
    %swap3A_681 = vector.shape_cast %swap3A_680 : vector<1x1x64x2x256xf32> to vector<64x2x256xf32>
    %swap3A_682 = vector.shape_cast %select_n3A_674 : vector<64x2x256xf32> to vector<1x1x64x2x256xf32>
    tpu.vector_store %arg3[%swap3A_675, %swap3A_676, %swap3A_677, %swap3A_678, %swap3A_679], %swap3A_682 {strides = array<i32>} : memref<8x2x64x2x2048xf32, #tpu.memory_space<vmem>>, vector<1x1x64x2x256xf32>,
    %dma_wait3A_683 = arith.constant 3 : i32
    %dma_wait3A_684 = arith.constant 0 : i32
    %dma_wait3A_685 = arith.constant 3 : i32
    %dma_wait3A_686 = tpu.memref_slice %arg5[%dma_wait3A_685] : memref<8x!tpu.dma_semaphore, #tpu.memory_space<semaphore_mem>> -> memref<1x!tpu.dma_semaphore, #tpu.memory_space<semaphore_mem>>
    %dma_wait3A_687 = tpu.memref_squeeze %dma_wait3A_686 : memref<1x!tpu.dma_semaphore, #tpu.memory_space<semaphore_mem>> -> memref<!tpu.dma_semaphore, #tpu.memory_space<semaphore_mem>>
    %dma_wait3A_688 = arith.constant 768 : i32
    %dma_wait3A_689 = arith.constant 0 : i32
    %dma_wait3A_690 = arith.constant 0 : i32
    %dma_wait3A_691 = tpu.memref_slice %arg2[%dma_wait3A_688, %dma_wait3A_689, %dma_wait3A_690] : memref<2048x2x2048xf32, #tpu.memory_space<any>> -> memref<64x2x2048xf32, #tpu.memory_space<any>>
    %dma_wait3A_692 = arith.constant 0 : i32
    %dma_wait3A_693 = arith.constant 0 : i32
    %dma_wait3A_694 = arith.constant 0 : i32
    %dma_wait3A_695 = tpu.memref_slice %arg3[%dma_wait3A_683, %dma_wait3A_684, %dma_wait3A_692, %dma_wait3A_693, %dma_wait3A_694] : memref<8x2x64x2x2048xf32, #tpu.memory_space<vmem>> -> memref<1x1x64x2x2048xf32, #tpu.memory_space<vmem>>
    %dma_wait3A_696 = tpu.memref_squeeze %dma_wait3A_695 : memref<1x1x64x2x2048xf32, #tpu.memory_space<vmem>> -> memref<64x2x2048xf32, #tpu.memory_space<vmem>>
    tpu.wait_dma2 semaphore(%dma_wait3A_687 : memref<!tpu.dma_semaphore, #tpu.memory_space<semaphore_mem>>) src(%dma_wait3A_696 : memref<64x2x2048xf32, #tpu.memory_space<vmem>>) dst(%dma_wait3A_691 : memref<64x2x2048xf32, #tpu.memory_space<any>>)
    %dma_start3A_697 = arith.constant 3 : i32
    %dma_start3A_698 = arith.constant 0 : i32
    %dma_start3A_699 = arith.constant 3 : i32
    %dma_start3A_700 = tpu.memref_slice %arg4[%dma_start3A_699] : memref<8x!tpu.dma_semaphore, #tpu.memory_space<semaphore_mem>> -> memref<1x!tpu.dma_semaphore, #tpu.memory_space<semaphore_mem>>
    %dma_start3A_701 = tpu.memref_squeeze %dma_start3A_700 : memref<1x!tpu.dma_semaphore, #tpu.memory_space<semaphore_mem>> -> memref<!tpu.dma_semaphore, #tpu.memory_space<semaphore_mem>>
    %dma_start3A_702 = arith.constant 0 : i32
    %dma_start3A_703 = arith.constant 0 : i32
    %dma_start3A_704 = arith.constant 0 : i32
    %dma_start3A_705 = tpu.memref_slice %arg3[%dma_start3A_697, %dma_start3A_698, %dma_start3A_702, %dma_start3A_703, %dma_start3A_704] : memref<8x2x64x2x2048xf32, #tpu.memory_space<vmem>> -> memref<1x1x64x2x2048xf32, #tpu.memory_space<vmem>>
    %dma_start3A_706 = tpu.memref_squeeze %dma_start3A_705 : memref<1x1x64x2x2048xf32, #tpu.memory_space<vmem>> -> memref<64x2x2048xf32, #tpu.memory_space<vmem>>
    %dma_start3A_707 = arith.constant 896 : i32
    %dma_start3A_708 = arith.constant 0 : i32
    %dma_start3A_709 = arith.constant 0 : i32
    %dma_start3A_710 = tpu.memref_slice %arg1[%dma_start3A_707, %dma_start3A_708, %dma_start3A_709] : memref<2048x2x2048xf32, #tpu.memory_space<any>> -> memref<64x2x2048xf32, #tpu.memory_space<any>>
    tpu.enqueue_dma source(%dma_start3A_710 : memref<64x2x2048xf32, #tpu.memory_space<any>>) target(%dma_start3A_706 : memref<64x2x2048xf32, #tpu.memory_space<vmem>>) target_semaphore(%dma_start3A_701 : memref<!tpu.dma_semaphore, #tpu.memory_space<semaphore_mem>>)
    %dma_start3A_711 = arith.constant 3 : i32
    %dma_start3A_712 = arith.constant 1 : i32
    %dma_start3A_713 = arith.constant 3 : i32
    %dma_start3A_714 = tpu.memref_slice %arg5[%dma_start3A_713] : memref<8x!tpu.dma_semaphore, #tpu.memory_space<semaphore_mem>> -> memref<1x!tpu.dma_semaphore, #tpu.memory_space<semaphore_mem>>
    %dma_start3A_715 = tpu.memref_squeeze %dma_start3A_714 : memref<1x!tpu.dma_semaphore, #tpu.memory_space<semaphore_mem>> -> memref<!tpu.dma_semaphore, #tpu.memory_space<semaphore_mem>>
    %dma_start3A_716 = arith.constant 832 : i32
    %dma_start3A_717 = arith.constant 0 : i32
    %dma_start3A_718 = arith.constant 0 : i32
    %dma_start3A_719 = tpu.memref_slice %arg2[%dma_start3A_716, %dma_start3A_717, %dma_start3A_718] : memref<2048x2x2048xf32, #tpu.memory_space<any>> -> memref<64x2x2048xf32, #tpu.memory_space<any>>
    %dma_start3A_720 = arith.constant 0 : i32
    %dma_start3A_721 = arith.constant 0 : i32
    %dma_start3A_722 = arith.constant 0 : i32
    %dma_start3A_723 = tpu.memref_slice %arg3[%dma_start3A_711, %dma_start3A_712, %dma_start3A_720, %dma_start3A_721, %dma_start3A_722] : memref<8x2x64x2x2048xf32, #tpu.memory_space<vmem>> -> memref<1x1x64x2x2048xf32, #tpu.memory_space<vmem>>
    %dma_start3A_724 = tpu.memref_squeeze %dma_start3A_723 : memref<1x1x64x2x2048xf32, #tpu.memory_space<vmem>> -> memref<64x2x2048xf32, #tpu.memory_space<vmem>>
    tpu.enqueue_dma source(%dma_start3A_724 : memref<64x2x2048xf32, #tpu.memory_space<vmem>>) target(%dma_start3A_719 : memref<64x2x2048xf32, #tpu.memory_space<any>>) target_semaphore(%dma_start3A_715 : memref<!tpu.dma_semaphore, #tpu.memory_space<semaphore_mem>>)
    %dma_wait3A_725 = arith.constant 4 : i32
    %dma_wait3A_726 = arith.constant 1 : i32
    %dma_wait3A_727 = arith.constant 4 : i32
    %dma_wait3A_728 = tpu.memref_slice %arg4[%dma_wait3A_727] : memref<8x!tpu.dma_semaphore, #tpu.memory_space<semaphore_mem>> -> memref<1x!tpu.dma_semaphore, #tpu.memory_space<semaphore_mem>>
    %dma_wait3A_729 = tpu.memref_squeeze %dma_wait3A_728 : memref<1x!tpu.dma_semaphore, #tpu.memory_space<semaphore_mem>> -> memref<!tpu.dma_semaphore, #tpu.memory_space<semaphore_mem>>
    %dma_wait3A_730 = arith.constant 0 : i32
    %dma_wait3A_731 = arith.constant 0 : i32
    %dma_wait3A_732 = arith.constant 0 : i32
    %dma_wait3A_733 = tpu.memref_slice %arg3[%dma_wait3A_725, %dma_wait3A_726, %dma_wait3A_730, %dma_wait3A_731, %dma_wait3A_732] : memref<8x2x64x2x2048xf32, #tpu.memory_space<vmem>> -> memref<1x1x64x2x2048xf32, #tpu.memory_space<vmem>>
    %dma_wait3A_734 = tpu.memref_squeeze %dma_wait3A_733 : memref<1x1x64x2x2048xf32, #tpu.memory_space<vmem>> -> memref<64x2x2048xf32, #tpu.memory_space<vmem>>
    %dma_wait3A_735 = arith.constant 1088 : i32
    %dma_wait3A_736 = arith.constant 0 : i32
    %dma_wait3A_737 = arith.constant 0 : i32
    %dma_wait3A_738 = tpu.memref_slice %arg1[%dma_wait3A_735, %dma_wait3A_736, %dma_wait3A_737] : memref<2048x2x2048xf32, #tpu.memory_space<any>> -> memref<64x2x2048xf32, #tpu.memory_space<any>>
    tpu.wait_dma2 semaphore(%dma_wait3A_729 : memref<!tpu.dma_semaphore, #tpu.memory_space<semaphore_mem>>) src(%dma_wait3A_738 : memref<64x2x2048xf32, #tpu.memory_space<any>>) dst(%dma_wait3A_734 : memref<64x2x2048xf32, #tpu.memory_space<vmem>>)
    %dma_wait3A_739 = arith.constant 4 : i32
    %dma_wait3A_740 = arith.constant 0 : i32
    %dma_wait3A_741 = arith.constant 4 : i32
    %dma_wait3A_742 = tpu.memref_slice %arg5[%dma_wait3A_741] : memref<8x!tpu.dma_semaphore, #tpu.memory_space<semaphore_mem>> -> memref<1x!tpu.dma_semaphore, #tpu.memory_space<semaphore_mem>>
    %dma_wait3A_743 = tpu.memref_squeeze %dma_wait3A_742 : memref<1x!tpu.dma_semaphore, #tpu.memory_space<semaphore_mem>> -> memref<!tpu.dma_semaphore, #tpu.memory_space<semaphore_mem>>
    %dma_wait3A_744 = arith.constant 1024 : i32
    %dma_wait3A_745 = arith.constant 0 : i32
    %dma_wait3A_746 = arith.constant 0 : i32
    %dma_wait3A_747 = tpu.memref_slice %arg2[%dma_wait3A_744, %dma_wait3A_745, %dma_wait3A_746] : memref<2048x2x2048xf32, #tpu.memory_space<any>> -> memref<64x2x2048xf32, #tpu.memory_space<any>>
    %dma_wait3A_748 = arith.constant 0 : i32
    %dma_wait3A_749 = arith.constant 0 : i32
    %dma_wait3A_750 = arith.constant 0 : i32
    %dma_wait3A_751 = tpu.memref_slice %arg3[%dma_wait3A_739, %dma_wait3A_740, %dma_wait3A_748, %dma_wait3A_749, %dma_wait3A_750] : memref<8x2x64x2x2048xf32, #tpu.memory_space<vmem>> -> memref<1x1x64x2x2048xf32, #tpu.memory_space<vmem>>
    %dma_wait3A_752 = tpu.memref_squeeze %dma_wait3A_751 : memref<1x1x64x2x2048xf32, #tpu.memory_space<vmem>> -> memref<64x2x2048xf32, #tpu.memory_space<vmem>>
    tpu.wait_dma2 semaphore(%dma_wait3A_743 : memref<!tpu.dma_semaphore, #tpu.memory_space<semaphore_mem>>) src(%dma_wait3A_752 : memref<64x2x2048xf32, #tpu.memory_space<vmem>>) dst(%dma_wait3A_747 : memref<64x2x2048xf32, #tpu.memory_space<any>>)
    %dma_start3A_753 = arith.constant 4 : i32
    %dma_start3A_754 = arith.constant 0 : i32
    %dma_start3A_755 = arith.constant 4 : i32
    %dma_start3A_756 = tpu.memref_slice %arg4[%dma_start3A_755] : memref<8x!tpu.dma_semaphore, #tpu.memory_space<semaphore_mem>> -> memref<1x!tpu.dma_semaphore, #tpu.memory_space<semaphore_mem>>
    %dma_start3A_757 = tpu.memref_squeeze %dma_start3A_756 : memref<1x!tpu.dma_semaphore, #tpu.memory_space<semaphore_mem>> -> memref<!tpu.dma_semaphore, #tpu.memory_space<semaphore_mem>>
    %dma_start3A_758 = arith.constant 0 : i32
    %dma_start3A_759 = arith.constant 0 : i32
    %dma_start3A_760 = arith.constant 0 : i32
    %dma_start3A_761 = tpu.memref_slice %arg3[%dma_start3A_753, %dma_start3A_754, %dma_start3A_758, %dma_start3A_759, %dma_start3A_760] : memref<8x2x64x2x2048xf32, #tpu.memory_space<vmem>> -> memref<1x1x64x2x2048xf32, #tpu.memory_space<vmem>>
    %dma_start3A_762 = tpu.memref_squeeze %dma_start3A_761 : memref<1x1x64x2x2048xf32, #tpu.memory_space<vmem>> -> memref<64x2x2048xf32, #tpu.memory_space<vmem>>
    %dma_start3A_763 = arith.constant 1152 : i32
    %dma_start3A_764 = arith.constant 0 : i32
    %dma_start3A_765 = arith.constant 0 : i32
    %dma_start3A_766 = tpu.memref_slice %arg1[%dma_start3A_763, %dma_start3A_764, %dma_start3A_765] : memref<2048x2x2048xf32, #tpu.memory_space<any>> -> memref<64x2x2048xf32, #tpu.memory_space<any>>
    tpu.enqueue_dma source(%dma_start3A_766 : memref<64x2x2048xf32, #tpu.memory_space<any>>) target(%dma_start3A_762 : memref<64x2x2048xf32, #tpu.memory_space<vmem>>) target_semaphore(%dma_start3A_757 : memref<!tpu.dma_semaphore, #tpu.memory_space<semaphore_mem>>)
    %dma_start3A_767 = arith.constant 4 : i32
    %dma_start3A_768 = arith.constant 1 : i32
    %dma_start3A_769 = arith.constant 4 : i32
    %dma_start3A_770 = tpu.memref_slice %arg5[%dma_start3A_769] : memref<8x!tpu.dma_semaphore, #tpu.memory_space<semaphore_mem>> -> memref<1x!tpu.dma_semaphore, #tpu.memory_space<semaphore_mem>>
    %dma_start3A_771 = tpu.memref_squeeze %dma_start3A_770 : memref<1x!tpu.dma_semaphore, #tpu.memory_space<semaphore_mem>> -> memref<!tpu.dma_semaphore, #tpu.memory_space<semaphore_mem>>
    %dma_start3A_772 = arith.constant 1088 : i32
    %dma_start3A_773 = arith.constant 0 : i32
    %dma_start3A_774 = arith.constant 0 : i32
    %dma_start3A_775 = tpu.memref_slice %arg2[%dma_start3A_772, %dma_start3A_773, %dma_start3A_774] : memref<2048x2x2048xf32, #tpu.memory_space<any>> -> memref<64x2x2048xf32, #tpu.memory_space<any>>
    %dma_start3A_776 = arith.constant 0 : i32
    %dma_start3A_777 = arith.constant 0 : i32
    %dma_start3A_778 = arith.constant 0 : i32
    %dma_start3A_779 = tpu.memref_slice %arg3[%dma_start3A_767, %dma_start3A_768, %dma_start3A_776, %dma_start3A_777, %dma_start3A_778] : memref<8x2x64x2x2048xf32, #tpu.memory_space<vmem>> -> memref<1x1x64x2x2048xf32, #tpu.memory_space<vmem>>
    %dma_start3A_780 = tpu.memref_squeeze %dma_start3A_779 : memref<1x1x64x2x2048xf32, #tpu.memory_space<vmem>> -> memref<64x2x2048xf32, #tpu.memory_space<vmem>>
    tpu.enqueue_dma source(%dma_start3A_780 : memref<64x2x2048xf32, #tpu.memory_space<vmem>>) target(%dma_start3A_775 : memref<64x2x2048xf32, #tpu.memory_space<any>>) target_semaphore(%dma_start3A_771 : memref<!tpu.dma_semaphore, #tpu.memory_space<semaphore_mem>>)
    %dma_wait3A_781 = arith.constant 5 : i32
    %dma_wait3A_782 = arith.constant 1 : i32
    %dma_wait3A_783 = arith.constant 5 : i32
    %dma_wait3A_784 = tpu.memref_slice %arg4[%dma_wait3A_783] : memref<8x!tpu.dma_semaphore, #tpu.memory_space<semaphore_mem>> -> memref<1x!tpu.dma_semaphore, #tpu.memory_space<semaphore_mem>>
    %dma_wait3A_785 = tpu.memref_squeeze %dma_wait3A_784 : memref<1x!tpu.dma_semaphore, #tpu.memory_space<semaphore_mem>> -> memref<!tpu.dma_semaphore, #tpu.memory_space<semaphore_mem>>
    %dma_wait3A_786 = arith.constant 0 : i32
    %dma_wait3A_787 = arith.constant 0 : i32
    %dma_wait3A_788 = arith.constant 0 : i32
    %dma_wait3A_789 = tpu.memref_slice %arg3[%dma_wait3A_781, %dma_wait3A_782, %dma_wait3A_786, %dma_wait3A_787, %dma_wait3A_788] : memref<8x2x64x2x2048xf32, #tpu.memory_space<vmem>> -> memref<1x1x64x2x2048xf32, #tpu.memory_space<vmem>>
    %dma_wait3A_790 = tpu.memref_squeeze %dma_wait3A_789 : memref<1x1x64x2x2048xf32, #tpu.memory_space<vmem>> -> memref<64x2x2048xf32, #tpu.memory_space<vmem>>
    %dma_wait3A_791 = arith.constant 1344 : i32
    %dma_wait3A_792 = arith.constant 0 : i32
    %dma_wait3A_793 = arith.constant 0 : i32
    %dma_wait3A_794 = tpu.memref_slice %arg1[%dma_wait3A_791, %dma_wait3A_792, %dma_wait3A_793] : memref<2048x2x2048xf32, #tpu.memory_space<any>> -> memref<64x2x2048xf32, #tpu.memory_space<any>>
    tpu.wait_dma2 semaphore(%dma_wait3A_785 : memref<!tpu.dma_semaphore, #tpu.memory_space<semaphore_mem>>) src(%dma_wait3A_794 : memref<64x2x2048xf32, #tpu.memory_space<any>>) dst(%dma_wait3A_790 : memref<64x2x2048xf32, #tpu.memory_space<vmem>>)
    %dma_wait3A_795 = arith.constant 5 : i32
    %dma_wait3A_796 = arith.constant 0 : i32
    %dma_wait3A_797 = arith.constant 5 : i32
    %dma_wait3A_798 = tpu.memref_slice %arg5[%dma_wait3A_797] : memref<8x!tpu.dma_semaphore, #tpu.memory_space<semaphore_mem>> -> memref<1x!tpu.dma_semaphore, #tpu.memory_space<semaphore_mem>>
    %dma_wait3A_799 = tpu.memref_squeeze %dma_wait3A_798 : memref<1x!tpu.dma_semaphore, #tpu.memory_space<semaphore_mem>> -> memref<!tpu.dma_semaphore, #tpu.memory_space<semaphore_mem>>
    %dma_wait3A_800 = arith.constant 1280 : i32
    %dma_wait3A_801 = arith.constant 0 : i32
    %dma_wait3A_802 = arith.constant 0 : i32
    %dma_wait3A_803 = tpu.memref_slice %arg2[%dma_wait3A_800, %dma_wait3A_801, %dma_wait3A_802] : memref<2048x2x2048xf32, #tpu.memory_space<any>> -> memref<64x2x2048xf32, #tpu.memory_space<any>>
    %dma_wait3A_804 = arith.constant 0 : i32
    %dma_wait3A_805 = arith.constant 0 : i32
    %dma_wait3A_806 = arith.constant 0 : i32
    %dma_wait3A_807 = tpu.memref_slice %arg3[%dma_wait3A_795, %dma_wait3A_796, %dma_wait3A_804, %dma_wait3A_805, %dma_wait3A_806] : memref<8x2x64x2x2048xf32, #tpu.memory_space<vmem>> -> memref<1x1x64x2x2048xf32, #tpu.memory_space<vmem>>
    %dma_wait3A_808 = tpu.memref_squeeze %dma_wait3A_807 : memref<1x1x64x2x2048xf32, #tpu.memory_space<vmem>> -> memref<64x2x2048xf32, #tpu.memory_space<vmem>>
    tpu.wait_dma2 semaphore(%dma_wait3A_799 : memref<!tpu.dma_semaphore, #tpu.memory_space<semaphore_mem>>) src(%dma_wait3A_808 : memref<64x2x2048xf32, #tpu.memory_space<vmem>>) dst(%dma_wait3A_803 : memref<64x2x2048xf32, #tpu.memory_space<any>>)
    %dma_start3A_809 = arith.constant 5 : i32
    %dma_start3A_810 = arith.constant 0 : i32
    %dma_start3A_811 = arith.constant 5 : i32
    %dma_start3A_812 = tpu.memref_slice %arg4[%dma_start3A_811] : memref<8x!tpu.dma_semaphore, #tpu.memory_space<semaphore_mem>> -> memref<1x!tpu.dma_semaphore, #tpu.memory_space<semaphore_mem>>
    %dma_start3A_813 = tpu.memref_squeeze %dma_start3A_812 : memref<1x!tpu.dma_semaphore, #tpu.memory_space<semaphore_mem>> -> memref<!tpu.dma_semaphore, #tpu.memory_space<semaphore_mem>>
    %dma_start3A_814 = arith.constant 0 : i32
    %dma_start3A_815 = arith.constant 0 : i32
    %dma_start3A_816 = arith.constant 0 : i32
    %dma_start3A_817 = tpu.memref_slice %arg3[%dma_start3A_809, %dma_start3A_810, %dma_start3A_814, %dma_start3A_815, %dma_start3A_816] : memref<8x2x64x2x2048xf32, #tpu.memory_space<vmem>> -> memref<1x1x64x2x2048xf32, #tpu.memory_space<vmem>>
    %dma_start3A_818 = tpu.memref_squeeze %dma_start3A_817 : memref<1x1x64x2x2048xf32, #tpu.memory_space<vmem>> -> memref<64x2x2048xf32, #tpu.memory_space<vmem>>
    %dma_start3A_819 = arith.constant 1408 : i32
    %dma_start3A_820 = arith.constant 0 : i32
    %dma_start3A_821 = arith.constant 0 : i32
    %dma_start3A_822 = tpu.memref_slice %arg1[%dma_start3A_819, %dma_start3A_820, %dma_start3A_821] : memref<2048x2x2048xf32, #tpu.memory_space<any>> -> memref<64x2x2048xf32, #tpu.memory_space<any>>
    tpu.enqueue_dma source(%dma_start3A_822 : memref<64x2x2048xf32, #tpu.memory_space<any>>) target(%dma_start3A_818 : memref<64x2x2048xf32, #tpu.memory_space<vmem>>) target_semaphore(%dma_start3A_813 : memref<!tpu.dma_semaphore, #tpu.memory_space<semaphore_mem>>)
    %dma_start3A_823 = arith.constant 5 : i32
    %dma_start3A_824 = arith.constant 1 : i32
    %dma_start3A_825 = arith.constant 5 : i32
    %dma_start3A_826 = tpu.memref_slice %arg5[%dma_start3A_825] : memref<8x!tpu.dma_semaphore, #tpu.memory_space<semaphore_mem>> -> memref<1x!tpu.dma_semaphore, #tpu.memory_space<semaphore_mem>>
    %dma_start3A_827 = tpu.memref_squeeze %dma_start3A_826 : memref<1x!tpu.dma_semaphore, #tpu.memory_space<semaphore_mem>> -> memref<!tpu.dma_semaphore, #tpu.memory_space<semaphore_mem>>
    %dma_start3A_828 = arith.constant 1344 : i32
    %dma_start3A_829 = arith.constant 0 : i32
    %dma_start3A_830 = arith.constant 0 : i32
    %dma_start3A_831 = tpu.memref_slice %arg2[%dma_start3A_828, %dma_start3A_829, %dma_start3A_830] : memref<2048x2x2048xf32, #tpu.memory_space<any>> -> memref<64x2x2048xf32, #tpu.memory_space<any>>
    %dma_start3A_832 = arith.constant 0 : i32
    %dma_start3A_833 = arith.constant 0 : i32
    %dma_start3A_834 = arith.constant 0 : i32
    %dma_start3A_835 = tpu.memref_slice %arg3[%dma_start3A_823, %dma_start3A_824, %dma_start3A_832, %dma_start3A_833, %dma_start3A_834] : memref<8x2x64x2x2048xf32, #tpu.memory_space<vmem>> -> memref<1x1x64x2x2048xf32, #tpu.memory_space<vmem>>
    %dma_start3A_836 = tpu.memref_squeeze %dma_start3A_835 : memref<1x1x64x2x2048xf32, #tpu.memory_space<vmem>> -> memref<64x2x2048xf32, #tpu.memory_space<vmem>>
    tpu.enqueue_dma source(%dma_start3A_836 : memref<64x2x2048xf32, #tpu.memory_space<vmem>>) target(%dma_start3A_831 : memref<64x2x2048xf32, #tpu.memory_space<any>>) target_semaphore(%dma_start3A_827 : memref<!tpu.dma_semaphore, #tpu.memory_space<semaphore_mem>>)
    %dma_wait3A_837 = arith.constant 6 : i32
    %dma_wait3A_838 = arith.constant 1 : i32
    %dma_wait3A_839 = arith.constant 6 : i32
    %dma_wait3A_840 = tpu.memref_slice %arg4[%dma_wait3A_839] : memref<8x!tpu.dma_semaphore, #tpu.memory_space<semaphore_mem>> -> memref<1x!tpu.dma_semaphore, #tpu.memory_space<semaphore_mem>>
    %dma_wait3A_841 = tpu.memref_squeeze %dma_wait3A_840 : memref<1x!tpu.dma_semaphore, #tpu.memory_space<semaphore_mem>> -> memref<!tpu.dma_semaphore, #tpu.memory_space<semaphore_mem>>
    %dma_wait3A_842 = arith.constant 0 : i32
    %dma_wait3A_843 = arith.constant 0 : i32
    %dma_wait3A_844 = arith.constant 0 : i32
    %dma_wait3A_845 = tpu.memref_slice %arg3[%dma_wait3A_837, %dma_wait3A_838, %dma_wait3A_842, %dma_wait3A_843, %dma_wait3A_844] : memref<8x2x64x2x2048xf32, #tpu.memory_space<vmem>> -> memref<1x1x64x2x2048xf32, #tpu.memory_space<vmem>>
    %dma_wait3A_846 = tpu.memref_squeeze %dma_wait3A_845 : memref<1x1x64x2x2048xf32, #tpu.memory_space<vmem>> -> memref<64x2x2048xf32, #tpu.memory_space<vmem>>
    %dma_wait3A_847 = arith.constant 1600 : i32
    %dma_wait3A_848 = arith.constant 0 : i32
    %dma_wait3A_849 = arith.constant 0 : i32
    %dma_wait3A_850 = tpu.memref_slice %arg1[%dma_wait3A_847, %dma_wait3A_848, %dma_wait3A_849] : memref<2048x2x2048xf32, #tpu.memory_space<any>> -> memref<64x2x2048xf32, #tpu.memory_space<any>>
    tpu.wait_dma2 semaphore(%dma_wait3A_841 : memref<!tpu.dma_semaphore, #tpu.memory_space<semaphore_mem>>) src(%dma_wait3A_850 : memref<64x2x2048xf32, #tpu.memory_space<any>>) dst(%dma_wait3A_846 : memref<64x2x2048xf32, #tpu.memory_space<vmem>>)
    %dma_wait3A_851 = arith.constant 6 : i32
    %dma_wait3A_852 = arith.constant 0 : i32
    %dma_wait3A_853 = arith.constant 6 : i32
    %dma_wait3A_854 = tpu.memref_slice %arg5[%dma_wait3A_853] : memref<8x!tpu.dma_semaphore, #tpu.memory_space<semaphore_mem>> -> memref<1x!tpu.dma_semaphore, #tpu.memory_space<semaphore_mem>>
    %dma_wait3A_855 = tpu.memref_squeeze %dma_wait3A_854 : memref<1x!tpu.dma_semaphore, #tpu.memory_space<semaphore_mem>> -> memref<!tpu.dma_semaphore, #tpu.memory_space<semaphore_mem>>
    %dma_wait3A_856 = arith.constant 1536 : i32
    %dma_wait3A_857 = arith.constant 0 : i32
    %dma_wait3A_858 = arith.constant 0 : i32
    %dma_wait3A_859 = tpu.memref_slice %arg2[%dma_wait3A_856, %dma_wait3A_857, %dma_wait3A_858] : memref<2048x2x2048xf32, #tpu.memory_space<any>> -> memref<64x2x2048xf32, #tpu.memory_space<any>>
    %dma_wait3A_860 = arith.constant 0 : i32
    %dma_wait3A_861 = arith.constant 0 : i32
    %dma_wait3A_862 = arith.constant 0 : i32
    %dma_wait3A_863 = tpu.memref_slice %arg3[%dma_wait3A_851, %dma_wait3A_852, %dma_wait3A_860, %dma_wait3A_861, %dma_wait3A_862] : memref<8x2x64x2x2048xf32, #tpu.memory_space<vmem>> -> memref<1x1x64x2x2048xf32, #tpu.memory_space<vmem>>
    %dma_wait3A_864 = tpu.memref_squeeze %dma_wait3A_863 : memref<1x1x64x2x2048xf32, #tpu.memory_space<vmem>> -> memref<64x2x2048xf32, #tpu.memory_space<vmem>>
    tpu.wait_dma2 semaphore(%dma_wait3A_855 : memref<!tpu.dma_semaphore, #tpu.memory_space<semaphore_mem>>) src(%dma_wait3A_864 : memref<64x2x2048xf32, #tpu.memory_space<vmem>>) dst(%dma_wait3A_859 : memref<64x2x2048xf32, #tpu.memory_space<any>>)
    %dma_start3A_865 = arith.constant 6 : i32
    %dma_start3A_866 = arith.constant 0 : i32
    %dma_start3A_867 = arith.constant 6 : i32
    %dma_start3A_868 = tpu.memref_slice %arg4[%dma_start3A_867] : memref<8x!tpu.dma_semaphore, #tpu.memory_space<semaphore_mem>> -> memref<1x!tpu.dma_semaphore, #tpu.memory_space<semaphore_mem>>
    %dma_start3A_869 = tpu.memref_squeeze %dma_start3A_868 : memref<1x!tpu.dma_semaphore, #tpu.memory_space<semaphore_mem>> -> memref<!tpu.dma_semaphore, #tpu.memory_space<semaphore_mem>>
    %dma_start3A_870 = arith.constant 0 : i32
    %dma_start3A_871 = arith.constant 0 : i32
    %dma_start3A_872 = arith.constant 0 : i32
    %dma_start3A_873 = tpu.memref_slice %arg3[%dma_start3A_865, %dma_start3A_866, %dma_start3A_870, %dma_start3A_871, %dma_start3A_872] : memref<8x2x64x2x2048xf32, #tpu.memory_space<vmem>> -> memref<1x1x64x2x2048xf32, #tpu.memory_space<vmem>>
    %dma_start3A_874 = tpu.memref_squeeze %dma_start3A_873 : memref<1x1x64x2x2048xf32, #tpu.memory_space<vmem>> -> memref<64x2x2048xf32, #tpu.memory_space<vmem>>
    %dma_start3A_875 = arith.constant 1664 : i32
    %dma_start3A_876 = arith.constant 0 : i32
    %dma_start3A_877 = arith.constant 0 : i32
    %dma_start3A_878 = tpu.memref_slice %arg1[%dma_start3A_875, %dma_start3A_876, %dma_start3A_877] : memref<2048x2x2048xf32, #tpu.memory_space<any>> -> memref<64x2x2048xf32, #tpu.memory_space<any>>
    tpu.enqueue_dma source(%dma_start3A_878 : memref<64x2x2048xf32, #tpu.memory_space<any>>) target(%dma_start3A_874 : memref<64x2x2048xf32, #tpu.memory_space<vmem>>) target_semaphore(%dma_start3A_869 : memref<!tpu.dma_semaphore, #tpu.memory_space<semaphore_mem>>)
    %dma_start3A_879 = arith.constant 6 : i32
    %dma_start3A_880 = arith.constant 1 : i32
    %dma_start3A_881 = arith.constant 6 : i32
    %dma_start3A_882 = tpu.memref_slice %arg5[%dma_start3A_881] : memref<8x!tpu.dma_semaphore, #tpu.memory_space<semaphore_mem>> -> memref<1x!tpu.dma_semaphore, #tpu.memory_space<semaphore_mem>>
    %dma_start3A_883 = tpu.memref_squeeze %dma_start3A_882 : memref<1x!tpu.dma_semaphore, #tpu.memory_space<semaphore_mem>> -> memref<!tpu.dma_semaphore, #tpu.memory_space<semaphore_mem>>
    %dma_start3A_884 = arith.constant 1600 : i32
    %dma_start3A_885 = arith.constant 0 : i32
    %dma_start3A_886 = arith.constant 0 : i32
    %dma_start3A_887 = tpu.memref_slice %arg2[%dma_start3A_884, %dma_start3A_885, %dma_start3A_886] : memref<2048x2x2048xf32, #tpu.memory_space<any>> -> memref<64x2x2048xf32, #tpu.memory_space<any>>
    %dma_start3A_888 = arith.constant 0 : i32
    %dma_start3A_889 = arith.constant 0 : i32
    %dma_start3A_890 = arith.constant 0 : i32
    %dma_start3A_891 = tpu.memref_slice %arg3[%dma_start3A_879, %dma_start3A_880, %dma_start3A_888, %dma_start3A_889, %dma_start3A_890] : memref<8x2x64x2x2048xf32, #tpu.memory_space<vmem>> -> memref<1x1x64x2x2048xf32, #tpu.memory_space<vmem>>
    %dma_start3A_892 = tpu.memref_squeeze %dma_start3A_891 : memref<1x1x64x2x2048xf32, #tpu.memory_space<vmem>> -> memref<64x2x2048xf32, #tpu.memory_space<vmem>>
    tpu.enqueue_dma source(%dma_start3A_892 : memref<64x2x2048xf32, #tpu.memory_space<vmem>>) target(%dma_start3A_887 : memref<64x2x2048xf32, #tpu.memory_space<any>>) target_semaphore(%dma_start3A_883 : memref<!tpu.dma_semaphore, #tpu.memory_space<semaphore_mem>>)
    %dma_wait3A_893 = arith.constant 7 : i32
    %dma_wait3A_894 = arith.constant 1 : i32
    %dma_wait3A_895 = arith.constant 7 : i32
    %dma_wait3A_896 = tpu.memref_slice %arg4[%dma_wait3A_895] : memref<8x!tpu.dma_semaphore, #tpu.memory_space<semaphore_mem>> -> memref<1x!tpu.dma_semaphore, #tpu.memory_space<semaphore_mem>>
    %dma_wait3A_897 = tpu.memref_squeeze %dma_wait3A_896 : memref<1x!tpu.dma_semaphore, #tpu.memory_space<semaphore_mem>> -> memref<!tpu.dma_semaphore, #tpu.memory_space<semaphore_mem>>
    %dma_wait3A_898 = arith.constant 0 : i32
    %dma_wait3A_899 = arith.constant 0 : i32
    %dma_wait3A_900 = arith.constant 0 : i32
    %dma_wait3A_901 = tpu.memref_slice %arg3[%dma_wait3A_893, %dma_wait3A_894, %dma_wait3A_898, %dma_wait3A_899, %dma_wait3A_900] : memref<8x2x64x2x2048xf32, #tpu.memory_space<vmem>> -> memref<1x1x64x2x2048xf32, #tpu.memory_space<vmem>>
    %dma_wait3A_902 = tpu.memref_squeeze %dma_wait3A_901 : memref<1x1x64x2x2048xf32, #tpu.memory_space<vmem>> -> memref<64x2x2048xf32, #tpu.memory_space<vmem>>
    %dma_wait3A_903 = arith.constant 1856 : i32
    %dma_wait3A_904 = arith.constant 0 : i32
    %dma_wait3A_905 = arith.constant 0 : i32
    %dma_wait3A_906 = tpu.memref_slice %arg1[%dma_wait3A_903, %dma_wait3A_904, %dma_wait3A_905] : memref<2048x2x2048xf32, #tpu.memory_space<any>> -> memref<64x2x2048xf32, #tpu.memory_space<any>>
    tpu.wait_dma2 semaphore(%dma_wait3A_897 : memref<!tpu.dma_semaphore, #tpu.memory_space<semaphore_mem>>) src(%dma_wait3A_906 : memref<64x2x2048xf32, #tpu.memory_space<any>>) dst(%dma_wait3A_902 : memref<64x2x2048xf32, #tpu.memory_space<vmem>>)
    %dma_wait3A_907 = arith.constant 7 : i32
    %dma_wait3A_908 = arith.constant 0 : i32
    %dma_wait3A_909 = arith.constant 7 : i32
    %dma_wait3A_910 = tpu.memref_slice %arg5[%dma_wait3A_909] : memref<8x!tpu.dma_semaphore, #tpu.memory_space<semaphore_mem>> -> memref<1x!tpu.dma_semaphore, #tpu.memory_space<semaphore_mem>>
    %dma_wait3A_911 = tpu.memref_squeeze %dma_wait3A_910 : memref<1x!tpu.dma_semaphore, #tpu.memory_space<semaphore_mem>> -> memref<!tpu.dma_semaphore, #tpu.memory_space<semaphore_mem>>
    %dma_wait3A_912 = arith.constant 1792 : i32
    %dma_wait3A_913 = arith.constant 0 : i32
    %dma_wait3A_914 = arith.constant 0 : i32
    %dma_wait3A_915 = tpu.memref_slice %arg2[%dma_wait3A_912, %dma_wait3A_913, %dma_wait3A_914] : memref<2048x2x2048xf32, #tpu.memory_space<any>> -> memref<64x2x2048xf32, #tpu.memory_space<any>>
    %dma_wait3A_916 = arith.constant 0 : i32
    %dma_wait3A_917 = arith.constant 0 : i32
    %dma_wait3A_918 = arith.constant 0 : i32
    %dma_wait3A_919 = tpu.memref_slice %arg3[%dma_wait3A_907, %dma_wait3A_908, %dma_wait3A_916, %dma_wait3A_917, %dma_wait3A_918] : memref<8x2x64x2x2048xf32, #tpu.memory_space<vmem>> -> memref<1x1x64x2x2048xf32, #tpu.memory_space<vmem>>
    %dma_wait3A_920 = tpu.memref_squeeze %dma_wait3A_919 : memref<1x1x64x2x2048xf32, #tpu.memory_space<vmem>> -> memref<64x2x2048xf32, #tpu.memory_space<vmem>>
    tpu.wait_dma2 semaphore(%dma_wait3A_911 : memref<!tpu.dma_semaphore, #tpu.memory_space<semaphore_mem>>) src(%dma_wait3A_920 : memref<64x2x2048xf32, #tpu.memory_space<vmem>>) dst(%dma_wait3A_915 : memref<64x2x2048xf32, #tpu.memory_space<any>>)
    %dma_start3A_921 = arith.constant 7 : i32
    %dma_start3A_922 = arith.constant 0 : i32
    %dma_start3A_923 = arith.constant 7 : i32
    %dma_start3A_924 = tpu.memref_slice %arg4[%dma_start3A_923] : memref<8x!tpu.dma_semaphore, #tpu.memory_space<semaphore_mem>> -> memref<1x!tpu.dma_semaphore, #tpu.memory_space<semaphore_mem>>
    %dma_start3A_925 = tpu.memref_squeeze %dma_start3A_924 : memref<1x!tpu.dma_semaphore, #tpu.memory_space<semaphore_mem>> -> memref<!tpu.dma_semaphore, #tpu.memory_space<semaphore_mem>>
    %dma_start3A_926 = arith.constant 0 : i32
    %dma_start3A_927 = arith.constant 0 : i32
    %dma_start3A_928 = arith.constant 0 : i32
    %dma_start3A_929 = tpu.memref_slice %arg3[%dma_start3A_921, %dma_start3A_922, %dma_start3A_926, %dma_start3A_927, %dma_start3A_928] : memref<8x2x64x2x2048xf32, #tpu.memory_space<vmem>> -> memref<1x1x64x2x2048xf32, #tpu.memory_space<vmem>>
    %dma_start3A_930 = tpu.memref_squeeze %dma_start3A_929 : memref<1x1x64x2x2048xf32, #tpu.memory_space<vmem>> -> memref<64x2x2048xf32, #tpu.memory_space<vmem>>
    %dma_start3A_931 = arith.constant 1920 : i32
    %dma_start3A_932 = arith.constant 0 : i32
    %dma_start3A_933 = arith.constant 0 : i32
    %dma_start3A_934 = tpu.memref_slice %arg1[%dma_start3A_931, %dma_start3A_932, %dma_start3A_933] : memref<2048x2x2048xf32, #tpu.memory_space<any>> -> memref<64x2x2048xf32, #tpu.memory_space<any>>
    tpu.enqueue_dma source(%dma_start3A_934 : memref<64x2x2048xf32, #tpu.memory_space<any>>) target(%dma_start3A_930 : memref<64x2x2048xf32, #tpu.memory_space<vmem>>) target_semaphore(%dma_start3A_925 : memref<!tpu.dma_semaphore, #tpu.memory_space<semaphore_mem>>)
    %dma_start3A_935 = arith.constant 7 : i32
    %dma_start3A_936 = arith.constant 1 : i32
    %dma_start3A_937 = arith.constant 7 : i32
    %dma_start3A_938 = tpu.memref_slice %arg5[%dma_start3A_937] : memref<8x!tpu.dma_semaphore, #tpu.memory_space<semaphore_mem>> -> memref<1x!tpu.dma_semaphore, #tpu.memory_space<semaphore_mem>>
    %dma_start3A_939 = tpu.memref_squeeze %dma_start3A_938 : memref<1x!tpu.dma_semaphore, #tpu.memory_space<semaphore_mem>> -> memref<!tpu.dma_semaphore, #tpu.memory_space<semaphore_mem>>
    %dma_start3A_940 = arith.constant 1856 : i32
    %dma_start3A_941 = arith.constant 0 : i32
    %dma_start3A_942 = arith.constant 0 : i32
    %dma_start3A_943 = tpu.memref_slice %arg2[%dma_start3A_940, %dma_start3A_941, %dma_start3A_942] : memref<2048x2x2048xf32, #tpu.memory_space<any>> -> memref<64x2x2048xf32, #tpu.memory_space<any>>
    %dma_start3A_944 = arith.constant 0 : i32
    %dma_start3A_945 = arith.constant 0 : i32
    %dma_start3A_946 = arith.constant 0 : i32
    %dma_start3A_947 = tpu.memref_slice %arg3[%dma_start3A_935, %dma_start3A_936, %dma_start3A_944, %dma_start3A_945, %dma_start3A_946] : memref<8x2x64x2x2048xf32, #tpu.memory_space<vmem>> -> memref<1x1x64x2x2048xf32, #tpu.memory_space<vmem>>
    %dma_start3A_948 = tpu.memref_squeeze %dma_start3A_947 : memref<1x1x64x2x2048xf32, #tpu.memory_space<vmem>> -> memref<64x2x2048xf32, #tpu.memory_space<vmem>>
    tpu.enqueue_dma source(%dma_start3A_948 : memref<64x2x2048xf32, #tpu.memory_space<vmem>>) target(%dma_start3A_943 : memref<64x2x2048xf32, #tpu.memory_space<any>>) target_semaphore(%dma_start3A_939 : memref<!tpu.dma_semaphore, #tpu.memory_space<semaphore_mem>>)
    %dma_wait3A_949 = arith.constant 0 : i32
    %dma_wait3A_950 = arith.constant 0 : i32
    %dma_wait3A_951 = arith.constant 0 : i32
    %dma_wait3A_952 = tpu.memref_slice %arg4[%dma_wait3A_951] : memref<8x!tpu.dma_semaphore, #tpu.memory_space<semaphore_mem>> -> memref<1x!tpu.dma_semaphore, #tpu.memory_space<semaphore_mem>>
    %dma_wait3A_953 = tpu.memref_squeeze %dma_wait3A_952 : memref<1x!tpu.dma_semaphore, #tpu.memory_space<semaphore_mem>> -> memref<!tpu.dma_semaphore, #tpu.memory_space<semaphore_mem>>
    %dma_wait3A_954 = arith.constant 0 : i32
    %dma_wait3A_955 = arith.constant 0 : i32
    %dma_wait3A_956 = arith.constant 0 : i32
    %dma_wait3A_957 = tpu.memref_slice %arg3[%dma_wait3A_949, %dma_wait3A_950, %dma_wait3A_954, %dma_wait3A_955, %dma_wait3A_956] : memref<8x2x64x2x2048xf32, #tpu.memory_space<vmem>> -> memref<1x1x64x2x2048xf32, #tpu.memory_space<vmem>>
    %dma_wait3A_958 = tpu.memref_squeeze %dma_wait3A_957 : memref<1x1x64x2x2048xf32, #tpu.memory_space<vmem>> -> memref<64x2x2048xf32, #tpu.memory_space<vmem>>
    %dma_wait3A_959 = arith.constant 128 : i32
    %dma_wait3A_960 = arith.constant 0 : i32
    %dma_wait3A_961 = arith.constant 0 : i32
    %dma_wait3A_962 = tpu.memref_slice %arg1[%dma_wait3A_959, %dma_wait3A_960, %dma_wait3A_961] : memref<2048x2x2048xf32, #tpu.memory_space<any>> -> memref<64x2x2048xf32, #tpu.memory_space<any>>
    tpu.wait_dma2 semaphore(%dma_wait3A_953 : memref<!tpu.dma_semaphore, #tpu.memory_space<semaphore_mem>>) src(%dma_wait3A_962 : memref<64x2x2048xf32, #tpu.memory_space<any>>) dst(%dma_wait3A_958 : memref<64x2x2048xf32, #tpu.memory_space<vmem>>)
    %dma_wait3A_963 = arith.constant 0 : i32
    %dma_wait3A_964 = arith.constant 1 : i32
    %dma_wait3A_965 = arith.constant 0 : i32
    %dma_wait3A_966 = tpu.memref_slice %arg5[%dma_wait3A_965] : memref<8x!tpu.dma_semaphore, #tpu.memory_space<semaphore_mem>> -> memref<1x!tpu.dma_semaphore, #tpu.memory_space<semaphore_mem>>
    %dma_wait3A_967 = tpu.memref_squeeze %dma_wait3A_966 : memref<1x!tpu.dma_semaphore, #tpu.memory_space<semaphore_mem>> -> memref<!tpu.dma_semaphore, #tpu.memory_space<semaphore_mem>>
    %dma_wait3A_968 = arith.constant 64 : i32
    %dma_wait3A_969 = arith.constant 0 : i32
    %dma_wait3A_970 = arith.constant 0 : i32
    %dma_wait3A_971 = tpu.memref_slice %arg2[%dma_wait3A_968, %dma_wait3A_969, %dma_wait3A_970] : memref<2048x2x2048xf32, #tpu.memory_space<any>> -> memref<64x2x2048xf32, #tpu.memory_space<any>>
    %dma_wait3A_972 = arith.constant 0 : i32
    %dma_wait3A_973 = arith.constant 0 : i32
    %dma_wait3A_974 = arith.constant 0 : i32
    %dma_wait3A_975 = tpu.memref_slice %arg3[%dma_wait3A_963, %dma_wait3A_964, %dma_wait3A_972, %dma_wait3A_973, %dma_wait3A_974] : memref<8x2x64x2x2048xf32, #tpu.memory_space<vmem>> -> memref<1x1x64x2x2048xf32, #tpu.memory_space<vmem>>
    %dma_wait3A_976 = tpu.memref_squeeze %dma_wait3A_975 : memref<1x1x64x2x2048xf32, #tpu.memory_space<vmem>> -> memref<64x2x2048xf32, #tpu.memory_space<vmem>>
    tpu.wait_dma2 semaphore(%dma_wait3A_967 : memref<!tpu.dma_semaphore, #tpu.memory_space<semaphore_mem>>) src(%dma_wait3A_976 : memref<64x2x2048xf32, #tpu.memory_space<vmem>>) dst(%dma_wait3A_971 : memref<64x2x2048xf32, #tpu.memory_space<any>>)
    %dma_start3A_977 = arith.constant 0 : i32
    %dma_start3A_978 = arith.constant 1 : i32
    %dma_start3A_979 = arith.constant 0 : i32
    %dma_start3A_980 = tpu.memref_slice %arg4[%dma_start3A_979] : memref<8x!tpu.dma_semaphore, #tpu.memory_space<semaphore_mem>> -> memref<1x!tpu.dma_semaphore, #tpu.memory_space<semaphore_mem>>
    %dma_start3A_981 = tpu.memref_squeeze %dma_start3A_980 : memref<1x!tpu.dma_semaphore, #tpu.memory_space<semaphore_mem>> -> memref<!tpu.dma_semaphore, #tpu.memory_space<semaphore_mem>>
    %dma_start3A_982 = arith.constant 0 : i32
    %dma_start3A_983 = arith.constant 0 : i32
    %dma_start3A_984 = arith.constant 0 : i32
    %dma_start3A_985 = tpu.memref_slice %arg3[%dma_start3A_977, %dma_start3A_978, %dma_start3A_982, %dma_start3A_983, %dma_start3A_984] : memref<8x2x64x2x2048xf32, #tpu.memory_space<vmem>> -> memref<1x1x64x2x2048xf32, #tpu.memory_space<vmem>>
    %dma_start3A_986 = tpu.memref_squeeze %dma_start3A_985 : memref<1x1x64x2x2048xf32, #tpu.memory_space<vmem>> -> memref<64x2x2048xf32, #tpu.memory_space<vmem>>
    %dma_start3A_987 = arith.constant 192 : i32
    %dma_start3A_988 = arith.constant 0 : i32
    %dma_start3A_989 = arith.constant 0 : i32
    %dma_start3A_990 = tpu.memref_slice %arg1[%dma_start3A_987, %dma_start3A_988, %dma_start3A_989] : memref<2048x2x2048xf32, #tpu.memory_space<any>> -> memref<64x2x2048xf32, #tpu.memory_space<any>>
    tpu.enqueue_dma source(%dma_start3A_990 : memref<64x2x2048xf32, #tpu.memory_space<any>>) target(%dma_start3A_986 : memref<64x2x2048xf32, #tpu.memory_space<vmem>>) target_semaphore(%dma_start3A_981 : memref<!tpu.dma_semaphore, #tpu.memory_space<semaphore_mem>>)
    %dma_start3A_991 = arith.constant 0 : i32
    %dma_start3A_992 = arith.constant 0 : i32
    %dma_start3A_993 = arith.constant 0 : i32
    %dma_start3A_994 = tpu.memref_slice %arg5[%dma_start3A_993] : memref<8x!tpu.dma_semaphore, #tpu.memory_space<semaphore_mem>> -> memref<1x!tpu.dma_semaphore, #tpu.memory_space<semaphore_mem>>
    %dma_start3A_995 = tpu.memref_squeeze %dma_start3A_994 : memref<1x!tpu.dma_semaphore, #tpu.memory_space<semaphore_mem>> -> memref<!tpu.dma_semaphore, #tpu.memory_space<semaphore_mem>>
    %dma_start3A_996 = arith.constant 128 : i32
    %dma_start3A_997 = arith.constant 0 : i32
    %dma_start3A_998 = arith.constant 0 : i32
    %dma_start3A_999 = tpu.memref_slice %arg2[%dma_start3A_996, %dma_start3A_997, %dma_start3A_998] : memref<2048x2x2048xf32, #tpu.memory_space<any>> -> memref<64x2x2048xf32, #tpu.memory_space<any>>
    %dma_start3A_1000 = arith.constant 0 : i32
    %dma_start3A_1001 = arith.constant 0 : i32
    %dma_start3A_1002 = arith.constant 0 : i32
    %dma_start3A_1003 = tpu.memref_slice %arg3[%dma_start3A_991, %dma_start3A_992, %dma_start3A_1000, %dma_start3A_1001, %dma_start3A_1002] : memref<8x2x64x2x2048xf32, #tpu.memory_space<vmem>> -> memref<1x1x64x2x2048xf32, #tpu.memory_space<vmem>>
    %dma_start3A_1004 = tpu.memref_squeeze %dma_start3A_1003 : memref<1x1x64x2x2048xf32, #tpu.memory_space<vmem>> -> memref<64x2x2048xf32, #tpu.memory_space<vmem>>
    tpu.enqueue_dma source(%dma_start3A_1004 : memref<64x2x2048xf32, #tpu.memory_space<vmem>>) target(%dma_start3A_999 : memref<64x2x2048xf32, #tpu.memory_space<any>>) target_semaphore(%dma_start3A_995 : memref<!tpu.dma_semaphore, #tpu.memory_space<semaphore_mem>>)
    %dma_wait3A_1005 = arith.constant 1 : i32
    %dma_wait3A_1006 = arith.constant 0 : i32
    %dma_wait3A_1007 = arith.constant 1 : i32
    %dma_wait3A_1008 = tpu.memref_slice %arg4[%dma_wait3A_1007] : memref<8x!tpu.dma_semaphore, #tpu.memory_space<semaphore_mem>> -> memref<1x!tpu.dma_semaphore, #tpu.memory_space<semaphore_mem>>
    %dma_wait3A_1009 = tpu.memref_squeeze %dma_wait3A_1008 : memref<1x!tpu.dma_semaphore, #tpu.memory_space<semaphore_mem>> -> memref<!tpu.dma_semaphore, #tpu.memory_space<semaphore_mem>>
    %dma_wait3A_1010 = arith.constant 0 : i32
    %dma_wait3A_1011 = arith.constant 0 : i32
    %dma_wait3A_1012 = arith.constant 0 : i32
    %dma_wait3A_1013 = tpu.memref_slice %arg3[%dma_wait3A_1005, %dma_wait3A_1006, %dma_wait3A_1010, %dma_wait3A_1011, %dma_wait3A_1012] : memref<8x2x64x2x2048xf32, #tpu.memory_space<vmem>> -> memref<1x1x64x2x2048xf32, #tpu.memory_space<vmem>>
    %dma_wait3A_1014 = tpu.memref_squeeze %dma_wait3A_1013 : memref<1x1x64x2x2048xf32, #tpu.memory_space<vmem>> -> memref<64x2x2048xf32, #tpu.memory_space<vmem>>
    %dma_wait3A_1015 = arith.constant 384 : i32
    %dma_wait3A_1016 = arith.constant 0 : i32
    %dma_wait3A_1017 = arith.constant 0 : i32
    %dma_wait3A_1018 = tpu.memref_slice %arg1[%dma_wait3A_1015, %dma_wait3A_1016, %dma_wait3A_1017] : memref<2048x2x2048xf32, #tpu.memory_space<any>> -> memref<64x2x2048xf32, #tpu.memory_space<any>>
    tpu.wait_dma2 semaphore(%dma_wait3A_1009 : memref<!tpu.dma_semaphore, #tpu.memory_space<semaphore_mem>>) src(%dma_wait3A_1018 : memref<64x2x2048xf32, #tpu.memory_space<any>>) dst(%dma_wait3A_1014 : memref<64x2x2048xf32, #tpu.memory_space<vmem>>)
    %dma_wait3A_1019 = arith.constant 1 : i32
    %dma_wait3A_1020 = arith.constant 1 : i32
    %dma_wait3A_1021 = arith.constant 1 : i32
    %dma_wait3A_1022 = tpu.memref_slice %arg5[%dma_wait3A_1021] : memref<8x!tpu.dma_semaphore, #tpu.memory_space<semaphore_mem>> -> memref<1x!tpu.dma_semaphore, #tpu.memory_space<semaphore_mem>>
    %dma_wait3A_1023 = tpu.memref_squeeze %dma_wait3A_1022 : memref<1x!tpu.dma_semaphore, #tpu.memory_space<semaphore_mem>> -> memref<!tpu.dma_semaphore, #tpu.memory_space<semaphore_mem>>
    %dma_wait3A_1024 = arith.constant 320 : i32
    %dma_wait3A_1025 = arith.constant 0 : i32
    %dma_wait3A_1026 = arith.constant 0 : i32
    %dma_wait3A_1027 = tpu.memref_slice %arg2[%dma_wait3A_1024, %dma_wait3A_1025, %dma_wait3A_1026] : memref<2048x2x2048xf32, #tpu.memory_space<any>> -> memref<64x2x2048xf32, #tpu.memory_space<any>>
    %dma_wait3A_1028 = arith.constant 0 : i32
    %dma_wait3A_1029 = arith.constant 0 : i32
    %dma_wait3A_1030 = arith.constant 0 : i32
    %dma_wait3A_1031 = tpu.memref_slice %arg3[%dma_wait3A_1019, %dma_wait3A_1020, %dma_wait3A_1028, %dma_wait3A_1029, %dma_wait3A_1030] : memref<8x2x64x2x2048xf32, #tpu.memory_space<vmem>> -> memref<1x1x64x2x2048xf32, #tpu.memory_space<vmem>>
    %dma_wait3A_1032 = tpu.memref_squeeze %dma_wait3A_1031 : memref<1x1x64x2x2048xf32, #tpu.memory_space<vmem>> -> memref<64x2x2048xf32, #tpu.memory_space<vmem>>
    tpu.wait_dma2 semaphore(%dma_wait3A_1023 : memref<!tpu.dma_semaphore, #tpu.memory_space<semaphore_mem>>) src(%dma_wait3A_1032 : memref<64x2x2048xf32, #tpu.memory_space<vmem>>) dst(%dma_wait3A_1027 : memref<64x2x2048xf32, #tpu.memory_space<any>>)
    %dma_start3A_1033 = arith.constant 1 : i32
    %dma_start3A_1034 = arith.constant 1 : i32
    %dma_start3A_1035 = arith.constant 1 : i32
    %dma_start3A_1036 = tpu.memref_slice %arg4[%dma_start3A_1035] : memref<8x!tpu.dma_semaphore, #tpu.memory_space<semaphore_mem>> -> memref<1x!tpu.dma_semaphore, #tpu.memory_space<semaphore_mem>>
    %dma_start3A_1037 = tpu.memref_squeeze %dma_start3A_1036 : memref<1x!tpu.dma_semaphore, #tpu.memory_space<semaphore_mem>> -> memref<!tpu.dma_semaphore, #tpu.memory_space<semaphore_mem>>
    %dma_start3A_1038 = arith.constant 0 : i32
    %dma_start3A_1039 = arith.constant 0 : i32
    %dma_start3A_1040 = arith.constant 0 : i32
    %dma_start3A_1041 = tpu.memref_slice %arg3[%dma_start3A_1033, %dma_start3A_1034, %dma_start3A_1038, %dma_start3A_1039, %dma_start3A_1040] : memref<8x2x64x2x2048xf32, #tpu.memory_space<vmem>> -> memref<1x1x64x2x2048xf32, #tpu.memory_space<vmem>>
    %dma_start3A_1042 = tpu.memref_squeeze %dma_start3A_1041 : memref<1x1x64x2x2048xf32, #tpu.memory_space<vmem>> -> memref<64x2x2048xf32, #tpu.memory_space<vmem>>
    %dma_start3A_1043 = arith.constant 448 : i32
    %dma_start3A_1044 = arith.constant 0 : i32
    %dma_start3A_1045 = arith.constant 0 : i32
    %dma_start3A_1046 = tpu.memref_slice %arg1[%dma_start3A_1043, %dma_start3A_1044, %dma_start3A_1045] : memref<2048x2x2048xf32, #tpu.memory_space<any>> -> memref<64x2x2048xf32, #tpu.memory_space<any>>
    tpu.enqueue_dma source(%dma_start3A_1046 : memref<64x2x2048xf32, #tpu.memory_space<any>>) target(%dma_start3A_1042 : memref<64x2x2048xf32, #tpu.memory_space<vmem>>) target_semaphore(%dma_start3A_1037 : memref<!tpu.dma_semaphore, #tpu.memory_space<semaphore_mem>>)
    %dma_start3A_1047 = arith.constant 1 : i32
    %dma_start3A_1048 = arith.constant 0 : i32
    %dma_start3A_1049 = arith.constant 1 : i32
    %dma_start3A_1050 = tpu.memref_slice %arg5[%dma_start3A_1049] : memref<8x!tpu.dma_semaphore, #tpu.memory_space<semaphore_mem>> -> memref<1x!tpu.dma_semaphore, #tpu.memory_space<semaphore_mem>>
    %dma_start3A_1051 = tpu.memref_squeeze %dma_start3A_1050 : memref<1x!tpu.dma_semaphore, #tpu.memory_space<semaphore_mem>> -> memref<!tpu.dma_semaphore, #tpu.memory_space<semaphore_mem>>
    %dma_start3A_1052 = arith.constant 384 : i32
    %dma_start3A_1053 = arith.constant 0 : i32
    %dma_start3A_1054 = arith.constant 0 : i32
    %dma_start3A_1055 = tpu.memref_slice %arg2[%dma_start3A_1052, %dma_start3A_1053, %dma_start3A_1054] : memref<2048x2x2048xf32, #tpu.memory_space<any>> -> memref<64x2x2048xf32, #tpu.memory_space<any>>
    %dma_start3A_1056 = arith.constant 0 : i32
    %dma_start3A_1057 = arith.constant 0 : i32
    %dma_start3A_1058 = arith.constant 0 : i32
    %dma_start3A_1059 = tpu.memref_slice %arg3[%dma_start3A_1047, %dma_start3A_1048, %dma_start3A_1056, %dma_start3A_1057, %dma_start3A_1058] : memref<8x2x64x2x2048xf32, #tpu.memory_space<vmem>> -> memref<1x1x64x2x2048xf32, #tpu.memory_space<vmem>>
    %dma_start3A_1060 = tpu.memref_squeeze %dma_start3A_1059 : memref<1x1x64x2x2048xf32, #tpu.memory_space<vmem>> -> memref<64x2x2048xf32, #tpu.memory_space<vmem>>
    tpu.enqueue_dma source(%dma_start3A_1060 : memref<64x2x2048xf32, #tpu.memory_space<vmem>>) target(%dma_start3A_1055 : memref<64x2x2048xf32, #tpu.memory_space<any>>) target_semaphore(%dma_start3A_1051 : memref<!tpu.dma_semaphore, #tpu.memory_space<semaphore_mem>>)
    %dma_wait3A_1061 = arith.constant 2 : i32
    %dma_wait3A_1062 = arith.constant 0 : i32
    %dma_wait3A_1063 = arith.constant 2 : i32
    %dma_wait3A_1064 = tpu.memref_slice %arg4[%dma_wait3A_1063] : memref<8x!tpu.dma_semaphore, #tpu.memory_space<semaphore_mem>> -> memref<1x!tpu.dma_semaphore, #tpu.memory_space<semaphore_mem>>
    %dma_wait3A_1065 = tpu.memref_squeeze %dma_wait3A_1064 : memref<1x!tpu.dma_semaphore, #tpu.memory_space<semaphore_mem>> -> memref<!tpu.dma_semaphore, #tpu.memory_space<semaphore_mem>>
    %dma_wait3A_1066 = arith.constant 0 : i32
    %dma_wait3A_1067 = arith.constant 0 : i32
    %dma_wait3A_1068 = arith.constant 0 : i32
    %dma_wait3A_1069 = tpu.memref_slice %arg3[%dma_wait3A_1061, %dma_wait3A_1062, %dma_wait3A_1066, %dma_wait3A_1067, %dma_wait3A_1068] : memref<8x2x64x2x2048xf32, #tpu.memory_space<vmem>> -> memref<1x1x64x2x2048xf32, #tpu.memory_space<vmem>>
    %dma_wait3A_1070 = tpu.memref_squeeze %dma_wait3A_1069 : memref<1x1x64x2x2048xf32, #tpu.memory_space<vmem>> -> memref<64x2x2048xf32, #tpu.memory_space<vmem>>
    %dma_wait3A_1071 = arith.constant 640 : i32
    %dma_wait3A_1072 = arith.constant 0 : i32
    %dma_wait3A_1073 = arith.constant 0 : i32
    %dma_wait3A_1074 = tpu.memref_slice %arg1[%dma_wait3A_1071, %dma_wait3A_1072, %dma_wait3A_1073] : memref<2048x2x2048xf32, #tpu.memory_space<any>> -> memref<64x2x2048xf32, #tpu.memory_space<any>>
    tpu.wait_dma2 semaphore(%dma_wait3A_1065 : memref<!tpu.dma_semaphore, #tpu.memory_space<semaphore_mem>>) src(%dma_wait3A_1074 : memref<64x2x2048xf32, #tpu.memory_space<any>>) dst(%dma_wait3A_1070 : memref<64x2x2048xf32, #tpu.memory_space<vmem>>)
    %dma_wait3A_1075 = arith.constant 2 : i32
    %dma_wait3A_1076 = arith.constant 1 : i32
    %dma_wait3A_1077 = arith.constant 2 : i32
    %dma_wait3A_1078 = tpu.memref_slice %arg5[%dma_wait3A_1077] : memref<8x!tpu.dma_semaphore, #tpu.memory_space<semaphore_mem>> -> memref<1x!tpu.dma_semaphore, #tpu.memory_space<semaphore_mem>>
    %dma_wait3A_1079 = tpu.memref_squeeze %dma_wait3A_1078 : memref<1x!tpu.dma_semaphore, #tpu.memory_space<semaphore_mem>> -> memref<!tpu.dma_semaphore, #tpu.memory_space<semaphore_mem>>
    %dma_wait3A_1080 = arith.constant 576 : i32
    %dma_wait3A_1081 = arith.constant 0 : i32
    %dma_wait3A_1082 = arith.constant 0 : i32
    %dma_wait3A_1083 = tpu.memref_slice %arg2[%dma_wait3A_1080, %dma_wait3A_1081, %dma_wait3A_1082] : memref<2048x2x2048xf32, #tpu.memory_space<any>> -> memref<64x2x2048xf32, #tpu.memory_space<any>>
    %dma_wait3A_1084 = arith.constant 0 : i32
    %dma_wait3A_1085 = arith.constant 0 : i32
    %dma_wait3A_1086 = arith.constant 0 : i32
    %dma_wait3A_1087 = tpu.memref_slice %arg3[%dma_wait3A_1075, %dma_wait3A_1076, %dma_wait3A_1084, %dma_wait3A_1085, %dma_wait3A_1086] : memref<8x2x64x2x2048xf32, #tpu.memory_space<vmem>> -> memref<1x1x64x2x2048xf32, #tpu.memory_space<vmem>>
    %dma_wait3A_1088 = tpu.memref_squeeze %dma_wait3A_1087 : memref<1x1x64x2x2048xf32, #tpu.memory_space<vmem>> -> memref<64x2x2048xf32, #tpu.memory_space<vmem>>
    tpu.wait_dma2 semaphore(%dma_wait3A_1079 : memref<!tpu.dma_semaphore, #tpu.memory_space<semaphore_mem>>) src(%dma_wait3A_1088 : memref<64x2x2048xf32, #tpu.memory_space<vmem>>) dst(%dma_wait3A_1083 : memref<64x2x2048xf32, #tpu.memory_space<any>>)
    %dma_start3A_1089 = arith.constant 2 : i32
    %dma_start3A_1090 = arith.constant 1 : i32
    %dma_start3A_1091 = arith.constant 2 : i32
    %dma_start3A_1092 = tpu.memref_slice %arg4[%dma_start3A_1091] : memref<8x!tpu.dma_semaphore, #tpu.memory_space<semaphore_mem>> -> memref<1x!tpu.dma_semaphore, #tpu.memory_space<semaphore_mem>>
    %dma_start3A_1093 = tpu.memref_squeeze %dma_start3A_1092 : memref<1x!tpu.dma_semaphore, #tpu.memory_space<semaphore_mem>> -> memref<!tpu.dma_semaphore, #tpu.memory_space<semaphore_mem>>
    %dma_start3A_1094 = arith.constant 0 : i32
    %dma_start3A_1095 = arith.constant 0 : i32
    %dma_start3A_1096 = arith.constant 0 : i32
    %dma_start3A_1097 = tpu.memref_slice %arg3[%dma_start3A_1089, %dma_start3A_1090, %dma_start3A_1094, %dma_start3A_1095, %dma_start3A_1096] : memref<8x2x64x2x2048xf32, #tpu.memory_space<vmem>> -> memref<1x1x64x2x2048xf32, #tpu.memory_space<vmem>>
    %dma_start3A_1098 = tpu.memref_squeeze %dma_start3A_1097 : memref<1x1x64x2x2048xf32, #tpu.memory_space<vmem>> -> memref<64x2x2048xf32, #tpu.memory_space<vmem>>
    %dma_start3A_1099 = arith.constant 704 : i32
    %dma_start3A_1100 = arith.constant 0 : i32
    %dma_start3A_1101 = arith.constant 0 : i32
    %dma_start3A_1102 = tpu.memref_slice %arg1[%dma_start3A_1099, %dma_start3A_1100, %dma_start3A_1101] : memref<2048x2x2048xf32, #tpu.memory_space<any>> -> memref<64x2x2048xf32, #tpu.memory_space<any>>
    tpu.enqueue_dma source(%dma_start3A_1102 : memref<64x2x2048xf32, #tpu.memory_space<any>>) target(%dma_start3A_1098 : memref<64x2x2048xf32, #tpu.memory_space<vmem>>) target_semaphore(%dma_start3A_1093 : memref<!tpu.dma_semaphore, #tpu.memory_space<semaphore_mem>>)
    %dma_start3A_1103 = arith.constant 2 : i32
    %dma_start3A_1104 = arith.constant 0 : i32
    %dma_start3A_1105 = arith.constant 2 : i32
    %dma_start3A_1106 = tpu.memref_slice %arg5[%dma_start3A_1105] : memref<8x!tpu.dma_semaphore, #tpu.memory_space<semaphore_mem>> -> memref<1x!tpu.dma_semaphore, #tpu.memory_space<semaphore_mem>>
    %dma_start3A_1107 = tpu.memref_squeeze %dma_start3A_1106 : memref<1x!tpu.dma_semaphore, #tpu.memory_space<semaphore_mem>> -> memref<!tpu.dma_semaphore, #tpu.memory_space<semaphore_mem>>
    %dma_start3A_1108 = arith.constant 640 : i32
    %dma_start3A_1109 = arith.constant 0 : i32
    %dma_start3A_1110 = arith.constant 0 : i32
    %dma_start3A_1111 = tpu.memref_slice %arg2[%dma_start3A_1108, %dma_start3A_1109, %dma_start3A_1110] : memref<2048x2x2048xf32, #tpu.memory_space<any>> -> memref<64x2x2048xf32, #tpu.memory_space<any>>
    %dma_start3A_1112 = arith.constant 0 : i32
    %dma_start3A_1113 = arith.constant 0 : i32
    %dma_start3A_1114 = arith.constant 0 : i32
    %dma_start3A_1115 = tpu.memref_slice %arg3[%dma_start3A_1103, %dma_start3A_1104, %dma_start3A_1112, %dma_start3A_1113, %dma_start3A_1114] : memref<8x2x64x2x2048xf32, #tpu.memory_space<vmem>> -> memref<1x1x64x2x2048xf32, #tpu.memory_space<vmem>>
    %dma_start3A_1116 = tpu.memref_squeeze %dma_start3A_1115 : memref<1x1x64x2x2048xf32, #tpu.memory_space<vmem>> -> memref<64x2x2048xf32, #tpu.memory_space<vmem>>
    tpu.enqueue_dma source(%dma_start3A_1116 : memref<64x2x2048xf32, #tpu.memory_space<vmem>>) target(%dma_start3A_1111 : memref<64x2x2048xf32, #tpu.memory_space<any>>) target_semaphore(%dma_start3A_1107 : memref<!tpu.dma_semaphore, #tpu.memory_space<semaphore_mem>>)
    %dma_wait3A_1117 = arith.constant 3 : i32
    %dma_wait3A_1118 = arith.constant 0 : i32
    %dma_wait3A_1119 = arith.constant 3 : i32
    %dma_wait3A_1120 = tpu.memref_slice %arg4[%dma_wait3A_1119] : memref<8x!tpu.dma_semaphore, #tpu.memory_space<semaphore_mem>> -> memref<1x!tpu.dma_semaphore, #tpu.memory_space<semaphore_mem>>
    %dma_wait3A_1121 = tpu.memref_squeeze %dma_wait3A_1120 : memref<1x!tpu.dma_semaphore, #tpu.memory_space<semaphore_mem>> -> memref<!tpu.dma_semaphore, #tpu.memory_space<semaphore_mem>>
    %dma_wait3A_1122 = arith.constant 0 : i32
    %dma_wait3A_1123 = arith.constant 0 : i32
    %dma_wait3A_1124 = arith.constant 0 : i32
    %dma_wait3A_1125 = tpu.memref_slice %arg3[%dma_wait3A_1117, %dma_wait3A_1118, %dma_wait3A_1122, %dma_wait3A_1123, %dma_wait3A_1124] : memref<8x2x64x2x2048xf32, #tpu.memory_space<vmem>> -> memref<1x1x64x2x2048xf32, #tpu.memory_space<vmem>>
    %dma_wait3A_1126 = tpu.memref_squeeze %dma_wait3A_1125 : memref<1x1x64x2x2048xf32, #tpu.memory_space<vmem>> -> memref<64x2x2048xf32, #tpu.memory_space<vmem>>
    %dma_wait3A_1127 = arith.constant 896 : i32
    %dma_wait3A_1128 = arith.constant 0 : i32
    %dma_wait3A_1129 = arith.constant 0 : i32
    %dma_wait3A_1130 = tpu.memref_slice %arg1[%dma_wait3A_1127, %dma_wait3A_1128, %dma_wait3A_1129] : memref<2048x2x2048xf32, #tpu.memory_space<any>> -> memref<64x2x2048xf32, #tpu.memory_space<any>>
    tpu.wait_dma2 semaphore(%dma_wait3A_1121 : memref<!tpu.dma_semaphore, #tpu.memory_space<semaphore_mem>>) src(%dma_wait3A_1130 : memref<64x2x2048xf32, #tpu.memory_space<any>>) dst(%dma_wait3A_1126 : memref<64x2x2048xf32, #tpu.memory_space<vmem>>)
    %get3A_1131 = arith.constant 3 : index
    %get3A_1132 = arith.constant 0 : index
    %get3A_1133 = arith.constant 0 : index
    %get3A_1134 = arith.constant 0 : index
    %get3A_1135 = arith.constant 896 : index
    %get3A_1136 = vector.load %arg3[%get3A_1131, %get3A_1132, %get3A_1133, %get3A_1134, %get3A_1135] : memref<8x2x64x2x2048xf32, #tpu.memory_space<vmem>>, vector<1x1x64x2x256xf32>
    %get3A_1137 = vector.shape_cast %get3A_1136 : vector<1x1x64x2x256xf32> to vector<64x2x256xf32>
    %get3A_1138 = arith.constant 128 : index
    %get3A_1139 = arith.constant 0 : index
    %get3A_1140 = arith.constant 0 : index
    %get3A_1141 = vector.load %arg0[%get3A_1138, %get3A_1139, %get3A_1140] : memref<256x2x256xf32, #tpu.memory_space<vmem>>, vector<64x2x256xf32>
    %gt3A_1142 = arith.constant 5.000000e-01 : f32
    %gt3A_1143 = vector.broadcast %gt3A_1142 : f32 to vector<64x2x256xf32>
    %gt3A_1144 = arith.cmpf ogt, %get3A_1137, %gt3A_1143 : vector<64x2x256xf32>
    %gt3A_1145 = arith.constant 5.000000e-01 : f32
    %gt3A_1146 = vector.broadcast %gt3A_1145 : f32 to vector<64x2x256xf32>
    %gt3A_1147 = arith.cmpf ogt, %get3A_1141, %gt3A_1146 : vector<64x2x256xf32>
    %or3A_1148 = arith.ori %gt3A_1144, %gt3A_1147 : vector<64x2x256xi1>
    %jit3A_1149 = arith.constant 1.000000e+00 : f32
    %jit3A_1150 = arith.constant 0.000000e+00 : f32
    %broadcast_in_dim3A_1151 = vector.broadcast %jit3A_1149 : f32 to vector<64x2x256xf32>
    %broadcast_in_dim3A_1152 = vector.broadcast %jit3A_1150 : f32 to vector<64x2x256xf32>
    %select_n3A_1153 = arith.select %or3A_1148, %broadcast_in_dim3A_1151, %broadcast_in_dim3A_1152 : vector<64x2x256xi1>, vector<64x2x256xf32>
    %swap3A_1154 = arith.constant 3 : index
    %swap3A_1155 = arith.constant 0 : index
    %swap3A_1156 = arith.constant 0 : index
    %swap3A_1157 = arith.constant 0 : index
    %swap3A_1158 = arith.constant 896 : index
    %swap3A_1159 = vector.load %arg3[%swap3A_1154, %swap3A_1155, %swap3A_1156, %swap3A_1157, %swap3A_1158] : memref<8x2x64x2x2048xf32, #tpu.memory_space<vmem>>, vector<1x1x64x2x256xf32>
    %swap3A_1160 = vector.shape_cast %swap3A_1159 : vector<1x1x64x2x256xf32> to vector<64x2x256xf32>
    %swap3A_1161 = vector.shape_cast %select_n3A_1153 : vector<64x2x256xf32> to vector<1x1x64x2x256xf32>
    tpu.vector_store %arg3[%swap3A_1154, %swap3A_1155, %swap3A_1156, %swap3A_1157, %swap3A_1158], %swap3A_1161 {strides = array<i32>} : memref<8x2x64x2x2048xf32, #tpu.memory_space<vmem>>, vector<1x1x64x2x256xf32>,
    %dma_wait3A_1162 = arith.constant 3 : i32
    %dma_wait3A_1163 = arith.constant 1 : i32
    %dma_wait3A_1164 = arith.constant 3 : i32
    %dma_wait3A_1165 = tpu.memref_slice %arg5[%dma_wait3A_1164] : memref<8x!tpu.dma_semaphore, #tpu.memory_space<semaphore_mem>> -> memref<1x!tpu.dma_semaphore, #tpu.memory_space<semaphore_mem>>
    %dma_wait3A_1166 = tpu.memref_squeeze %dma_wait3A_1165 : memref<1x!tpu.dma_semaphore, #tpu.memory_space<semaphore_mem>> -> memref<!tpu.dma_semaphore, #tpu.memory_space<semaphore_mem>>
    %dma_wait3A_1167 = arith.constant 832 : i32
    %dma_wait3A_1168 = arith.constant 0 : i32
    %dma_wait3A_1169 = arith.constant 0 : i32
    %dma_wait3A_1170 = tpu.memref_slice %arg2[%dma_wait3A_1167, %dma_wait3A_1168, %dma_wait3A_1169] : memref<2048x2x2048xf32, #tpu.memory_space<any>> -> memref<64x2x2048xf32, #tpu.memory_space<any>>
    %dma_wait3A_1171 = arith.constant 0 : i32
    %dma_wait3A_1172 = arith.constant 0 : i32
    %dma_wait3A_1173 = arith.constant 0 : i32
    %dma_wait3A_1174 = tpu.memref_slice %arg3[%dma_wait3A_1162, %dma_wait3A_1163, %dma_wait3A_1171, %dma_wait3A_1172, %dma_wait3A_1173] : memref<8x2x64x2x2048xf32, #tpu.memory_space<vmem>> -> memref<1x1x64x2x2048xf32, #tpu.memory_space<vmem>>
    %dma_wait3A_1175 = tpu.memref_squeeze %dma_wait3A_1174 : memref<1x1x64x2x2048xf32, #tpu.memory_space<vmem>> -> memref<64x2x2048xf32, #tpu.memory_space<vmem>>
    tpu.wait_dma2 semaphore(%dma_wait3A_1166 : memref<!tpu.dma_semaphore, #tpu.memory_space<semaphore_mem>>) src(%dma_wait3A_1175 : memref<64x2x2048xf32, #tpu.memory_space<vmem>>) dst(%dma_wait3A_1170 : memref<64x2x2048xf32, #tpu.memory_space<any>>)
    %dma_start3A_1176 = arith.constant 3 : i32
    %dma_start3A_1177 = arith.constant 1 : i32
    %dma_start3A_1178 = arith.constant 3 : i32
    %dma_start3A_1179 = tpu.memref_slice %arg4[%dma_start3A_1178] : memref<8x!tpu.dma_semaphore, #tpu.memory_space<semaphore_mem>> -> memref<1x!tpu.dma_semaphore, #tpu.memory_space<semaphore_mem>>
    %dma_start3A_1180 = tpu.memref_squeeze %dma_start3A_1179 : memref<1x!tpu.dma_semaphore, #tpu.memory_space<semaphore_mem>> -> memref<!tpu.dma_semaphore, #tpu.memory_space<semaphore_mem>>
    %dma_start3A_1181 = arith.constant 0 : i32
    %dma_start3A_1182 = arith.constant 0 : i32
    %dma_start3A_1183 = arith.constant 0 : i32
    %dma_start3A_1184 = tpu.memref_slice %arg3[%dma_start3A_1176, %dma_start3A_1177, %dma_start3A_1181, %dma_start3A_1182, %dma_start3A_1183] : memref<8x2x64x2x2048xf32, #tpu.memory_space<vmem>> -> memref<1x1x64x2x2048xf32, #tpu.memory_space<vmem>>
    %dma_start3A_1185 = tpu.memref_squeeze %dma_start3A_1184 : memref<1x1x64x2x2048xf32, #tpu.memory_space<vmem>> -> memref<64x2x2048xf32, #tpu.memory_space<vmem>>
    %dma_start3A_1186 = arith.constant 960 : i32
    %dma_start3A_1187 = arith.constant 0 : i32
    %dma_start3A_1188 = arith.constant 0 : i32
    %dma_start3A_1189 = tpu.memref_slice %arg1[%dma_start3A_1186, %dma_start3A_1187, %dma_start3A_1188] : memref<2048x2x2048xf32, #tpu.memory_space<any>> -> memref<64x2x2048xf32, #tpu.memory_space<any>>
    tpu.enqueue_dma source(%dma_start3A_1189 : memref<64x2x2048xf32, #tpu.memory_space<any>>) target(%dma_start3A_1185 : memref<64x2x2048xf32, #tpu.memory_space<vmem>>) target_semaphore(%dma_start3A_1180 : memref<!tpu.dma_semaphore, #tpu.memory_space<semaphore_mem>>)
    %dma_start3A_1190 = arith.constant 3 : i32
    %dma_start3A_1191 = arith.constant 0 : i32
    %dma_start3A_1192 = arith.constant 3 : i32
    %dma_start3A_1193 = tpu.memref_slice %arg5[%dma_start3A_1192] : memref<8x!tpu.dma_semaphore, #tpu.memory_space<semaphore_mem>> -> memref<1x!tpu.dma_semaphore, #tpu.memory_space<semaphore_mem>>
    %dma_start3A_1194 = tpu.memref_squeeze %dma_start3A_1193 : memref<1x!tpu.dma_semaphore, #tpu.memory_space<semaphore_mem>> -> memref<!tpu.dma_semaphore, #tpu.memory_space<semaphore_mem>>
    %dma_start3A_1195 = arith.constant 896 : i32
    %dma_start3A_1196 = arith.constant 0 : i32
    %dma_start3A_1197 = arith.constant 0 : i32
    %dma_start3A_1198 = tpu.memref_slice %arg2[%dma_start3A_1195, %dma_start3A_1196, %dma_start3A_1197] : memref<2048x2x2048xf32, #tpu.memory_space<any>> -> memref<64x2x2048xf32, #tpu.memory_space<any>>
    %dma_start3A_1199 = arith.constant 0 : i32
    %dma_start3A_1200 = arith.constant 0 : i32
    %dma_start3A_1201 = arith.constant 0 : i32
    %dma_start3A_1202 = tpu.memref_slice %arg3[%dma_start3A_1190, %dma_start3A_1191, %dma_start3A_1199, %dma_start3A_1200, %dma_start3A_1201] : memref<8x2x64x2x2048xf32, #tpu.memory_space<vmem>> -> memref<1x1x64x2x2048xf32, #tpu.memory_space<vmem>>
    %dma_start3A_1203 = tpu.memref_squeeze %dma_start3A_1202 : memref<1x1x64x2x2048xf32, #tpu.memory_space<vmem>> -> memref<64x2x2048xf32, #tpu.memory_space<vmem>>
    tpu.enqueue_dma source(%dma_start3A_1203 : memref<64x2x2048xf32, #tpu.memory_space<vmem>>) target(%dma_start3A_1198 : memref<64x2x2048xf32, #tpu.memory_space<any>>) target_semaphore(%dma_start3A_1194 : memref<!tpu.dma_semaphore, #tpu.memory_space<semaphore_mem>>)
    %dma_wait3A_1204 = arith.constant 4 : i32
    %dma_wait3A_1205 = arith.constant 0 : i32
    %dma_wait3A_1206 = arith.constant 4 : i32
    %dma_wait3A_1207 = tpu.memref_slice %arg4[%dma_wait3A_1206] : memref<8x!tpu.dma_semaphore, #tpu.memory_space<semaphore_mem>> -> memref<1x!tpu.dma_semaphore, #tpu.memory_space<semaphore_mem>>
    %dma_wait3A_1208 = tpu.memref_squeeze %dma_wait3A_1207 : memref<1x!tpu.dma_semaphore, #tpu.memory_space<semaphore_mem>> -> memref<!tpu.dma_semaphore, #tpu.memory_space<semaphore_mem>>
    %dma_wait3A_1209 = arith.constant 0 : i32
    %dma_wait3A_1210 = arith.constant 0 : i32
    %dma_wait3A_1211 = arith.constant 0 : i32
    %dma_wait3A_1212 = tpu.memref_slice %arg3[%dma_wait3A_1204, %dma_wait3A_1205, %dma_wait3A_1209, %dma_wait3A_1210, %dma_wait3A_1211] : memref<8x2x64x2x2048xf32, #tpu.memory_space<vmem>> -> memref<1x1x64x2x2048xf32, #tpu.memory_space<vmem>>
    %dma_wait3A_1213 = tpu.memref_squeeze %dma_wait3A_1212 : memref<1x1x64x2x2048xf32, #tpu.memory_space<vmem>> -> memref<64x2x2048xf32, #tpu.memory_space<vmem>>
    %dma_wait3A_1214 = arith.constant 1152 : i32
    %dma_wait3A_1215 = arith.constant 0 : i32
    %dma_wait3A_1216 = arith.constant 0 : i32
    %dma_wait3A_1217 = tpu.memref_slice %arg1[%dma_wait3A_1214, %dma_wait3A_1215, %dma_wait3A_1216] : memref<2048x2x2048xf32, #tpu.memory_space<any>> -> memref<64x2x2048xf32, #tpu.memory_space<any>>
    tpu.wait_dma2 semaphore(%dma_wait3A_1208 : memref<!tpu.dma_semaphore, #tpu.memory_space<semaphore_mem>>) src(%dma_wait3A_1217 : memref<64x2x2048xf32, #tpu.memory_space<any>>) dst(%dma_wait3A_1213 : memref<64x2x2048xf32, #tpu.memory_space<vmem>>)
    %dma_wait3A_1218 = arith.constant 4 : i32
    %dma_wait3A_1219 = arith.constant 1 : i32
    %dma_wait3A_1220 = arith.constant 4 : i32
    %dma_wait3A_1221 = tpu.memref_slice %arg5[%dma_wait3A_1220] : memref<8x!tpu.dma_semaphore, #tpu.memory_space<semaphore_mem>> -> memref<1x!tpu.dma_semaphore, #tpu.memory_space<semaphore_mem>>
    %dma_wait3A_1222 = tpu.memref_squeeze %dma_wait3A_1221 : memref<1x!tpu.dma_semaphore, #tpu.memory_space<semaphore_mem>> -> memref<!tpu.dma_semaphore, #tpu.memory_space<semaphore_mem>>
    %dma_wait3A_1223 = arith.constant 1088 : i32
    %dma_wait3A_1224 = arith.constant 0 : i32
    %dma_wait3A_1225 = arith.constant 0 : i32
    %dma_wait3A_1226 = tpu.memref_slice %arg2[%dma_wait3A_1223, %dma_wait3A_1224, %dma_wait3A_1225] : memref<2048x2x2048xf32, #tpu.memory_space<any>> -> memref<64x2x2048xf32, #tpu.memory_space<any>>
    %dma_wait3A_1227 = arith.constant 0 : i32
    %dma_wait3A_1228 = arith.constant 0 : i32
    %dma_wait3A_1229 = arith.constant 0 : i32
    %dma_wait3A_1230 = tpu.memref_slice %arg3[%dma_wait3A_1218, %dma_wait3A_1219, %dma_wait3A_1227, %dma_wait3A_1228, %dma_wait3A_1229] : memref<8x2x64x2x2048xf32, #tpu.memory_space<vmem>> -> memref<1x1x64x2x2048xf32, #tpu.memory_space<vmem>>
    %dma_wait3A_1231 = tpu.memref_squeeze %dma_wait3A_1230 : memref<1x1x64x2x2048xf32, #tpu.memory_space<vmem>> -> memref<64x2x2048xf32, #tpu.memory_space<vmem>>
    tpu.wait_dma2 semaphore(%dma_wait3A_1222 : memref<!tpu.dma_semaphore, #tpu.memory_space<semaphore_mem>>) src(%dma_wait3A_1231 : memref<64x2x2048xf32, #tpu.memory_space<vmem>>) dst(%dma_wait3A_1226 : memref<64x2x2048xf32, #tpu.memory_space<any>>)
    %dma_start3A_1232 = arith.constant 4 : i32
    %dma_start3A_1233 = arith.constant 1 : i32
    %dma_start3A_1234 = arith.constant 4 : i32
    %dma_start3A_1235 = tpu.memref_slice %arg4[%dma_start3A_1234] : memref<8x!tpu.dma_semaphore, #tpu.memory_space<semaphore_mem>> -> memref<1x!tpu.dma_semaphore, #tpu.memory_space<semaphore_mem>>
    %dma_start3A_1236 = tpu.memref_squeeze %dma_start3A_1235 : memref<1x!tpu.dma_semaphore, #tpu.memory_space<semaphore_mem>> -> memref<!tpu.dma_semaphore, #tpu.memory_space<semaphore_mem>>
    %dma_start3A_1237 = arith.constant 0 : i32
    %dma_start3A_1238 = arith.constant 0 : i32
    %dma_start3A_1239 = arith.constant 0 : i32
    %dma_start3A_1240 = tpu.memref_slice %arg3[%dma_start3A_1232, %dma_start3A_1233, %dma_start3A_1237, %dma_start3A_1238, %dma_start3A_1239] : memref<8x2x64x2x2048xf32, #tpu.memory_space<vmem>> -> memref<1x1x64x2x2048xf32, #tpu.memory_space<vmem>>
    %dma_start3A_1241 = tpu.memref_squeeze %dma_start3A_1240 : memref<1x1x64x2x2048xf32, #tpu.memory_space<vmem>> -> memref<64x2x2048xf32, #tpu.memory_space<vmem>>
    %dma_start3A_1242 = arith.constant 1216 : i32
    %dma_start3A_1243 = arith.constant 0 : i32
    %dma_start3A_1244 = arith.constant 0 : i32
    %dma_start3A_1245 = tpu.memref_slice %arg1[%dma_start3A_1242, %dma_start3A_1243, %dma_start3A_1244] : memref<2048x2x2048xf32, #tpu.memory_space<any>> -> memref<64x2x2048xf32, #tpu.memory_space<any>>
    tpu.enqueue_dma source(%dma_start3A_1245 : memref<64x2x2048xf32, #tpu.memory_space<any>>) target(%dma_start3A_1241 : memref<64x2x2048xf32, #tpu.memory_space<vmem>>) target_semaphore(%dma_start3A_1236 : memref<!tpu.dma_semaphore, #tpu.memory_space<semaphore_mem>>)
    %dma_start3A_1246 = arith.constant 4 : i32
    %dma_start3A_1247 = arith.constant 0 : i32
    %dma_start3A_1248 = arith.constant 4 : i32
    %dma_start3A_1249 = tpu.memref_slice %arg5[%dma_start3A_1248] : memref<8x!tpu.dma_semaphore, #tpu.memory_space<semaphore_mem>> -> memref<1x!tpu.dma_semaphore, #tpu.memory_space<semaphore_mem>>
    %dma_start3A_1250 = tpu.memref_squeeze %dma_start3A_1249 : memref<1x!tpu.dma_semaphore, #tpu.memory_space<semaphore_mem>> -> memref<!tpu.dma_semaphore, #tpu.memory_space<semaphore_mem>>
    %dma_start3A_1251 = arith.constant 1152 : i32
    %dma_start3A_1252 = arith.constant 0 : i32
    %dma_start3A_1253 = arith.constant 0 : i32
    %dma_start3A_1254 = tpu.memref_slice %arg2[%dma_start3A_1251, %dma_start3A_1252, %dma_start3A_1253] : memref<2048x2x2048xf32, #tpu.memory_space<any>> -> memref<64x2x2048xf32, #tpu.memory_space<any>>
    %dma_start3A_1255 = arith.constant 0 : i32
    %dma_start3A_1256 = arith.constant 0 : i32
    %dma_start3A_1257 = arith.constant 0 : i32
    %dma_start3A_1258 = tpu.memref_slice %arg3[%dma_start3A_1246, %dma_start3A_1247, %dma_start3A_1255, %dma_start3A_1256, %dma_start3A_1257] : memref<8x2x64x2x2048xf32, #tpu.memory_space<vmem>> -> memref<1x1x64x2x2048xf32, #tpu.memory_space<vmem>>
    %dma_start3A_1259 = tpu.memref_squeeze %dma_start3A_1258 : memref<1x1x64x2x2048xf32, #tpu.memory_space<vmem>> -> memref<64x2x2048xf32, #tpu.memory_space<vmem>>
    tpu.enqueue_dma source(%dma_start3A_1259 : memref<64x2x2048xf32, #tpu.memory_space<vmem>>) target(%dma_start3A_1254 : memref<64x2x2048xf32, #tpu.memory_space<any>>) target_semaphore(%dma_start3A_1250 : memref<!tpu.dma_semaphore, #tpu.memory_space<semaphore_mem>>)
    %dma_wait3A_1260 = arith.constant 5 : i32
    %dma_wait3A_1261 = arith.constant 0 : i32
    %dma_wait3A_1262 = arith.constant 5 : i32
    %dma_wait3A_1263 = tpu.memref_slice %arg4[%dma_wait3A_1262] : memref<8x!tpu.dma_semaphore, #tpu.memory_space<semaphore_mem>> -> memref<1x!tpu.dma_semaphore, #tpu.memory_space<semaphore_mem>>
    %dma_wait3A_1264 = tpu.memref_squeeze %dma_wait3A_1263 : memref<1x!tpu.dma_semaphore, #tpu.memory_space<semaphore_mem>> -> memref<!tpu.dma_semaphore, #tpu.memory_space<semaphore_mem>>
    %dma_wait3A_1265 = arith.constant 0 : i32
    %dma_wait3A_1266 = arith.constant 0 : i32
    %dma_wait3A_1267 = arith.constant 0 : i32
    %dma_wait3A_1268 = tpu.memref_slice %arg3[%dma_wait3A_1260, %dma_wait3A_1261, %dma_wait3A_1265, %dma_wait3A_1266, %dma_wait3A_1267] : memref<8x2x64x2x2048xf32, #tpu.memory_space<vmem>> -> memref<1x1x64x2x2048xf32, #tpu.memory_space<vmem>>
    %dma_wait3A_1269 = tpu.memref_squeeze %dma_wait3A_1268 : memref<1x1x64x2x2048xf32, #tpu.memory_space<vmem>> -> memref<64x2x2048xf32, #tpu.memory_space<vmem>>
    %dma_wait3A_1270 = arith.constant 1408 : i32
    %dma_wait3A_1271 = arith.constant 0 : i32
    %dma_wait3A_1272 = arith.constant 0 : i32
    %dma_wait3A_1273 = tpu.memref_slice %arg1[%dma_wait3A_1270, %dma_wait3A_1271, %dma_wait3A_1272] : memref<2048x2x2048xf32, #tpu.memory_space<any>> -> memref<64x2x2048xf32, #tpu.memory_space<any>>
    tpu.wait_dma2 semaphore(%dma_wait3A_1264 : memref<!tpu.dma_semaphore, #tpu.memory_space<semaphore_mem>>) src(%dma_wait3A_1273 : memref<64x2x2048xf32, #tpu.memory_space<any>>) dst(%dma_wait3A_1269 : memref<64x2x2048xf32, #tpu.memory_space<vmem>>)
    %dma_wait3A_1274 = arith.constant 5 : i32
    %dma_wait3A_1275 = arith.constant 1 : i32
    %dma_wait3A_1276 = arith.constant 5 : i32
    %dma_wait3A_1277 = tpu.memref_slice %arg5[%dma_wait3A_1276] : memref<8x!tpu.dma_semaphore, #tpu.memory_space<semaphore_mem>> -> memref<1x!tpu.dma_semaphore, #tpu.memory_space<semaphore_mem>>
    %dma_wait3A_1278 = tpu.memref_squeeze %dma_wait3A_1277 : memref<1x!tpu.dma_semaphore, #tpu.memory_space<semaphore_mem>> -> memref<!tpu.dma_semaphore, #tpu.memory_space<semaphore_mem>>
    %dma_wait3A_1279 = arith.constant 1344 : i32
    %dma_wait3A_1280 = arith.constant 0 : i32
    %dma_wait3A_1281 = arith.constant 0 : i32
    %dma_wait3A_1282 = tpu.memref_slice %arg2[%dma_wait3A_1279, %dma_wait3A_1280, %dma_wait3A_1281] : memref<2048x2x2048xf32, #tpu.memory_space<any>> -> memref<64x2x2048xf32, #tpu.memory_space<any>>
    %dma_wait3A_1283 = arith.constant 0 : i32
    %dma_wait3A_1284 = arith.constant 0 : i32
    %dma_wait3A_1285 = arith.constant 0 : i32
    %dma_wait3A_1286 = tpu.memref_slice %arg3[%dma_wait3A_1274, %dma_wait3A_1275, %dma_wait3A_1283, %dma_wait3A_1284, %dma_wait3A_1285] : memref<8x2x64x2x2048xf32, #tpu.memory_space<vmem>> -> memref<1x1x64x2x2048xf32, #tpu.memory_space<vmem>>
    %dma_wait3A_1287 = tpu.memref_squeeze %dma_wait3A_1286 : memref<1x1x64x2x2048xf32, #tpu.memory_space<vmem>> -> memref<64x2x2048xf32, #tpu.memory_space<vmem>>
    tpu.wait_dma2 semaphore(%dma_wait3A_1278 : memref<!tpu.dma_semaphore, #tpu.memory_space<semaphore_mem>>) src(%dma_wait3A_1287 : memref<64x2x2048xf32, #tpu.memory_space<vmem>>) dst(%dma_wait3A_1282 : memref<64x2x2048xf32, #tpu.memory_space<any>>)
    %dma_start3A_1288 = arith.constant 5 : i32
    %dma_start3A_1289 = arith.constant 1 : i32
    %dma_start3A_1290 = arith.constant 5 : i32
    %dma_start3A_1291 = tpu.memref_slice %arg4[%dma_start3A_1290] : memref<8x!tpu.dma_semaphore, #tpu.memory_space<semaphore_mem>> -> memref<1x!tpu.dma_semaphore, #tpu.memory_space<semaphore_mem>>
    %dma_start3A_1292 = tpu.memref_squeeze %dma_start3A_1291 : memref<1x!tpu.dma_semaphore, #tpu.memory_space<semaphore_mem>> -> memref<!tpu.dma_semaphore, #tpu.memory_space<semaphore_mem>>
    %dma_start3A_1293 = arith.constant 0 : i32
    %dma_start3A_1294 = arith.constant 0 : i32
    %dma_start3A_1295 = arith.constant 0 : i32
    %dma_start3A_1296 = tpu.memref_slice %arg3[%dma_start3A_1288, %dma_start3A_1289, %dma_start3A_1293, %dma_start3A_1294, %dma_start3A_1295] : memref<8x2x64x2x2048xf32, #tpu.memory_space<vmem>> -> memref<1x1x64x2x2048xf32, #tpu.memory_space<vmem>>
    %dma_start3A_1297 = tpu.memref_squeeze %dma_start3A_1296 : memref<1x1x64x2x2048xf32, #tpu.memory_space<vmem>> -> memref<64x2x2048xf32, #tpu.memory_space<vmem>>
    %dma_start3A_1298 = arith.constant 1472 : i32
    %dma_start3A_1299 = arith.constant 0 : i32
    %dma_start3A_1300 = arith.constant 0 : i32
    %dma_start3A_1301 = tpu.memref_slice %arg1[%dma_start3A_1298, %dma_start3A_1299, %dma_start3A_1300] : memref<2048x2x2048xf32, #tpu.memory_space<any>> -> memref<64x2x2048xf32, #tpu.memory_space<any>>
    tpu.enqueue_dma source(%dma_start3A_1301 : memref<64x2x2048xf32, #tpu.memory_space<any>>) target(%dma_start3A_1297 : memref<64x2x2048xf32, #tpu.memory_space<vmem>>) target_semaphore(%dma_start3A_1292 : memref<!tpu.dma_semaphore, #tpu.memory_space<semaphore_mem>>)
    %dma_start3A_1302 = arith.constant 5 : i32
    %dma_start3A_1303 = arith.constant 0 : i32
    %dma_start3A_1304 = arith.constant 5 : i32
    %dma_start3A_1305 = tpu.memref_slice %arg5[%dma_start3A_1304] : memref<8x!tpu.dma_semaphore, #tpu.memory_space<semaphore_mem>> -> memref<1x!tpu.dma_semaphore, #tpu.memory_space<semaphore_mem>>
    %dma_start3A_1306 = tpu.memref_squeeze %dma_start3A_1305 : memref<1x!tpu.dma_semaphore, #tpu.memory_space<semaphore_mem>> -> memref<!tpu.dma_semaphore, #tpu.memory_space<semaphore_mem>>
    %dma_start3A_1307 = arith.constant 1408 : i32
    %dma_start3A_1308 = arith.constant 0 : i32
    %dma_start3A_1309 = arith.constant 0 : i32
    %dma_start3A_1310 = tpu.memref_slice %arg2[%dma_start3A_1307, %dma_start3A_1308, %dma_start3A_1309] : memref<2048x2x2048xf32, #tpu.memory_space<any>> -> memref<64x2x2048xf32, #tpu.memory_space<any>>
    %dma_start3A_1311 = arith.constant 0 : i32
    %dma_start3A_1312 = arith.constant 0 : i32
    %dma_start3A_1313 = arith.constant 0 : i32
    %dma_start3A_1314 = tpu.memref_slice %arg3[%dma_start3A_1302, %dma_start3A_1303, %dma_start3A_1311, %dma_start3A_1312, %dma_start3A_1313] : memref<8x2x64x2x2048xf32, #tpu.memory_space<vmem>> -> memref<1x1x64x2x2048xf32, #tpu.memory_space<vmem>>
    %dma_start3A_1315 = tpu.memref_squeeze %dma_start3A_1314 : memref<1x1x64x2x2048xf32, #tpu.memory_space<vmem>> -> memref<64x2x2048xf32, #tpu.memory_space<vmem>>
    tpu.enqueue_dma source(%dma_start3A_1315 : memref<64x2x2048xf32, #tpu.memory_space<vmem>>) target(%dma_start3A_1310 : memref<64x2x2048xf32, #tpu.memory_space<any>>) target_semaphore(%dma_start3A_1306 : memref<!tpu.dma_semaphore, #tpu.memory_space<semaphore_mem>>)
    %dma_wait3A_1316 = arith.constant 6 : i32
    %dma_wait3A_1317 = arith.constant 0 : i32
    %dma_wait3A_1318 = arith.constant 6 : i32
    %dma_wait3A_1319 = tpu.memref_slice %arg4[%dma_wait3A_1318] : memref<8x!tpu.dma_semaphore, #tpu.memory_space<semaphore_mem>> -> memref<1x!tpu.dma_semaphore, #tpu.memory_space<semaphore_mem>>
    %dma_wait3A_1320 = tpu.memref_squeeze %dma_wait3A_1319 : memref<1x!tpu.dma_semaphore, #tpu.memory_space<semaphore_mem>> -> memref<!tpu.dma_semaphore, #tpu.memory_space<semaphore_mem>>
    %dma_wait3A_1321 = arith.constant 0 : i32
    %dma_wait3A_1322 = arith.constant 0 : i32
    %dma_wait3A_1323 = arith.constant 0 : i32
    %dma_wait3A_1324 = tpu.memref_slice %arg3[%dma_wait3A_1316, %dma_wait3A_1317, %dma_wait3A_1321, %dma_wait3A_1322, %dma_wait3A_1323] : memref<8x2x64x2x2048xf32, #tpu.memory_space<vmem>> -> memref<1x1x64x2x2048xf32, #tpu.memory_space<vmem>>
    %dma_wait3A_1325 = tpu.memref_squeeze %dma_wait3A_1324 : memref<1x1x64x2x2048xf32, #tpu.memory_space<vmem>> -> memref<64x2x2048xf32, #tpu.memory_space<vmem>>
    %dma_wait3A_1326 = arith.constant 1664 : i32
    %dma_wait3A_1327 = arith.constant 0 : i32
    %dma_wait3A_1328 = arith.constant 0 : i32
    %dma_wait3A_1329 = tpu.memref_slice %arg1[%dma_wait3A_1326, %dma_wait3A_1327, %dma_wait3A_1328] : memref<2048x2x2048xf32, #tpu.memory_space<any>> -> memref<64x2x2048xf32, #tpu.memory_space<any>>
    tpu.wait_dma2 semaphore(%dma_wait3A_1320 : memref<!tpu.dma_semaphore, #tpu.memory_space<semaphore_mem>>) src(%dma_wait3A_1329 : memref<64x2x2048xf32, #tpu.memory_space<any>>) dst(%dma_wait3A_1325 : memref<64x2x2048xf32, #tpu.memory_space<vmem>>)
    %dma_wait3A_1330 = arith.constant 6 : i32
    %dma_wait3A_1331 = arith.constant 1 : i32
    %dma_wait3A_1332 = arith.constant 6 : i32
    %dma_wait3A_1333 = tpu.memref_slice %arg5[%dma_wait3A_1332] : memref<8x!tpu.dma_semaphore, #tpu.memory_space<semaphore_mem>> -> memref<1x!tpu.dma_semaphore, #tpu.memory_space<semaphore_mem>>
    %dma_wait3A_1334 = tpu.memref_squeeze %dma_wait3A_1333 : memref<1x!tpu.dma_semaphore, #tpu.memory_space<semaphore_mem>> -> memref<!tpu.dma_semaphore, #tpu.memory_space<semaphore_mem>>
    %dma_wait3A_1335 = arith.constant 1600 : i32
    %dma_wait3A_1336 = arith.constant 0 : i32
    %dma_wait3A_1337 = arith.constant 0 : i32
    %dma_wait3A_1338 = tpu.memref_slice %arg2[%dma_wait3A_1335, %dma_wait3A_1336, %dma_wait3A_1337] : memref<2048x2x2048xf32, #tpu.memory_space<any>> -> memref<64x2x2048xf32, #tpu.memory_space<any>>
    %dma_wait3A_1339 = arith.constant 0 : i32
    %dma_wait3A_1340 = arith.constant 0 : i32
    %dma_wait3A_1341 = arith.constant 0 : i32
    %dma_wait3A_1342 = tpu.memref_slice %arg3[%dma_wait3A_1330, %dma_wait3A_1331, %dma_wait3A_1339, %dma_wait3A_1340, %dma_wait3A_1341] : memref<8x2x64x2x2048xf32, #tpu.memory_space<vmem>> -> memref<1x1x64x2x2048xf32, #tpu.memory_space<vmem>>
    %dma_wait3A_1343 = tpu.memref_squeeze %dma_wait3A_1342 : memref<1x1x64x2x2048xf32, #tpu.memory_space<vmem>> -> memref<64x2x2048xf32, #tpu.memory_space<vmem>>
    tpu.wait_dma2 semaphore(%dma_wait3A_1334 : memref<!tpu.dma_semaphore, #tpu.memory_space<semaphore_mem>>) src(%dma_wait3A_1343 : memref<64x2x2048xf32, #tpu.memory_space<vmem>>) dst(%dma_wait3A_1338 : memref<64x2x2048xf32, #tpu.memory_space<any>>)
    %dma_start3A_1344 = arith.constant 6 : i32
    %dma_start3A_1345 = arith.constant 1 : i32
    %dma_start3A_1346 = arith.constant 6 : i32
    %dma_start3A_1347 = tpu.memref_slice %arg4[%dma_start3A_1346] : memref<8x!tpu.dma_semaphore, #tpu.memory_space<semaphore_mem>> -> memref<1x!tpu.dma_semaphore, #tpu.memory_space<semaphore_mem>>
    %dma_start3A_1348 = tpu.memref_squeeze %dma_start3A_1347 : memref<1x!tpu.dma_semaphore, #tpu.memory_space<semaphore_mem>> -> memref<!tpu.dma_semaphore, #tpu.memory_space<semaphore_mem>>
    %dma_start3A_1349 = arith.constant 0 : i32
    %dma_start3A_1350 = arith.constant 0 : i32
    %dma_start3A_1351 = arith.constant 0 : i32
    %dma_start3A_1352 = tpu.memref_slice %arg3[%dma_start3A_1344, %dma_start3A_1345, %dma_start3A_1349, %dma_start3A_1350, %dma_start3A_1351] : memref<8x2x64x2x2048xf32, #tpu.memory_space<vmem>> -> memref<1x1x64x2x2048xf32, #tpu.memory_space<vmem>>
    %dma_start3A_1353 = tpu.memref_squeeze %dma_start3A_1352 : memref<1x1x64x2x2048xf32, #tpu.memory_space<vmem>> -> memref<64x2x2048xf32, #tpu.memory_space<vmem>>
    %dma_start3A_1354 = arith.constant 1728 : i32
    %dma_start3A_1355 = arith.constant 0 : i32
    %dma_start3A_1356 = arith.constant 0 : i32
    %dma_start3A_1357 = tpu.memref_slice %arg1[%dma_start3A_1354, %dma_start3A_1355, %dma_start3A_1356] : memref<2048x2x2048xf32, #tpu.memory_space<any>> -> memref<64x2x2048xf32, #tpu.memory_space<any>>
    tpu.enqueue_dma source(%dma_start3A_1357 : memref<64x2x2048xf32, #tpu.memory_space<any>>) target(%dma_start3A_1353 : memref<64x2x2048xf32, #tpu.memory_space<vmem>>) target_semaphore(%dma_start3A_1348 : memref<!tpu.dma_semaphore, #tpu.memory_space<semaphore_mem>>)
    %dma_start3A_1358 = arith.constant 6 : i32
    %dma_start3A_1359 = arith.constant 0 : i32
    %dma_start3A_1360 = arith.constant 6 : i32
    %dma_start3A_1361 = tpu.memref_slice %arg5[%dma_start3A_1360] : memref<8x!tpu.dma_semaphore, #tpu.memory_space<semaphore_mem>> -> memref<1x!tpu.dma_semaphore, #tpu.memory_space<semaphore_mem>>
    %dma_start3A_1362 = tpu.memref_squeeze %dma_start3A_1361 : memref<1x!tpu.dma_semaphore, #tpu.memory_space<semaphore_mem>> -> memref<!tpu.dma_semaphore, #tpu.memory_space<semaphore_mem>>
    %dma_start3A_1363 = arith.constant 1664 : i32
    %dma_start3A_1364 = arith.constant 0 : i32
    %dma_start3A_1365 = arith.constant 0 : i32
    %dma_start3A_1366 = tpu.memref_slice %arg2[%dma_start3A_1363, %dma_start3A_1364, %dma_start3A_1365] : memref<2048x2x2048xf32, #tpu.memory_space<any>> -> memref<64x2x2048xf32, #tpu.memory_space<any>>
    %dma_start3A_1367 = arith.constant 0 : i32
    %dma_start3A_1368 = arith.constant 0 : i32
    %dma_start3A_1369 = arith.constant 0 : i32
    %dma_start3A_1370 = tpu.memref_slice %arg3[%dma_start3A_1358, %dma_start3A_1359, %dma_start3A_1367, %dma_start3A_1368, %dma_start3A_1369] : memref<8x2x64x2x2048xf32, #tpu.memory_space<vmem>> -> memref<1x1x64x2x2048xf32, #tpu.memory_space<vmem>>
    %dma_start3A_1371 = tpu.memref_squeeze %dma_start3A_1370 : memref<1x1x64x2x2048xf32, #tpu.memory_space<vmem>> -> memref<64x2x2048xf32, #tpu.memory_space<vmem>>
    tpu.enqueue_dma source(%dma_start3A_1371 : memref<64x2x2048xf32, #tpu.memory_space<vmem>>) target(%dma_start3A_1366 : memref<64x2x2048xf32, #tpu.memory_space<any>>) target_semaphore(%dma_start3A_1362 : memref<!tpu.dma_semaphore, #tpu.memory_space<semaphore_mem>>)
    %dma_wait3A_1372 = arith.constant 7 : i32
    %dma_wait3A_1373 = arith.constant 0 : i32
    %dma_wait3A_1374 = arith.constant 7 : i32
    %dma_wait3A_1375 = tpu.memref_slice %arg4[%dma_wait3A_1374] : memref<8x!tpu.dma_semaphore, #tpu.memory_space<semaphore_mem>> -> memref<1x!tpu.dma_semaphore, #tpu.memory_space<semaphore_mem>>
    %dma_wait3A_1376 = tpu.memref_squeeze %dma_wait3A_1375 : memref<1x!tpu.dma_semaphore, #tpu.memory_space<semaphore_mem>> -> memref<!tpu.dma_semaphore, #tpu.memory_space<semaphore_mem>>
    %dma_wait3A_1377 = arith.constant 0 : i32
    %dma_wait3A_1378 = arith.constant 0 : i32
    %dma_wait3A_1379 = arith.constant 0 : i32
    %dma_wait3A_1380 = tpu.memref_slice %arg3[%dma_wait3A_1372, %dma_wait3A_1373, %dma_wait3A_1377, %dma_wait3A_1378, %dma_wait3A_1379] : memref<8x2x64x2x2048xf32, #tpu.memory_space<vmem>> -> memref<1x1x64x2x2048xf32, #tpu.memory_space<vmem>>
    %dma_wait3A_1381 = tpu.memref_squeeze %dma_wait3A_1380 : memref<1x1x64x2x2048xf32, #tpu.memory_space<vmem>> -> memref<64x2x2048xf32, #tpu.memory_space<vmem>>
    %dma_wait3A_1382 = arith.constant 1920 : i32
    %dma_wait3A_1383 = arith.constant 0 : i32
    %dma_wait3A_1384 = arith.constant 0 : i32
    %dma_wait3A_1385 = tpu.memref_slice %arg1[%dma_wait3A_1382, %dma_wait3A_1383, %dma_wait3A_1384] : memref<2048x2x2048xf32, #tpu.memory_space<any>> -> memref<64x2x2048xf32, #tpu.memory_space<any>>
    tpu.wait_dma2 semaphore(%dma_wait3A_1376 : memref<!tpu.dma_semaphore, #tpu.memory_space<semaphore_mem>>) src(%dma_wait3A_1385 : memref<64x2x2048xf32, #tpu.memory_space<any>>) dst(%dma_wait3A_1381 : memref<64x2x2048xf32, #tpu.memory_space<vmem>>)
    %dma_wait3A_1386 = arith.constant 7 : i32
    %dma_wait3A_1387 = arith.constant 1 : i32
    %dma_wait3A_1388 = arith.constant 7 : i32
    %dma_wait3A_1389 = tpu.memref_slice %arg5[%dma_wait3A_1388] : memref<8x!tpu.dma_semaphore, #tpu.memory_space<semaphore_mem>> -> memref<1x!tpu.dma_semaphore, #tpu.memory_space<semaphore_mem>>
    %dma_wait3A_1390 = tpu.memref_squeeze %dma_wait3A_1389 : memref<1x!tpu.dma_semaphore, #tpu.memory_space<semaphore_mem>> -> memref<!tpu.dma_semaphore, #tpu.memory_space<semaphore_mem>>
    %dma_wait3A_1391 = arith.constant 1856 : i32
    %dma_wait3A_1392 = arith.constant 0 : i32
    %dma_wait3A_1393 = arith.constant 0 : i32
    %dma_wait3A_1394 = tpu.memref_slice %arg2[%dma_wait3A_1391, %dma_wait3A_1392, %dma_wait3A_1393] : memref<2048x2x2048xf32, #tpu.memory_space<any>> -> memref<64x2x2048xf32, #tpu.memory_space<any>>
    %dma_wait3A_1395 = arith.constant 0 : i32
    %dma_wait3A_1396 = arith.constant 0 : i32
    %dma_wait3A_1397 = arith.constant 0 : i32
    %dma_wait3A_1398 = tpu.memref_slice %arg3[%dma_wait3A_1386, %dma_wait3A_1387, %dma_wait3A_1395, %dma_wait3A_1396, %dma_wait3A_1397] : memref<8x2x64x2x2048xf32, #tpu.memory_space<vmem>> -> memref<1x1x64x2x2048xf32, #tpu.memory_space<vmem>>
    %dma_wait3A_1399 = tpu.memref_squeeze %dma_wait3A_1398 : memref<1x1x64x2x2048xf32, #tpu.memory_space<vmem>> -> memref<64x2x2048xf32, #tpu.memory_space<vmem>>
    tpu.wait_dma2 semaphore(%dma_wait3A_1390 : memref<!tpu.dma_semaphore, #tpu.memory_space<semaphore_mem>>) src(%dma_wait3A_1399 : memref<64x2x2048xf32, #tpu.memory_space<vmem>>) dst(%dma_wait3A_1394 : memref<64x2x2048xf32, #tpu.memory_space<any>>)
    %dma_start3A_1400 = arith.constant 7 : i32
    %dma_start3A_1401 = arith.constant 1 : i32
    %dma_start3A_1402 = arith.constant 7 : i32
    %dma_start3A_1403 = tpu.memref_slice %arg4[%dma_start3A_1402] : memref<8x!tpu.dma_semaphore, #tpu.memory_space<semaphore_mem>> -> memref<1x!tpu.dma_semaphore, #tpu.memory_space<semaphore_mem>>
    %dma_start3A_1404 = tpu.memref_squeeze %dma_start3A_1403 : memref<1x!tpu.dma_semaphore, #tpu.memory_space<semaphore_mem>> -> memref<!tpu.dma_semaphore, #tpu.memory_space<semaphore_mem>>
    %dma_start3A_1405 = arith.constant 0 : i32
    %dma_start3A_1406 = arith.constant 0 : i32
    %dma_start3A_1407 = arith.constant 0 : i32
    %dma_start3A_1408 = tpu.memref_slice %arg3[%dma_start3A_1400, %dma_start3A_1401, %dma_start3A_1405, %dma_start3A_1406, %dma_start3A_1407] : memref<8x2x64x2x2048xf32, #tpu.memory_space<vmem>> -> memref<1x1x64x2x2048xf32, #tpu.memory_space<vmem>>
    %dma_start3A_1409 = tpu.memref_squeeze %dma_start3A_1408 : memref<1x1x64x2x2048xf32, #tpu.memory_space<vmem>> -> memref<64x2x2048xf32, #tpu.memory_space<vmem>>
    %dma_start3A_1410 = arith.constant 1984 : i32
    %dma_start3A_1411 = arith.constant 0 : i32
    %dma_start3A_1412 = arith.constant 0 : i32
    %dma_start3A_1413 = tpu.memref_slice %arg1[%dma_start3A_1410, %dma_start3A_1411, %dma_start3A_1412] : memref<2048x2x2048xf32, #tpu.memory_space<any>> -> memref<64x2x2048xf32, #tpu.memory_space<any>>
    tpu.enqueue_dma source(%dma_start3A_1413 : memref<64x2x2048xf32, #tpu.memory_space<any>>) target(%dma_start3A_1409 : memref<64x2x2048xf32, #tpu.memory_space<vmem>>) target_semaphore(%dma_start3A_1404 : memref<!tpu.dma_semaphore, #tpu.memory_space<semaphore_mem>>)
    %dma_start3A_1414 = arith.constant 7 : i32
    %dma_start3A_1415 = arith.constant 0 : i32
    %dma_start3A_1416 = arith.constant 7 : i32
    %dma_start3A_1417 = tpu.memref_slice %arg5[%dma_start3A_1416] : memref<8x!tpu.dma_semaphore, #tpu.memory_space<semaphore_mem>> -> memref<1x!tpu.dma_semaphore, #tpu.memory_space<semaphore_mem>>
    %dma_start3A_1418 = tpu.memref_squeeze %dma_start3A_1417 : memref<1x!tpu.dma_semaphore, #tpu.memory_space<semaphore_mem>> -> memref<!tpu.dma_semaphore, #tpu.memory_space<semaphore_mem>>
    %dma_start3A_1419 = arith.constant 1920 : i32
    %dma_start3A_1420 = arith.constant 0 : i32
    %dma_start3A_1421 = arith.constant 0 : i32
    %dma_start3A_1422 = tpu.memref_slice %arg2[%dma_start3A_1419, %dma_start3A_1420, %dma_start3A_1421] : memref<2048x2x2048xf32, #tpu.memory_space<any>> -> memref<64x2x2048xf32, #tpu.memory_space<any>>
    %dma_start3A_1423 = arith.constant 0 : i32
    %dma_start3A_1424 = arith.constant 0 : i32
    %dma_start3A_1425 = arith.constant 0 : i32
    %dma_start3A_1426 = tpu.memref_slice %arg3[%dma_start3A_1414, %dma_start3A_1415, %dma_start3A_1423, %dma_start3A_1424, %dma_start3A_1425] : memref<8x2x64x2x2048xf32, #tpu.memory_space<vmem>> -> memref<1x1x64x2x2048xf32, #tpu.memory_space<vmem>>
    %dma_start3A_1427 = tpu.memref_squeeze %dma_start3A_1426 : memref<1x1x64x2x2048xf32, #tpu.memory_space<vmem>> -> memref<64x2x2048xf32, #tpu.memory_space<vmem>>
    tpu.enqueue_dma source(%dma_start3A_1427 : memref<64x2x2048xf32, #tpu.memory_space<vmem>>) target(%dma_start3A_1422 : memref<64x2x2048xf32, #tpu.memory_space<any>>) target_semaphore(%dma_start3A_1418 : memref<!tpu.dma_semaphore, #tpu.memory_space<semaphore_mem>>)
    %dma_wait3A_1428 = arith.constant 0 : i32
    %dma_wait3A_1429 = arith.constant 1 : i32
    %dma_wait3A_1430 = arith.constant 0 : i32
    %dma_wait3A_1431 = tpu.memref_slice %arg4[%dma_wait3A_1430] : memref<8x!tpu.dma_semaphore, #tpu.memory_space<semaphore_mem>> -> memref<1x!tpu.dma_semaphore, #tpu.memory_space<semaphore_mem>>
    %dma_wait3A_1432 = tpu.memref_squeeze %dma_wait3A_1431 : memref<1x!tpu.dma_semaphore, #tpu.memory_space<semaphore_mem>> -> memref<!tpu.dma_semaphore, #tpu.memory_space<semaphore_mem>>
    %dma_wait3A_1433 = arith.constant 0 : i32
    %dma_wait3A_1434 = arith.constant 0 : i32
    %dma_wait3A_1435 = arith.constant 0 : i32
    %dma_wait3A_1436 = tpu.memref_slice %arg3[%dma_wait3A_1428, %dma_wait3A_1429, %dma_wait3A_1433, %dma_wait3A_1434, %dma_wait3A_1435] : memref<8x2x64x2x2048xf32, #tpu.memory_space<vmem>> -> memref<1x1x64x2x2048xf32, #tpu.memory_space<vmem>>
    %dma_wait3A_1437 = tpu.memref_squeeze %dma_wait3A_1436 : memref<1x1x64x2x2048xf32, #tpu.memory_space<vmem>> -> memref<64x2x2048xf32, #tpu.memory_space<vmem>>
    %dma_wait3A_1438 = arith.constant 192 : i32
    %dma_wait3A_1439 = arith.constant 0 : i32
    %dma_wait3A_1440 = arith.constant 0 : i32
    %dma_wait3A_1441 = tpu.memref_slice %arg1[%dma_wait3A_1438, %dma_wait3A_1439, %dma_wait3A_1440] : memref<2048x2x2048xf32, #tpu.memory_space<any>> -> memref<64x2x2048xf32, #tpu.memory_space<any>>
    tpu.wait_dma2 semaphore(%dma_wait3A_1432 : memref<!tpu.dma_semaphore, #tpu.memory_space<semaphore_mem>>) src(%dma_wait3A_1441 : memref<64x2x2048xf32, #tpu.memory_space<any>>) dst(%dma_wait3A_1437 : memref<64x2x2048xf32, #tpu.memory_space<vmem>>)
    %dma_start3A_1442 = arith.constant 0 : i32
    %dma_start3A_1443 = arith.constant 1 : i32
    %dma_start3A_1444 = arith.constant 0 : i32
    %dma_start3A_1445 = tpu.memref_slice %arg5[%dma_start3A_1444] : memref<8x!tpu.dma_semaphore, #tpu.memory_space<semaphore_mem>> -> memref<1x!tpu.dma_semaphore, #tpu.memory_space<semaphore_mem>>
    %dma_start3A_1446 = tpu.memref_squeeze %dma_start3A_1445 : memref<1x!tpu.dma_semaphore, #tpu.memory_space<semaphore_mem>> -> memref<!tpu.dma_semaphore, #tpu.memory_space<semaphore_mem>>
    %dma_start3A_1447 = arith.constant 192 : i32
    %dma_start3A_1448 = arith.constant 0 : i32
    %dma_start3A_1449 = arith.constant 0 : i32
    %dma_start3A_1450 = tpu.memref_slice %arg2[%dma_start3A_1447, %dma_start3A_1448, %dma_start3A_1449] : memref<2048x2x2048xf32, #tpu.memory_space<any>> -> memref<64x2x2048xf32, #tpu.memory_space<any>>
    %dma_start3A_1451 = arith.constant 0 : i32
    %dma_start3A_1452 = arith.constant 0 : i32
    %dma_start3A_1453 = arith.constant 0 : i32
    %dma_start3A_1454 = tpu.memref_slice %arg3[%dma_start3A_1442, %dma_start3A_1443, %dma_start3A_1451, %dma_start3A_1452, %dma_start3A_1453] : memref<8x2x64x2x2048xf32, #tpu.memory_space<vmem>> -> memref<1x1x64x2x2048xf32, #tpu.memory_space<vmem>>
    %dma_start3A_1455 = tpu.memref_squeeze %dma_start3A_1454 : memref<1x1x64x2x2048xf32, #tpu.memory_space<vmem>> -> memref<64x2x2048xf32, #tpu.memory_space<vmem>>
    tpu.enqueue_dma source(%dma_start3A_1455 : memref<64x2x2048xf32, #tpu.memory_space<vmem>>) target(%dma_start3A_1450 : memref<64x2x2048xf32, #tpu.memory_space<any>>) target_semaphore(%dma_start3A_1446 : memref<!tpu.dma_semaphore, #tpu.memory_space<semaphore_mem>>)
    %dma_wait3A_1456 = arith.constant 1 : i32
    %dma_wait3A_1457 = arith.constant 1 : i32
    %dma_wait3A_1458 = arith.constant 1 : i32
    %dma_wait3A_1459 = tpu.memref_slice %arg4[%dma_wait3A_1458] : memref<8x!tpu.dma_semaphore, #tpu.memory_space<semaphore_mem>> -> memref<1x!tpu.dma_semaphore, #tpu.memory_space<semaphore_mem>>
    %dma_wait3A_1460 = tpu.memref_squeeze %dma_wait3A_1459 : memref<1x!tpu.dma_semaphore, #tpu.memory_space<semaphore_mem>> -> memref<!tpu.dma_semaphore, #tpu.memory_space<semaphore_mem>>
    %dma_wait3A_1461 = arith.constant 0 : i32
    %dma_wait3A_1462 = arith.constant 0 : i32
    %dma_wait3A_1463 = arith.constant 0 : i32
    %dma_wait3A_1464 = tpu.memref_slice %arg3[%dma_wait3A_1456, %dma_wait3A_1457, %dma_wait3A_1461, %dma_wait3A_1462, %dma_wait3A_1463] : memref<8x2x64x2x2048xf32, #tpu.memory_space<vmem>> -> memref<1x1x64x2x2048xf32, #tpu.memory_space<vmem>>
    %dma_wait3A_1465 = tpu.memref_squeeze %dma_wait3A_1464 : memref<1x1x64x2x2048xf32, #tpu.memory_space<vmem>> -> memref<64x2x2048xf32, #tpu.memory_space<vmem>>
    %dma_wait3A_1466 = arith.constant 448 : i32
    %dma_wait3A_1467 = arith.constant 0 : i32
    %dma_wait3A_1468 = arith.constant 0 : i32
    %dma_wait3A_1469 = tpu.memref_slice %arg1[%dma_wait3A_1466, %dma_wait3A_1467, %dma_wait3A_1468] : memref<2048x2x2048xf32, #tpu.memory_space<any>> -> memref<64x2x2048xf32, #tpu.memory_space<any>>
    tpu.wait_dma2 semaphore(%dma_wait3A_1460 : memref<!tpu.dma_semaphore, #tpu.memory_space<semaphore_mem>>) src(%dma_wait3A_1469 : memref<64x2x2048xf32, #tpu.memory_space<any>>) dst(%dma_wait3A_1465 : memref<64x2x2048xf32, #tpu.memory_space<vmem>>)
    %dma_start3A_1470 = arith.constant 1 : i32
    %dma_start3A_1471 = arith.constant 1 : i32
    %dma_start3A_1472 = arith.constant 1 : i32
    %dma_start3A_1473 = tpu.memref_slice %arg5[%dma_start3A_1472] : memref<8x!tpu.dma_semaphore, #tpu.memory_space<semaphore_mem>> -> memref<1x!tpu.dma_semaphore, #tpu.memory_space<semaphore_mem>>
    %dma_start3A_1474 = tpu.memref_squeeze %dma_start3A_1473 : memref<1x!tpu.dma_semaphore, #tpu.memory_space<semaphore_mem>> -> memref<!tpu.dma_semaphore, #tpu.memory_space<semaphore_mem>>
    %dma_start3A_1475 = arith.constant 448 : i32
    %dma_start3A_1476 = arith.constant 0 : i32
    %dma_start3A_1477 = arith.constant 0 : i32
    %dma_start3A_1478 = tpu.memref_slice %arg2[%dma_start3A_1475, %dma_start3A_1476, %dma_start3A_1477] : memref<2048x2x2048xf32, #tpu.memory_space<any>> -> memref<64x2x2048xf32, #tpu.memory_space<any>>
    %dma_start3A_1479 = arith.constant 0 : i32
    %dma_start3A_1480 = arith.constant 0 : i32
    %dma_start3A_1481 = arith.constant 0 : i32
    %dma_start3A_1482 = tpu.memref_slice %arg3[%dma_start3A_1470, %dma_start3A_1471, %dma_start3A_1479, %dma_start3A_1480, %dma_start3A_1481] : memref<8x2x64x2x2048xf32, #tpu.memory_space<vmem>> -> memref<1x1x64x2x2048xf32, #tpu.memory_space<vmem>>
    %dma_start3A_1483 = tpu.memref_squeeze %dma_start3A_1482 : memref<1x1x64x2x2048xf32, #tpu.memory_space<vmem>> -> memref<64x2x2048xf32, #tpu.memory_space<vmem>>
    tpu.enqueue_dma source(%dma_start3A_1483 : memref<64x2x2048xf32, #tpu.memory_space<vmem>>) target(%dma_start3A_1478 : memref<64x2x2048xf32, #tpu.memory_space<any>>) target_semaphore(%dma_start3A_1474 : memref<!tpu.dma_semaphore, #tpu.memory_space<semaphore_mem>>)
    %dma_wait3A_1484 = arith.constant 2 : i32
    %dma_wait3A_1485 = arith.constant 1 : i32
    %dma_wait3A_1486 = arith.constant 2 : i32
    %dma_wait3A_1487 = tpu.memref_slice %arg4[%dma_wait3A_1486] : memref<8x!tpu.dma_semaphore, #tpu.memory_space<semaphore_mem>> -> memref<1x!tpu.dma_semaphore, #tpu.memory_space<semaphore_mem>>
    %dma_wait3A_1488 = tpu.memref_squeeze %dma_wait3A_1487 : memref<1x!tpu.dma_semaphore, #tpu.memory_space<semaphore_mem>> -> memref<!tpu.dma_semaphore, #tpu.memory_space<semaphore_mem>>
    %dma_wait3A_1489 = arith.constant 0 : i32
    %dma_wait3A_1490 = arith.constant 0 : i32
    %dma_wait3A_1491 = arith.constant 0 : i32
    %dma_wait3A_1492 = tpu.memref_slice %arg3[%dma_wait3A_1484, %dma_wait3A_1485, %dma_wait3A_1489, %dma_wait3A_1490, %dma_wait3A_1491] : memref<8x2x64x2x2048xf32, #tpu.memory_space<vmem>> -> memref<1x1x64x2x2048xf32, #tpu.memory_space<vmem>>
    %dma_wait3A_1493 = tpu.memref_squeeze %dma_wait3A_1492 : memref<1x1x64x2x2048xf32, #tpu.memory_space<vmem>> -> memref<64x2x2048xf32, #tpu.memory_space<vmem>>
    %dma_wait3A_1494 = arith.constant 704 : i32
    %dma_wait3A_1495 = arith.constant 0 : i32
    %dma_wait3A_1496 = arith.constant 0 : i32
    %dma_wait3A_1497 = tpu.memref_slice %arg1[%dma_wait3A_1494, %dma_wait3A_1495, %dma_wait3A_1496] : memref<2048x2x2048xf32, #tpu.memory_space<any>> -> memref<64x2x2048xf32, #tpu.memory_space<any>>
    tpu.wait_dma2 semaphore(%dma_wait3A_1488 : memref<!tpu.dma_semaphore, #tpu.memory_space<semaphore_mem>>) src(%dma_wait3A_1497 : memref<64x2x2048xf32, #tpu.memory_space<any>>) dst(%dma_wait3A_1493 : memref<64x2x2048xf32, #tpu.memory_space<vmem>>)
    %dma_start3A_1498 = arith.constant 2 : i32
    %dma_start3A_1499 = arith.constant 1 : i32
    %dma_start3A_1500 = arith.constant 2 : i32
    %dma_start3A_1501 = tpu.memref_slice %arg5[%dma_start3A_1500] : memref<8x!tpu.dma_semaphore, #tpu.memory_space<semaphore_mem>> -> memref<1x!tpu.dma_semaphore, #tpu.memory_space<semaphore_mem>>
    %dma_start3A_1502 = tpu.memref_squeeze %dma_start3A_1501 : memref<1x!tpu.dma_semaphore, #tpu.memory_space<semaphore_mem>> -> memref<!tpu.dma_semaphore, #tpu.memory_space<semaphore_mem>>
    %dma_start3A_1503 = arith.constant 704 : i32
    %dma_start3A_1504 = arith.constant 0 : i32
    %dma_start3A_1505 = arith.constant 0 : i32
    %dma_start3A_1506 = tpu.memref_slice %arg2[%dma_start3A_1503, %dma_start3A_1504, %dma_start3A_1505] : memref<2048x2x2048xf32, #tpu.memory_space<any>> -> memref<64x2x2048xf32, #tpu.memory_space<any>>
    %dma_start3A_1507 = arith.constant 0 : i32
    %dma_start3A_1508 = arith.constant 0 : i32
    %dma_start3A_1509 = arith.constant 0 : i32
    %dma_start3A_1510 = tpu.memref_slice %arg3[%dma_start3A_1498, %dma_start3A_1499, %dma_start3A_1507, %dma_start3A_1508, %dma_start3A_1509] : memref<8x2x64x2x2048xf32, #tpu.memory_space<vmem>> -> memref<1x1x64x2x2048xf32, #tpu.memory_space<vmem>>
    %dma_start3A_1511 = tpu.memref_squeeze %dma_start3A_1510 : memref<1x1x64x2x2048xf32, #tpu.memory_space<vmem>> -> memref<64x2x2048xf32, #tpu.memory_space<vmem>>
    tpu.enqueue_dma source(%dma_start3A_1511 : memref<64x2x2048xf32, #tpu.memory_space<vmem>>) target(%dma_start3A_1506 : memref<64x2x2048xf32, #tpu.memory_space<any>>) target_semaphore(%dma_start3A_1502 : memref<!tpu.dma_semaphore, #tpu.memory_space<semaphore_mem>>)
    %dma_wait3A_1512 = arith.constant 3 : i32
    %dma_wait3A_1513 = arith.constant 1 : i32
    %dma_wait3A_1514 = arith.constant 3 : i32
    %dma_wait3A_1515 = tpu.memref_slice %arg4[%dma_wait3A_1514] : memref<8x!tpu.dma_semaphore, #tpu.memory_space<semaphore_mem>> -> memref<1x!tpu.dma_semaphore, #tpu.memory_space<semaphore_mem>>
    %dma_wait3A_1516 = tpu.memref_squeeze %dma_wait3A_1515 : memref<1x!tpu.dma_semaphore, #tpu.memory_space<semaphore_mem>> -> memref<!tpu.dma_semaphore, #tpu.memory_space<semaphore_mem>>
    %dma_wait3A_1517 = arith.constant 0 : i32
    %dma_wait3A_1518 = arith.constant 0 : i32
    %dma_wait3A_1519 = arith.constant 0 : i32
    %dma_wait3A_1520 = tpu.memref_slice %arg3[%dma_wait3A_1512, %dma_wait3A_1513, %dma_wait3A_1517, %dma_wait3A_1518, %dma_wait3A_1519] : memref<8x2x64x2x2048xf32, #tpu.memory_space<vmem>> -> memref<1x1x64x2x2048xf32, #tpu.memory_space<vmem>>
    %dma_wait3A_1521 = tpu.memref_squeeze %dma_wait3A_1520 : memref<1x1x64x2x2048xf32, #tpu.memory_space<vmem>> -> memref<64x2x2048xf32, #tpu.memory_space<vmem>>
    %dma_wait3A_1522 = arith.constant 960 : i32
    %dma_wait3A_1523 = arith.constant 0 : i32
    %dma_wait3A_1524 = arith.constant 0 : i32
    %dma_wait3A_1525 = tpu.memref_slice %arg1[%dma_wait3A_1522, %dma_wait3A_1523, %dma_wait3A_1524] : memref<2048x2x2048xf32, #tpu.memory_space<any>> -> memref<64x2x2048xf32, #tpu.memory_space<any>>
    tpu.wait_dma2 semaphore(%dma_wait3A_1516 : memref<!tpu.dma_semaphore, #tpu.memory_space<semaphore_mem>>) src(%dma_wait3A_1525 : memref<64x2x2048xf32, #tpu.memory_space<any>>) dst(%dma_wait3A_1521 : memref<64x2x2048xf32, #tpu.memory_space<vmem>>)
    %get3A_1526 = arith.constant 3 : index
    %get3A_1527 = arith.constant 1 : index
    %get3A_1528 = arith.constant 0 : index
    %get3A_1529 = arith.constant 0 : index
    %get3A_1530 = arith.constant 896 : index
    %get3A_1531 = vector.load %arg3[%get3A_1526, %get3A_1527, %get3A_1528, %get3A_1529, %get3A_1530] : memref<8x2x64x2x2048xf32, #tpu.memory_space<vmem>>, vector<1x1x64x2x256xf32>
    %get3A_1532 = vector.shape_cast %get3A_1531 : vector<1x1x64x2x256xf32> to vector<64x2x256xf32>
    %get3A_1533 = arith.constant 192 : index
    %get3A_1534 = arith.constant 0 : index
    %get3A_1535 = arith.constant 0 : index
    %get3A_1536 = vector.load %arg0[%get3A_1533, %get3A_1534, %get3A_1535] : memref<256x2x256xf32, #tpu.memory_space<vmem>>, vector<64x2x256xf32>
    %gt3A_1537 = arith.constant 5.000000e-01 : f32
    %gt3A_1538 = vector.broadcast %gt3A_1537 : f32 to vector<64x2x256xf32>
    %gt3A_1539 = arith.cmpf ogt, %get3A_1532, %gt3A_1538 : vector<64x2x256xf32>
    %gt3A_1540 = arith.constant 5.000000e-01 : f32
    %gt3A_1541 = vector.broadcast %gt3A_1540 : f32 to vector<64x2x256xf32>
    %gt3A_1542 = arith.cmpf ogt, %get3A_1536, %gt3A_1541 : vector<64x2x256xf32>
    %or3A_1543 = arith.ori %gt3A_1539, %gt3A_1542 : vector<64x2x256xi1>
    %jit3A_1544 = arith.constant 1.000000e+00 : f32
    %jit3A_1545 = arith.constant 0.000000e+00 : f32
    %broadcast_in_dim3A_1546 = vector.broadcast %jit3A_1544 : f32 to vector<64x2x256xf32>
    %broadcast_in_dim3A_1547 = vector.broadcast %jit3A_1545 : f32 to vector<64x2x256xf32>
    %select_n3A_1548 = arith.select %or3A_1543, %broadcast_in_dim3A_1546, %broadcast_in_dim3A_1547 : vector<64x2x256xi1>, vector<64x2x256xf32>
    %swap3A_1549 = arith.constant 3 : index
    %swap3A_1550 = arith.constant 1 : index
    %swap3A_1551 = arith.constant 0 : index
    %swap3A_1552 = arith.constant 0 : index
    %swap3A_1553 = arith.constant 896 : index
    %swap3A_1554 = vector.load %arg3[%swap3A_1549, %swap3A_1550, %swap3A_1551, %swap3A_1552, %swap3A_1553] : memref<8x2x64x2x2048xf32, #tpu.memory_space<vmem>>, vector<1x1x64x2x256xf32>
    %swap3A_1555 = vector.shape_cast %swap3A_1554 : vector<1x1x64x2x256xf32> to vector<64x2x256xf32>
    %swap3A_1556 = vector.shape_cast %select_n3A_1548 : vector<64x2x256xf32> to vector<1x1x64x2x256xf32>
    tpu.vector_store %arg3[%swap3A_1549, %swap3A_1550, %swap3A_1551, %swap3A_1552, %swap3A_1553], %swap3A_1556 {strides = array<i32>} : memref<8x2x64x2x2048xf32, #tpu.memory_space<vmem>>, vector<1x1x64x2x256xf32>,
    %dma_start3A_1557 = arith.constant 3 : i32
    %dma_start3A_1558 = arith.constant 1 : i32
    %dma_start3A_1559 = arith.constant 3 : i32
    %dma_start3A_1560 = tpu.memref_slice %arg5[%dma_start3A_1559] : memref<8x!tpu.dma_semaphore, #tpu.memory_space<semaphore_mem>> -> memref<1x!tpu.dma_semaphore, #tpu.memory_space<semaphore_mem>>
    %dma_start3A_1561 = tpu.memref_squeeze %dma_start3A_1560 : memref<1x!tpu.dma_semaphore, #tpu.memory_space<semaphore_mem>> -> memref<!tpu.dma_semaphore, #tpu.memory_space<semaphore_mem>>
    %dma_start3A_1562 = arith.constant 960 : i32
    %dma_start3A_1563 = arith.constant 0 : i32
    %dma_start3A_1564 = arith.constant 0 : i32
    %dma_start3A_1565 = tpu.memref_slice %arg2[%dma_start3A_1562, %dma_start3A_1563, %dma_start3A_1564] : memref<2048x2x2048xf32, #tpu.memory_space<any>> -> memref<64x2x2048xf32, #tpu.memory_space<any>>
    %dma_start3A_1566 = arith.constant 0 : i32
    %dma_start3A_1567 = arith.constant 0 : i32
    %dma_start3A_1568 = arith.constant 0 : i32
    %dma_start3A_1569 = tpu.memref_slice %arg3[%dma_start3A_1557, %dma_start3A_1558, %dma_start3A_1566, %dma_start3A_1567, %dma_start3A_1568] : memref<8x2x64x2x2048xf32, #tpu.memory_space<vmem>> -> memref<1x1x64x2x2048xf32, #tpu.memory_space<vmem>>
    %dma_start3A_1570 = tpu.memref_squeeze %dma_start3A_1569 : memref<1x1x64x2x2048xf32, #tpu.memory_space<vmem>> -> memref<64x2x2048xf32, #tpu.memory_space<vmem>>
    tpu.enqueue_dma source(%dma_start3A_1570 : memref<64x2x2048xf32, #tpu.memory_space<vmem>>) target(%dma_start3A_1565 : memref<64x2x2048xf32, #tpu.memory_space<any>>) target_semaphore(%dma_start3A_1561 : memref<!tpu.dma_semaphore, #tpu.memory_space<semaphore_mem>>)
    %dma_wait3A_1571 = arith.constant 4 : i32
    %dma_wait3A_1572 = arith.constant 1 : i32
    %dma_wait3A_1573 = arith.constant 4 : i32
    %dma_wait3A_1574 = tpu.memref_slice %arg4[%dma_wait3A_1573] : memref<8x!tpu.dma_semaphore, #tpu.memory_space<semaphore_mem>> -> memref<1x!tpu.dma_semaphore, #tpu.memory_space<semaphore_mem>>
    %dma_wait3A_1575 = tpu.memref_squeeze %dma_wait3A_1574 : memref<1x!tpu.dma_semaphore, #tpu.memory_space<semaphore_mem>> -> memref<!tpu.dma_semaphore, #tpu.memory_space<semaphore_mem>>
    %dma_wait3A_1576 = arith.constant 0 : i32
    %dma_wait3A_1577 = arith.constant 0 : i32
    %dma_wait3A_1578 = arith.constant 0 : i32
    %dma_wait3A_1579 = tpu.memref_slice %arg3[%dma_wait3A_1571, %dma_wait3A_1572, %dma_wait3A_1576, %dma_wait3A_1577, %dma_wait3A_1578] : memref<8x2x64x2x2048xf32, #tpu.memory_space<vmem>> -> memref<1x1x64x2x2048xf32, #tpu.memory_space<vmem>>
    %dma_wait3A_1580 = tpu.memref_squeeze %dma_wait3A_1579 : memref<1x1x64x2x2048xf32, #tpu.memory_space<vmem>> -> memref<64x2x2048xf32, #tpu.memory_space<vmem>>
    %dma_wait3A_1581 = arith.constant 1216 : i32
    %dma_wait3A_1582 = arith.constant 0 : i32
    %dma_wait3A_1583 = arith.constant 0 : i32
    %dma_wait3A_1584 = tpu.memref_slice %arg1[%dma_wait3A_1581, %dma_wait3A_1582, %dma_wait3A_1583] : memref<2048x2x2048xf32, #tpu.memory_space<any>> -> memref<64x2x2048xf32, #tpu.memory_space<any>>
    tpu.wait_dma2 semaphore(%dma_wait3A_1575 : memref<!tpu.dma_semaphore, #tpu.memory_space<semaphore_mem>>) src(%dma_wait3A_1584 : memref<64x2x2048xf32, #tpu.memory_space<any>>) dst(%dma_wait3A_1580 : memref<64x2x2048xf32, #tpu.memory_space<vmem>>)
    %dma_start3A_1585 = arith.constant 4 : i32
    %dma_start3A_1586 = arith.constant 1 : i32
    %dma_start3A_1587 = arith.constant 4 : i32
    %dma_start3A_1588 = tpu.memref_slice %arg5[%dma_start3A_1587] : memref<8x!tpu.dma_semaphore, #tpu.memory_space<semaphore_mem>> -> memref<1x!tpu.dma_semaphore, #tpu.memory_space<semaphore_mem>>
    %dma_start3A_1589 = tpu.memref_squeeze %dma_start3A_1588 : memref<1x!tpu.dma_semaphore, #tpu.memory_space<semaphore_mem>> -> memref<!tpu.dma_semaphore, #tpu.memory_space<semaphore_mem>>
    %dma_start3A_1590 = arith.constant 1216 : i32
    %dma_start3A_1591 = arith.constant 0 : i32
    %dma_start3A_1592 = arith.constant 0 : i32
    %dma_start3A_1593 = tpu.memref_slice %arg2[%dma_start3A_1590, %dma_start3A_1591, %dma_start3A_1592] : memref<2048x2x2048xf32, #tpu.memory_space<any>> -> memref<64x2x2048xf32, #tpu.memory_space<any>>
    %dma_start3A_1594 = arith.constant 0 : i32
    %dma_start3A_1595 = arith.constant 0 : i32
    %dma_start3A_1596 = arith.constant 0 : i32
    %dma_start3A_1597 = tpu.memref_slice %arg3[%dma_start3A_1585, %dma_start3A_1586, %dma_start3A_1594, %dma_start3A_1595, %dma_start3A_1596] : memref<8x2x64x2x2048xf32, #tpu.memory_space<vmem>> -> memref<1x1x64x2x2048xf32, #tpu.memory_space<vmem>>
    %dma_start3A_1598 = tpu.memref_squeeze %dma_start3A_1597 : memref<1x1x64x2x2048xf32, #tpu.memory_space<vmem>> -> memref<64x2x2048xf32, #tpu.memory_space<vmem>>
    tpu.enqueue_dma source(%dma_start3A_1598 : memref<64x2x2048xf32, #tpu.memory_space<vmem>>) target(%dma_start3A_1593 : memref<64x2x2048xf32, #tpu.memory_space<any>>) target_semaphore(%dma_start3A_1589 : memref<!tpu.dma_semaphore, #tpu.memory_space<semaphore_mem>>)
    %dma_wait3A_1599 = arith.constant 5 : i32
    %dma_wait3A_1600 = arith.constant 1 : i32
    %dma_wait3A_1601 = arith.constant 5 : i32
    %dma_wait3A_1602 = tpu.memref_slice %arg4[%dma_wait3A_1601] : memref<8x!tpu.dma_semaphore, #tpu.memory_space<semaphore_mem>> -> memref<1x!tpu.dma_semaphore, #tpu.memory_space<semaphore_mem>>
    %dma_wait3A_1603 = tpu.memref_squeeze %dma_wait3A_1602 : memref<1x!tpu.dma_semaphore, #tpu.memory_space<semaphore_mem>> -> memref<!tpu.dma_semaphore, #tpu.memory_space<semaphore_mem>>
    %dma_wait3A_1604 = arith.constant 0 : i32
    %dma_wait3A_1605 = arith.constant 0 : i32
    %dma_wait3A_1606 = arith.constant 0 : i32
    %dma_wait3A_1607 = tpu.memref_slice %arg3[%dma_wait3A_1599, %dma_wait3A_1600, %dma_wait3A_1604, %dma_wait3A_1605, %dma_wait3A_1606] : memref<8x2x64x2x2048xf32, #tpu.memory_space<vmem>> -> memref<1x1x64x2x2048xf32, #tpu.memory_space<vmem>>
    %dma_wait3A_1608 = tpu.memref_squeeze %dma_wait3A_1607 : memref<1x1x64x2x2048xf32, #tpu.memory_space<vmem>> -> memref<64x2x2048xf32, #tpu.memory_space<vmem>>
    %dma_wait3A_1609 = arith.constant 1472 : i32
    %dma_wait3A_1610 = arith.constant 0 : i32
    %dma_wait3A_1611 = arith.constant 0 : i32
    %dma_wait3A_1612 = tpu.memref_slice %arg1[%dma_wait3A_1609, %dma_wait3A_1610, %dma_wait3A_1611] : memref<2048x2x2048xf32, #tpu.memory_space<any>> -> memref<64x2x2048xf32, #tpu.memory_space<any>>
    tpu.wait_dma2 semaphore(%dma_wait3A_1603 : memref<!tpu.dma_semaphore, #tpu.memory_space<semaphore_mem>>) src(%dma_wait3A_1612 : memref<64x2x2048xf32, #tpu.memory_space<any>>) dst(%dma_wait3A_1608 : memref<64x2x2048xf32, #tpu.memory_space<vmem>>)
    %dma_start3A_1613 = arith.constant 5 : i32
    %dma_start3A_1614 = arith.constant 1 : i32
    %dma_start3A_1615 = arith.constant 5 : i32
    %dma_start3A_1616 = tpu.memref_slice %arg5[%dma_start3A_1615] : memref<8x!tpu.dma_semaphore, #tpu.memory_space<semaphore_mem>> -> memref<1x!tpu.dma_semaphore, #tpu.memory_space<semaphore_mem>>
    %dma_start3A_1617 = tpu.memref_squeeze %dma_start3A_1616 : memref<1x!tpu.dma_semaphore, #tpu.memory_space<semaphore_mem>> -> memref<!tpu.dma_semaphore, #tpu.memory_space<semaphore_mem>>
    %dma_start3A_1618 = arith.constant 1472 : i32
    %dma_start3A_1619 = arith.constant 0 : i32
    %dma_start3A_1620 = arith.constant 0 : i32
    %dma_start3A_1621 = tpu.memref_slice %arg2[%dma_start3A_1618, %dma_start3A_1619, %dma_start3A_1620] : memref<2048x2x2048xf32, #tpu.memory_space<any>> -> memref<64x2x2048xf32, #tpu.memory_space<any>>
    %dma_start3A_1622 = arith.constant 0 : i32
    %dma_start3A_1623 = arith.constant 0 : i32
    %dma_start3A_1624 = arith.constant 0 : i32
    %dma_start3A_1625 = tpu.memref_slice %arg3[%dma_start3A_1613, %dma_start3A_1614, %dma_start3A_1622, %dma_start3A_1623, %dma_start3A_1624] : memref<8x2x64x2x2048xf32, #tpu.memory_space<vmem>> -> memref<1x1x64x2x2048xf32, #tpu.memory_space<vmem>>
    %dma_start3A_1626 = tpu.memref_squeeze %dma_start3A_1625 : memref<1x1x64x2x2048xf32, #tpu.memory_space<vmem>> -> memref<64x2x2048xf32, #tpu.memory_space<vmem>>
    tpu.enqueue_dma source(%dma_start3A_1626 : memref<64x2x2048xf32, #tpu.memory_space<vmem>>) target(%dma_start3A_1621 : memref<64x2x2048xf32, #tpu.memory_space<any>>) target_semaphore(%dma_start3A_1617 : memref<!tpu.dma_semaphore, #tpu.memory_space<semaphore_mem>>)
    %dma_wait3A_1627 = arith.constant 6 : i32
    %dma_wait3A_1628 = arith.constant 1 : i32
    %dma_wait3A_1629 = arith.constant 6 : i32
    %dma_wait3A_1630 = tpu.memref_slice %arg4[%dma_wait3A_1629] : memref<8x!tpu.dma_semaphore, #tpu.memory_space<semaphore_mem>> -> memref<1x!tpu.dma_semaphore, #tpu.memory_space<semaphore_mem>>
    %dma_wait3A_1631 = tpu.memref_squeeze %dma_wait3A_1630 : memref<1x!tpu.dma_semaphore, #tpu.memory_space<semaphore_mem>> -> memref<!tpu.dma_semaphore, #tpu.memory_space<semaphore_mem>>
    %dma_wait3A_1632 = arith.constant 0 : i32
    %dma_wait3A_1633 = arith.constant 0 : i32
    %dma_wait3A_1634 = arith.constant 0 : i32
    %dma_wait3A_1635 = tpu.memref_slice %arg3[%dma_wait3A_1627, %dma_wait3A_1628, %dma_wait3A_1632, %dma_wait3A_1633, %dma_wait3A_1634] : memref<8x2x64x2x2048xf32, #tpu.memory_space<vmem>> -> memref<1x1x64x2x2048xf32, #tpu.memory_space<vmem>>
    %dma_wait3A_1636 = tpu.memref_squeeze %dma_wait3A_1635 : memref<1x1x64x2x2048xf32, #tpu.memory_space<vmem>> -> memref<64x2x2048xf32, #tpu.memory_space<vmem>>
    %dma_wait3A_1637 = arith.constant 1728 : i32
    %dma_wait3A_1638 = arith.constant 0 : i32
    %dma_wait3A_1639 = arith.constant 0 : i32
    %dma_wait3A_1640 = tpu.memref_slice %arg1[%dma_wait3A_1637, %dma_wait3A_1638, %dma_wait3A_1639] : memref<2048x2x2048xf32, #tpu.memory_space<any>> -> memref<64x2x2048xf32, #tpu.memory_space<any>>
    tpu.wait_dma2 semaphore(%dma_wait3A_1631 : memref<!tpu.dma_semaphore, #tpu.memory_space<semaphore_mem>>) src(%dma_wait3A_1640 : memref<64x2x2048xf32, #tpu.memory_space<any>>) dst(%dma_wait3A_1636 : memref<64x2x2048xf32, #tpu.memory_space<vmem>>)
    %dma_start3A_1641 = arith.constant 6 : i32
    %dma_start3A_1642 = arith.constant 1 : i32
    %dma_start3A_1643 = arith.constant 6 : i32
    %dma_start3A_1644 = tpu.memref_slice %arg5[%dma_start3A_1643] : memref<8x!tpu.dma_semaphore, #tpu.memory_space<semaphore_mem>> -> memref<1x!tpu.dma_semaphore, #tpu.memory_space<semaphore_mem>>
    %dma_start3A_1645 = tpu.memref_squeeze %dma_start3A_1644 : memref<1x!tpu.dma_semaphore, #tpu.memory_space<semaphore_mem>> -> memref<!tpu.dma_semaphore, #tpu.memory_space<semaphore_mem>>
    %dma_start3A_1646 = arith.constant 1728 : i32
    %dma_start3A_1647 = arith.constant 0 : i32
    %dma_start3A_1648 = arith.constant 0 : i32
    %dma_start3A_1649 = tpu.memref_slice %arg2[%dma_start3A_1646, %dma_start3A_1647, %dma_start3A_1648] : memref<2048x2x2048xf32, #tpu.memory_space<any>> -> memref<64x2x2048xf32, #tpu.memory_space<any>>
    %dma_start3A_1650 = arith.constant 0 : i32
    %dma_start3A_1651 = arith.constant 0 : i32
    %dma_start3A_1652 = arith.constant 0 : i32
    %dma_start3A_1653 = tpu.memref_slice %arg3[%dma_start3A_1641, %dma_start3A_1642, %dma_start3A_1650, %dma_start3A_1651, %dma_start3A_1652] : memref<8x2x64x2x2048xf32, #tpu.memory_space<vmem>> -> memref<1x1x64x2x2048xf32, #tpu.memory_space<vmem>>
    %dma_start3A_1654 = tpu.memref_squeeze %dma_start3A_1653 : memref<1x1x64x2x2048xf32, #tpu.memory_space<vmem>> -> memref<64x2x2048xf32, #tpu.memory_space<vmem>>
    tpu.enqueue_dma source(%dma_start3A_1654 : memref<64x2x2048xf32, #tpu.memory_space<vmem>>) target(%dma_start3A_1649 : memref<64x2x2048xf32, #tpu.memory_space<any>>) target_semaphore(%dma_start3A_1645 : memref<!tpu.dma_semaphore, #tpu.memory_space<semaphore_mem>>)
    %dma_wait3A_1655 = arith.constant 7 : i32
    %dma_wait3A_1656 = arith.constant 1 : i32
    %dma_wait3A_1657 = arith.constant 7 : i32
    %dma_wait3A_1658 = tpu.memref_slice %arg4[%dma_wait3A_1657] : memref<8x!tpu.dma_semaphore, #tpu.memory_space<semaphore_mem>> -> memref<1x!tpu.dma_semaphore, #tpu.memory_space<semaphore_mem>>
    %dma_wait3A_1659 = tpu.memref_squeeze %dma_wait3A_1658 : memref<1x!tpu.dma_semaphore, #tpu.memory_space<semaphore_mem>> -> memref<!tpu.dma_semaphore, #tpu.memory_space<semaphore_mem>>
    %dma_wait3A_1660 = arith.constant 0 : i32
    %dma_wait3A_1661 = arith.constant 0 : i32
    %dma_wait3A_1662 = arith.constant 0 : i32
    %dma_wait3A_1663 = tpu.memref_slice %arg3[%dma_wait3A_1655, %dma_wait3A_1656, %dma_wait3A_1660, %dma_wait3A_1661, %dma_wait3A_1662] : memref<8x2x64x2x2048xf32, #tpu.memory_space<vmem>> -> memref<1x1x64x2x2048xf32, #tpu.memory_space<vmem>>
    %dma_wait3A_1664 = tpu.memref_squeeze %dma_wait3A_1663 : memref<1x1x64x2x2048xf32, #tpu.memory_space<vmem>> -> memref<64x2x2048xf32, #tpu.memory_space<vmem>>
    %dma_wait3A_1665 = arith.constant 1984 : i32
    %dma_wait3A_1666 = arith.constant 0 : i32
    %dma_wait3A_1667 = arith.constant 0 : i32
    %dma_wait3A_1668 = tpu.memref_slice %arg1[%dma_wait3A_1665, %dma_wait3A_1666, %dma_wait3A_1667] : memref<2048x2x2048xf32, #tpu.memory_space<any>> -> memref<64x2x2048xf32, #tpu.memory_space<any>>
    tpu.wait_dma2 semaphore(%dma_wait3A_1659 : memref<!tpu.dma_semaphore, #tpu.memory_space<semaphore_mem>>) src(%dma_wait3A_1668 : memref<64x2x2048xf32, #tpu.memory_space<any>>) dst(%dma_wait3A_1664 : memref<64x2x2048xf32, #tpu.memory_space<vmem>>)
    %dma_start3A_1669 = arith.constant 7 : i32
    %dma_start3A_1670 = arith.constant 1 : i32
    %dma_start3A_1671 = arith.constant 7 : i32
    %dma_start3A_1672 = tpu.memref_slice %arg5[%dma_start3A_1671] : memref<8x!tpu.dma_semaphore, #tpu.memory_space<semaphore_mem>> -> memref<1x!tpu.dma_semaphore, #tpu.memory_space<semaphore_mem>>
    %dma_start3A_1673 = tpu.memref_squeeze %dma_start3A_1672 : memref<1x!tpu.dma_semaphore, #tpu.memory_space<semaphore_mem>> -> memref<!tpu.dma_semaphore, #tpu.memory_space<semaphore_mem>>
    %dma_start3A_1674 = arith.constant 1984 : i32
    %dma_start3A_1675 = arith.constant 0 : i32
    %dma_start3A_1676 = arith.constant 0 : i32
    %dma_start3A_1677 = tpu.memref_slice %arg2[%dma_start3A_1674, %dma_start3A_1675, %dma_start3A_1676] : memref<2048x2x2048xf32, #tpu.memory_space<any>> -> memref<64x2x2048xf32, #tpu.memory_space<any>>
    %dma_start3A_1678 = arith.constant 0 : i32
    %dma_start3A_1679 = arith.constant 0 : i32
    %dma_start3A_1680 = arith.constant 0 : i32
    %dma_start3A_1681 = tpu.memref_slice %arg3[%dma_start3A_1669, %dma_start3A_1670, %dma_start3A_1678, %dma_start3A_1679, %dma_start3A_1680] : memref<8x2x64x2x2048xf32, #tpu.memory_space<vmem>> -> memref<1x1x64x2x2048xf32, #tpu.memory_space<vmem>>
    %dma_start3A_1682 = tpu.memref_squeeze %dma_start3A_1681 : memref<1x1x64x2x2048xf32, #tpu.memory_space<vmem>> -> memref<64x2x2048xf32, #tpu.memory_space<vmem>>
    tpu.enqueue_dma source(%dma_start3A_1682 : memref<64x2x2048xf32, #tpu.memory_space<vmem>>) target(%dma_start3A_1677 : memref<64x2x2048xf32, #tpu.memory_space<any>>) target_semaphore(%dma_start3A_1673 : memref<!tpu.dma_semaphore, #tpu.memory_space<semaphore_mem>>)
    %dma_wait3A_1683 = arith.constant 0 : i32
    %dma_wait3A_1684 = arith.constant 0 : i32
    %dma_wait3A_1685 = arith.constant 0 : i32
    %dma_wait3A_1686 = tpu.memref_slice %arg5[%dma_wait3A_1685] : memref<8x!tpu.dma_semaphore, #tpu.memory_space<semaphore_mem>> -> memref<1x!tpu.dma_semaphore, #tpu.memory_space<semaphore_mem>>
    %dma_wait3A_1687 = tpu.memref_squeeze %dma_wait3A_1686 : memref<1x!tpu.dma_semaphore, #tpu.memory_space<semaphore_mem>> -> memref<!tpu.dma_semaphore, #tpu.memory_space<semaphore_mem>>
    %dma_wait3A_1688 = arith.constant 128 : i32
    %dma_wait3A_1689 = arith.constant 0 : i32
    %dma_wait3A_1690 = arith.constant 0 : i32
    %dma_wait3A_1691 = tpu.memref_slice %arg2[%dma_wait3A_1688, %dma_wait3A_1689, %dma_wait3A_1690] : memref<2048x2x2048xf32, #tpu.memory_space<any>> -> memref<64x2x2048xf32, #tpu.memory_space<any>>
    %dma_wait3A_1692 = arith.constant 0 : i32
    %dma_wait3A_1693 = arith.constant 0 : i32
    %dma_wait3A_1694 = arith.constant 0 : i32
    %dma_wait3A_1695 = tpu.memref_slice %arg3[%dma_wait3A_1683, %dma_wait3A_1684, %dma_wait3A_1692, %dma_wait3A_1693, %dma_wait3A_1694] : memref<8x2x64x2x2048xf32, #tpu.memory_space<vmem>> -> memref<1x1x64x2x2048xf32, #tpu.memory_space<vmem>>
    %dma_wait3A_1696 = tpu.memref_squeeze %dma_wait3A_1695 : memref<1x1x64x2x2048xf32, #tpu.memory_space<vmem>> -> memref<64x2x2048xf32, #tpu.memory_space<vmem>>
    tpu.wait_dma2 semaphore(%dma_wait3A_1687 : memref<!tpu.dma_semaphore, #tpu.memory_space<semaphore_mem>>) src(%dma_wait3A_1696 : memref<64x2x2048xf32, #tpu.memory_space<vmem>>) dst(%dma_wait3A_1691 : memref<64x2x2048xf32, #tpu.memory_space<any>>)
    %dma_wait3A_1697 = arith.constant 0 : i32
    %dma_wait3A_1698 = arith.constant 1 : i32
    %dma_wait3A_1699 = arith.constant 0 : i32
    %dma_wait3A_1700 = tpu.memref_slice %arg5[%dma_wait3A_1699] : memref<8x!tpu.dma_semaphore, #tpu.memory_space<semaphore_mem>> -> memref<1x!tpu.dma_semaphore, #tpu.memory_space<semaphore_mem>>
    %dma_wait3A_1701 = tpu.memref_squeeze %dma_wait3A_1700 : memref<1x!tpu.dma_semaphore, #tpu.memory_space<semaphore_mem>> -> memref<!tpu.dma_semaphore, #tpu.memory_space<semaphore_mem>>
    %dma_wait3A_1702 = arith.constant 192 : i32
    %dma_wait3A_1703 = arith.constant 0 : i32
    %dma_wait3A_1704 = arith.constant 0 : i32
    %dma_wait3A_1705 = tpu.memref_slice %arg2[%dma_wait3A_1702, %dma_wait3A_1703, %dma_wait3A_1704] : memref<2048x2x2048xf32, #tpu.memory_space<any>> -> memref<64x2x2048xf32, #tpu.memory_space<any>>
    %dma_wait3A_1706 = arith.constant 0 : i32
    %dma_wait3A_1707 = arith.constant 0 : i32
    %dma_wait3A_1708 = arith.constant 0 : i32
    %dma_wait3A_1709 = tpu.memref_slice %arg3[%dma_wait3A_1697, %dma_wait3A_1698, %dma_wait3A_1706, %dma_wait3A_1707, %dma_wait3A_1708] : memref<8x2x64x2x2048xf32, #tpu.memory_space<vmem>> -> memref<1x1x64x2x2048xf32, #tpu.memory_space<vmem>>
    %dma_wait3A_1710 = tpu.memref_squeeze %dma_wait3A_1709 : memref<1x1x64x2x2048xf32, #tpu.memory_space<vmem>> -> memref<64x2x2048xf32, #tpu.memory_space<vmem>>
    tpu.wait_dma2 semaphore(%dma_wait3A_1701 : memref<!tpu.dma_semaphore, #tpu.memory_space<semaphore_mem>>) src(%dma_wait3A_1710 : memref<64x2x2048xf32, #tpu.memory_space<vmem>>) dst(%dma_wait3A_1705 : memref<64x2x2048xf32, #tpu.memory_space<any>>)
    %dma_wait3A_1711 = arith.constant 1 : i32
    %dma_wait3A_1712 = arith.constant 0 : i32
    %dma_wait3A_1713 = arith.constant 1 : i32
    %dma_wait3A_1714 = tpu.memref_slice %arg5[%dma_wait3A_1713] : memref<8x!tpu.dma_semaphore, #tpu.memory_space<semaphore_mem>> -> memref<1x!tpu.dma_semaphore, #tpu.memory_space<semaphore_mem>>
    %dma_wait3A_1715 = tpu.memref_squeeze %dma_wait3A_1714 : memref<1x!tpu.dma_semaphore, #tpu.memory_space<semaphore_mem>> -> memref<!tpu.dma_semaphore, #tpu.memory_space<semaphore_mem>>
    %dma_wait3A_1716 = arith.constant 384 : i32
    %dma_wait3A_1717 = arith.constant 0 : i32
    %dma_wait3A_1718 = arith.constant 0 : i32
    %dma_wait3A_1719 = tpu.memref_slice %arg2[%dma_wait3A_1716, %dma_wait3A_1717, %dma_wait3A_1718] : memref<2048x2x2048xf32, #tpu.memory_space<any>> -> memref<64x2x2048xf32, #tpu.memory_space<any>>
    %dma_wait3A_1720 = arith.constant 0 : i32
    %dma_wait3A_1721 = arith.constant 0 : i32
    %dma_wait3A_1722 = arith.constant 0 : i32
    %dma_wait3A_1723 = tpu.memref_slice %arg3[%dma_wait3A_1711, %dma_wait3A_1712, %dma_wait3A_1720, %dma_wait3A_1721, %dma_wait3A_1722] : memref<8x2x64x2x2048xf32, #tpu.memory_space<vmem>> -> memref<1x1x64x2x2048xf32, #tpu.memory_space<vmem>>
    %dma_wait3A_1724 = tpu.memref_squeeze %dma_wait3A_1723 : memref<1x1x64x2x2048xf32, #tpu.memory_space<vmem>> -> memref<64x2x2048xf32, #tpu.memory_space<vmem>>
    tpu.wait_dma2 semaphore(%dma_wait3A_1715 : memref<!tpu.dma_semaphore, #tpu.memory_space<semaphore_mem>>) src(%dma_wait3A_1724 : memref<64x2x2048xf32, #tpu.memory_space<vmem>>) dst(%dma_wait3A_1719 : memref<64x2x2048xf32, #tpu.memory_space<any>>)
    %dma_wait3A_1725 = arith.constant 1 : i32
    %dma_wait3A_1726 = arith.constant 1 : i32
    %dma_wait3A_1727 = arith.constant 1 : i32
    %dma_wait3A_1728 = tpu.memref_slice %arg5[%dma_wait3A_1727] : memref<8x!tpu.dma_semaphore, #tpu.memory_space<semaphore_mem>> -> memref<1x!tpu.dma_semaphore, #tpu.memory_space<semaphore_mem>>
    %dma_wait3A_1729 = tpu.memref_squeeze %dma_wait3A_1728 : memref<1x!tpu.dma_semaphore, #tpu.memory_space<semaphore_mem>> -> memref<!tpu.dma_semaphore, #tpu.memory_space<semaphore_mem>>
    %dma_wait3A_1730 = arith.constant 448 : i32
    %dma_wait3A_1731 = arith.constant 0 : i32
    %dma_wait3A_1732 = arith.constant 0 : i32
    %dma_wait3A_1733 = tpu.memref_slice %arg2[%dma_wait3A_1730, %dma_wait3A_1731, %dma_wait3A_1732] : memref<2048x2x2048xf32, #tpu.memory_space<any>> -> memref<64x2x2048xf32, #tpu.memory_space<any>>
    %dma_wait3A_1734 = arith.constant 0 : i32
    %dma_wait3A_1735 = arith.constant 0 : i32
    %dma_wait3A_1736 = arith.constant 0 : i32
    %dma_wait3A_1737 = tpu.memref_slice %arg3[%dma_wait3A_1725, %dma_wait3A_1726, %dma_wait3A_1734, %dma_wait3A_1735, %dma_wait3A_1736] : memref<8x2x64x2x2048xf32, #tpu.memory_space<vmem>> -> memref<1x1x64x2x2048xf32, #tpu.memory_space<vmem>>
    %dma_wait3A_1738 = tpu.memref_squeeze %dma_wait3A_1737 : memref<1x1x64x2x2048xf32, #tpu.memory_space<vmem>> -> memref<64x2x2048xf32, #tpu.memory_space<vmem>>
    tpu.wait_dma2 semaphore(%dma_wait3A_1729 : memref<!tpu.dma_semaphore, #tpu.memory_space<semaphore_mem>>) src(%dma_wait3A_1738 : memref<64x2x2048xf32, #tpu.memory_space<vmem>>) dst(%dma_wait3A_1733 : memref<64x2x2048xf32, #tpu.memory_space<any>>)
    %dma_wait3A_1739 = arith.constant 2 : i32
    %dma_wait3A_1740 = arith.constant 0 : i32
    %dma_wait3A_1741 = arith.constant 2 : i32
    %dma_wait3A_1742 = tpu.memref_slice %arg5[%dma_wait3A_1741] : memref<8x!tpu.dma_semaphore, #tpu.memory_space<semaphore_mem>> -> memref<1x!tpu.dma_semaphore, #tpu.memory_space<semaphore_mem>>
    %dma_wait3A_1743 = tpu.memref_squeeze %dma_wait3A_1742 : memref<1x!tpu.dma_semaphore, #tpu.memory_space<semaphore_mem>> -> memref<!tpu.dma_semaphore, #tpu.memory_space<semaphore_mem>>
    %dma_wait3A_1744 = arith.constant 640 : i32
    %dma_wait3A_1745 = arith.constant 0 : i32
    %dma_wait3A_1746 = arith.constant 0 : i32
    %dma_wait3A_1747 = tpu.memref_slice %arg2[%dma_wait3A_1744, %dma_wait3A_1745, %dma_wait3A_1746] : memref<2048x2x2048xf32, #tpu.memory_space<any>> -> memref<64x2x2048xf32, #tpu.memory_space<any>>
    %dma_wait3A_1748 = arith.constant 0 : i32
    %dma_wait3A_1749 = arith.constant 0 : i32
    %dma_wait3A_1750 = arith.constant 0 : i32
    %dma_wait3A_1751 = tpu.memref_slice %arg3[%dma_wait3A_1739, %dma_wait3A_1740, %dma_wait3A_1748, %dma_wait3A_1749, %dma_wait3A_1750] : memref<8x2x64x2x2048xf32, #tpu.memory_space<vmem>> -> memref<1x1x64x2x2048xf32, #tpu.memory_space<vmem>>
    %dma_wait3A_1752 = tpu.memref_squeeze %dma_wait3A_1751 : memref<1x1x64x2x2048xf32, #tpu.memory_space<vmem>> -> memref<64x2x2048xf32, #tpu.memory_space<vmem>>
    tpu.wait_dma2 semaphore(%dma_wait3A_1743 : memref<!tpu.dma_semaphore, #tpu.memory_space<semaphore_mem>>) src(%dma_wait3A_1752 : memref<64x2x2048xf32, #tpu.memory_space<vmem>>) dst(%dma_wait3A_1747 : memref<64x2x2048xf32, #tpu.memory_space<any>>)
    %dma_wait3A_1753 = arith.constant 2 : i32
    %dma_wait3A_1754 = arith.constant 1 : i32
    %dma_wait3A_1755 = arith.constant 2 : i32
    %dma_wait3A_1756 = tpu.memref_slice %arg5[%dma_wait3A_1755] : memref<8x!tpu.dma_semaphore, #tpu.memory_space<semaphore_mem>> -> memref<1x!tpu.dma_semaphore, #tpu.memory_space<semaphore_mem>>
    %dma_wait3A_1757 = tpu.memref_squeeze %dma_wait3A_1756 : memref<1x!tpu.dma_semaphore, #tpu.memory_space<semaphore_mem>> -> memref<!tpu.dma_semaphore, #tpu.memory_space<semaphore_mem>>
    %dma_wait3A_1758 = arith.constant 704 : i32
    %dma_wait3A_1759 = arith.constant 0 : i32
    %dma_wait3A_1760 = arith.constant 0 : i32
    %dma_wait3A_1761 = tpu.memref_slice %arg2[%dma_wait3A_1758, %dma_wait3A_1759, %dma_wait3A_1760] : memref<2048x2x2048xf32, #tpu.memory_space<any>> -> memref<64x2x2048xf32, #tpu.memory_space<any>>
    %dma_wait3A_1762 = arith.constant 0 : i32
    %dma_wait3A_1763 = arith.constant 0 : i32
    %dma_wait3A_1764 = arith.constant 0 : i32
    %dma_wait3A_1765 = tpu.memref_slice %arg3[%dma_wait3A_1753, %dma_wait3A_1754, %dma_wait3A_1762, %dma_wait3A_1763, %dma_wait3A_1764] : memref<8x2x64x2x2048xf32, #tpu.memory_space<vmem>> -> memref<1x1x64x2x2048xf32, #tpu.memory_space<vmem>>
    %dma_wait3A_1766 = tpu.memref_squeeze %dma_wait3A_1765 : memref<1x1x64x2x2048xf32, #tpu.memory_space<vmem>> -> memref<64x2x2048xf32, #tpu.memory_space<vmem>>
    tpu.wait_dma2 semaphore(%dma_wait3A_1757 : memref<!tpu.dma_semaphore, #tpu.memory_space<semaphore_mem>>) src(%dma_wait3A_1766 : memref<64x2x2048xf32, #tpu.memory_space<vmem>>) dst(%dma_wait3A_1761 : memref<64x2x2048xf32, #tpu.memory_space<any>>)
    %dma_wait3A_1767 = arith.constant 3 : i32
    %dma_wait3A_1768 = arith.constant 0 : i32
    %dma_wait3A_1769 = arith.constant 3 : i32
    %dma_wait3A_1770 = tpu.memref_slice %arg5[%dma_wait3A_1769] : memref<8x!tpu.dma_semaphore, #tpu.memory_space<semaphore_mem>> -> memref<1x!tpu.dma_semaphore, #tpu.memory_space<semaphore_mem>>
    %dma_wait3A_1771 = tpu.memref_squeeze %dma_wait3A_1770 : memref<1x!tpu.dma_semaphore, #tpu.memory_space<semaphore_mem>> -> memref<!tpu.dma_semaphore, #tpu.memory_space<semaphore_mem>>
    %dma_wait3A_1772 = arith.constant 896 : i32
    %dma_wait3A_1773 = arith.constant 0 : i32
    %dma_wait3A_1774 = arith.constant 0 : i32
    %dma_wait3A_1775 = tpu.memref_slice %arg2[%dma_wait3A_1772, %dma_wait3A_1773, %dma_wait3A_1774] : memref<2048x2x2048xf32, #tpu.memory_space<any>> -> memref<64x2x2048xf32, #tpu.memory_space<any>>
    %dma_wait3A_1776 = arith.constant 0 : i32
    %dma_wait3A_1777 = arith.constant 0 : i32
    %dma_wait3A_1778 = arith.constant 0 : i32
    %dma_wait3A_1779 = tpu.memref_slice %arg3[%dma_wait3A_1767, %dma_wait3A_1768, %dma_wait3A_1776, %dma_wait3A_1777, %dma_wait3A_1778] : memref<8x2x64x2x2048xf32, #tpu.memory_space<vmem>> -> memref<1x1x64x2x2048xf32, #tpu.memory_space<vmem>>
    %dma_wait3A_1780 = tpu.memref_squeeze %dma_wait3A_1779 : memref<1x1x64x2x2048xf32, #tpu.memory_space<vmem>> -> memref<64x2x2048xf32, #tpu.memory_space<vmem>>
    tpu.wait_dma2 semaphore(%dma_wait3A_1771 : memref<!tpu.dma_semaphore, #tpu.memory_space<semaphore_mem>>) src(%dma_wait3A_1780 : memref<64x2x2048xf32, #tpu.memory_space<vmem>>) dst(%dma_wait3A_1775 : memref<64x2x2048xf32, #tpu.memory_space<any>>)
    %dma_wait3A_1781 = arith.constant 3 : i32
    %dma_wait3A_1782 = arith.constant 1 : i32
    %dma_wait3A_1783 = arith.constant 3 : i32
    %dma_wait3A_1784 = tpu.memref_slice %arg5[%dma_wait3A_1783] : memref<8x!tpu.dma_semaphore, #tpu.memory_space<semaphore_mem>> -> memref<1x!tpu.dma_semaphore, #tpu.memory_space<semaphore_mem>>
    %dma_wait3A_1785 = tpu.memref_squeeze %dma_wait3A_1784 : memref<1x!tpu.dma_semaphore, #tpu.memory_space<semaphore_mem>> -> memref<!tpu.dma_semaphore, #tpu.memory_space<semaphore_mem>>
    %dma_wait3A_1786 = arith.constant 960 : i32
    %dma_wait3A_1787 = arith.constant 0 : i32
    %dma_wait3A_1788 = arith.constant 0 : i32
    %dma_wait3A_1789 = tpu.memref_slice %arg2[%dma_wait3A_1786, %dma_wait3A_1787, %dma_wait3A_1788] : memref<2048x2x2048xf32, #tpu.memory_space<any>> -> memref<64x2x2048xf32, #tpu.memory_space<any>>
    %dma_wait3A_1790 = arith.constant 0 : i32
    %dma_wait3A_1791 = arith.constant 0 : i32
    %dma_wait3A_1792 = arith.constant 0 : i32
    %dma_wait3A_1793 = tpu.memref_slice %arg3[%dma_wait3A_1781, %dma_wait3A_1782, %dma_wait3A_1790, %dma_wait3A_1791, %dma_wait3A_1792] : memref<8x2x64x2x2048xf32, #tpu.memory_space<vmem>> -> memref<1x1x64x2x2048xf32, #tpu.memory_space<vmem>>
    %dma_wait3A_1794 = tpu.memref_squeeze %dma_wait3A_1793 : memref<1x1x64x2x2048xf32, #tpu.memory_space<vmem>> -> memref<64x2x2048xf32, #tpu.memory_space<vmem>>
    tpu.wait_dma2 semaphore(%dma_wait3A_1785 : memref<!tpu.dma_semaphore, #tpu.memory_space<semaphore_mem>>) src(%dma_wait3A_1794 : memref<64x2x2048xf32, #tpu.memory_space<vmem>>) dst(%dma_wait3A_1789 : memref<64x2x2048xf32, #tpu.memory_space<any>>)
    %dma_wait3A_1795 = arith.constant 4 : i32
    %dma_wait3A_1796 = arith.constant 0 : i32
    %dma_wait3A_1797 = arith.constant 4 : i32
    %dma_wait3A_1798 = tpu.memref_slice %arg5[%dma_wait3A_1797] : memref<8x!tpu.dma_semaphore, #tpu.memory_space<semaphore_mem>> -> memref<1x!tpu.dma_semaphore, #tpu.memory_space<semaphore_mem>>
    %dma_wait3A_1799 = tpu.memref_squeeze %dma_wait3A_1798 : memref<1x!tpu.dma_semaphore, #tpu.memory_space<semaphore_mem>> -> memref<!tpu.dma_semaphore, #tpu.memory_space<semaphore_mem>>
    %dma_wait3A_1800 = arith.constant 1152 : i32
    %dma_wait3A_1801 = arith.constant 0 : i32
    %dma_wait3A_1802 = arith.constant 0 : i32
    %dma_wait3A_1803 = tpu.memref_slice %arg2[%dma_wait3A_1800, %dma_wait3A_1801, %dma_wait3A_1802] : memref<2048x2x2048xf32, #tpu.memory_space<any>> -> memref<64x2x2048xf32, #tpu.memory_space<any>>
    %dma_wait3A_1804 = arith.constant 0 : i32
    %dma_wait3A_1805 = arith.constant 0 : i32
    %dma_wait3A_1806 = arith.constant 0 : i32
    %dma_wait3A_1807 = tpu.memref_slice %arg3[%dma_wait3A_1795, %dma_wait3A_1796, %dma_wait3A_1804, %dma_wait3A_1805, %dma_wait3A_1806] : memref<8x2x64x2x2048xf32, #tpu.memory_space<vmem>> -> memref<1x1x64x2x2048xf32, #tpu.memory_space<vmem>>
    %dma_wait3A_1808 = tpu.memref_squeeze %dma_wait3A_1807 : memref<1x1x64x2x2048xf32, #tpu.memory_space<vmem>> -> memref<64x2x2048xf32, #tpu.memory_space<vmem>>
    tpu.wait_dma2 semaphore(%dma_wait3A_1799 : memref<!tpu.dma_semaphore, #tpu.memory_space<semaphore_mem>>) src(%dma_wait3A_1808 : memref<64x2x2048xf32, #tpu.memory_space<vmem>>) dst(%dma_wait3A_1803 : memref<64x2x2048xf32, #tpu.memory_space<any>>)
    %dma_wait3A_1809 = arith.constant 4 : i32
    %dma_wait3A_1810 = arith.constant 1 : i32
    %dma_wait3A_1811 = arith.constant 4 : i32
    %dma_wait3A_1812 = tpu.memref_slice %arg5[%dma_wait3A_1811] : memref<8x!tpu.dma_semaphore, #tpu.memory_space<semaphore_mem>> -> memref<1x!tpu.dma_semaphore, #tpu.memory_space<semaphore_mem>>
    %dma_wait3A_1813 = tpu.memref_squeeze %dma_wait3A_1812 : memref<1x!tpu.dma_semaphore, #tpu.memory_space<semaphore_mem>> -> memref<!tpu.dma_semaphore, #tpu.memory_space<semaphore_mem>>
    %dma_wait3A_1814 = arith.constant 1216 : i32
    %dma_wait3A_1815 = arith.constant 0 : i32
    %dma_wait3A_1816 = arith.constant 0 : i32
    %dma_wait3A_1817 = tpu.memref_slice %arg2[%dma_wait3A_1814, %dma_wait3A_1815, %dma_wait3A_1816] : memref<2048x2x2048xf32, #tpu.memory_space<any>> -> memref<64x2x2048xf32, #tpu.memory_space<any>>
    %dma_wait3A_1818 = arith.constant 0 : i32
    %dma_wait3A_1819 = arith.constant 0 : i32
    %dma_wait3A_1820 = arith.constant 0 : i32
    %dma_wait3A_1821 = tpu.memref_slice %arg3[%dma_wait3A_1809, %dma_wait3A_1810, %dma_wait3A_1818, %dma_wait3A_1819, %dma_wait3A_1820] : memref<8x2x64x2x2048xf32, #tpu.memory_space<vmem>> -> memref<1x1x64x2x2048xf32, #tpu.memory_space<vmem>>
    %dma_wait3A_1822 = tpu.memref_squeeze %dma_wait3A_1821 : memref<1x1x64x2x2048xf32, #tpu.memory_space<vmem>> -> memref<64x2x2048xf32, #tpu.memory_space<vmem>>
    tpu.wait_dma2 semaphore(%dma_wait3A_1813 : memref<!tpu.dma_semaphore, #tpu.memory_space<semaphore_mem>>) src(%dma_wait3A_1822 : memref<64x2x2048xf32, #tpu.memory_space<vmem>>) dst(%dma_wait3A_1817 : memref<64x2x2048xf32, #tpu.memory_space<any>>)
    %dma_wait3A_1823 = arith.constant 5 : i32
    %dma_wait3A_1824 = arith.constant 0 : i32
    %dma_wait3A_1825 = arith.constant 5 : i32
    %dma_wait3A_1826 = tpu.memref_slice %arg5[%dma_wait3A_1825] : memref<8x!tpu.dma_semaphore, #tpu.memory_space<semaphore_mem>> -> memref<1x!tpu.dma_semaphore, #tpu.memory_space<semaphore_mem>>
    %dma_wait3A_1827 = tpu.memref_squeeze %dma_wait3A_1826 : memref<1x!tpu.dma_semaphore, #tpu.memory_space<semaphore_mem>> -> memref<!tpu.dma_semaphore, #tpu.memory_space<semaphore_mem>>
    %dma_wait3A_1828 = arith.constant 1408 : i32
    %dma_wait3A_1829 = arith.constant 0 : i32
    %dma_wait3A_1830 = arith.constant 0 : i32
    %dma_wait3A_1831 = tpu.memref_slice %arg2[%dma_wait3A_1828, %dma_wait3A_1829, %dma_wait3A_1830] : memref<2048x2x2048xf32, #tpu.memory_space<any>> -> memref<64x2x2048xf32, #tpu.memory_space<any>>
    %dma_wait3A_1832 = arith.constant 0 : i32
    %dma_wait3A_1833 = arith.constant 0 : i32
    %dma_wait3A_1834 = arith.constant 0 : i32
    %dma_wait3A_1835 = tpu.memref_slice %arg3[%dma_wait3A_1823, %dma_wait3A_1824, %dma_wait3A_1832, %dma_wait3A_1833, %dma_wait3A_1834] : memref<8x2x64x2x2048xf32, #tpu.memory_space<vmem>> -> memref<1x1x64x2x2048xf32, #tpu.memory_space<vmem>>
    %dma_wait3A_1836 = tpu.memref_squeeze %dma_wait3A_1835 : memref<1x1x64x2x2048xf32, #tpu.memory_space<vmem>> -> memref<64x2x2048xf32, #tpu.memory_space<vmem>>
    tpu.wait_dma2 semaphore(%dma_wait3A_1827 : memref<!tpu.dma_semaphore, #tpu.memory_space<semaphore_mem>>) src(%dma_wait3A_1836 : memref<64x2x2048xf32, #tpu.memory_space<vmem>>) dst(%dma_wait3A_1831 : memref<64x2x2048xf32, #tpu.memory_space<any>>)
    %dma_wait3A_1837 = arith.constant 5 : i32
    %dma_wait3A_1838 = arith.constant 1 : i32
    %dma_wait3A_1839 = arith.constant 5 : i32
    %dma_wait3A_1840 = tpu.memref_slice %arg5[%dma_wait3A_1839] : memref<8x!tpu.dma_semaphore, #tpu.memory_space<semaphore_mem>> -> memref<1x!tpu.dma_semaphore, #tpu.memory_space<semaphore_mem>>
    %dma_wait3A_1841 = tpu.memref_squeeze %dma_wait3A_1840 : memref<1x!tpu.dma_semaphore, #tpu.memory_space<semaphore_mem>> -> memref<!tpu.dma_semaphore, #tpu.memory_space<semaphore_mem>>
    %dma_wait3A_1842 = arith.constant 1472 : i32
    %dma_wait3A_1843 = arith.constant 0 : i32
    %dma_wait3A_1844 = arith.constant 0 : i32
    %dma_wait3A_1845 = tpu.memref_slice %arg2[%dma_wait3A_1842, %dma_wait3A_1843, %dma_wait3A_1844] : memref<2048x2x2048xf32, #tpu.memory_space<any>> -> memref<64x2x2048xf32, #tpu.memory_space<any>>
    %dma_wait3A_1846 = arith.constant 0 : i32
    %dma_wait3A_1847 = arith.constant 0 : i32
    %dma_wait3A_1848 = arith.constant 0 : i32
    %dma_wait3A_1849 = tpu.memref_slice %arg3[%dma_wait3A_1837, %dma_wait3A_1838, %dma_wait3A_1846, %dma_wait3A_1847, %dma_wait3A_1848] : memref<8x2x64x2x2048xf32, #tpu.memory_space<vmem>> -> memref<1x1x64x2x2048xf32, #tpu.memory_space<vmem>>
    %dma_wait3A_1850 = tpu.memref_squeeze %dma_wait3A_1849 : memref<1x1x64x2x2048xf32, #tpu.memory_space<vmem>> -> memref<64x2x2048xf32, #tpu.memory_space<vmem>>
    tpu.wait_dma2 semaphore(%dma_wait3A_1841 : memref<!tpu.dma_semaphore, #tpu.memory_space<semaphore_mem>>) src(%dma_wait3A_1850 : memref<64x2x2048xf32, #tpu.memory_space<vmem>>) dst(%dma_wait3A_1845 : memref<64x2x2048xf32, #tpu.memory_space<any>>)
    %dma_wait3A_1851 = arith.constant 6 : i32
    %dma_wait3A_1852 = arith.constant 0 : i32
    %dma_wait3A_1853 = arith.constant 6 : i32
    %dma_wait3A_1854 = tpu.memref_slice %arg5[%dma_wait3A_1853] : memref<8x!tpu.dma_semaphore, #tpu.memory_space<semaphore_mem>> -> memref<1x!tpu.dma_semaphore, #tpu.memory_space<semaphore_mem>>
    %dma_wait3A_1855 = tpu.memref_squeeze %dma_wait3A_1854 : memref<1x!tpu.dma_semaphore, #tpu.memory_space<semaphore_mem>> -> memref<!tpu.dma_semaphore, #tpu.memory_space<semaphore_mem>>
    %dma_wait3A_1856 = arith.constant 1664 : i32
    %dma_wait3A_1857 = arith.constant 0 : i32
    %dma_wait3A_1858 = arith.constant 0 : i32
    %dma_wait3A_1859 = tpu.memref_slice %arg2[%dma_wait3A_1856, %dma_wait3A_1857, %dma_wait3A_1858] : memref<2048x2x2048xf32, #tpu.memory_space<any>> -> memref<64x2x2048xf32, #tpu.memory_space<any>>
    %dma_wait3A_1860 = arith.constant 0 : i32
    %dma_wait3A_1861 = arith.constant 0 : i32
    %dma_wait3A_1862 = arith.constant 0 : i32
    %dma_wait3A_1863 = tpu.memref_slice %arg3[%dma_wait3A_1851, %dma_wait3A_1852, %dma_wait3A_1860, %dma_wait3A_1861, %dma_wait3A_1862] : memref<8x2x64x2x2048xf32, #tpu.memory_space<vmem>> -> memref<1x1x64x2x2048xf32, #tpu.memory_space<vmem>>
    %dma_wait3A_1864 = tpu.memref_squeeze %dma_wait3A_1863 : memref<1x1x64x2x2048xf32, #tpu.memory_space<vmem>> -> memref<64x2x2048xf32, #tpu.memory_space<vmem>>
    tpu.wait_dma2 semaphore(%dma_wait3A_1855 : memref<!tpu.dma_semaphore, #tpu.memory_space<semaphore_mem>>) src(%dma_wait3A_1864 : memref<64x2x2048xf32, #tpu.memory_space<vmem>>) dst(%dma_wait3A_1859 : memref<64x2x2048xf32, #tpu.memory_space<any>>)
    %dma_wait3A_1865 = arith.constant 6 : i32
    %dma_wait3A_1866 = arith.constant 1 : i32
    %dma_wait3A_1867 = arith.constant 6 : i32
    %dma_wait3A_1868 = tpu.memref_slice %arg5[%dma_wait3A_1867] : memref<8x!tpu.dma_semaphore, #tpu.memory_space<semaphore_mem>> -> memref<1x!tpu.dma_semaphore, #tpu.memory_space<semaphore_mem>>
    %dma_wait3A_1869 = tpu.memref_squeeze %dma_wait3A_1868 : memref<1x!tpu.dma_semaphore, #tpu.memory_space<semaphore_mem>> -> memref<!tpu.dma_semaphore, #tpu.memory_space<semaphore_mem>>
    %dma_wait3A_1870 = arith.constant 1728 : i32
    %dma_wait3A_1871 = arith.constant 0 : i32
    %dma_wait3A_1872 = arith.constant 0 : i32
    %dma_wait3A_1873 = tpu.memref_slice %arg2[%dma_wait3A_1870, %dma_wait3A_1871, %dma_wait3A_1872] : memref<2048x2x2048xf32, #tpu.memory_space<any>> -> memref<64x2x2048xf32, #tpu.memory_space<any>>
    %dma_wait3A_1874 = arith.constant 0 : i32
    %dma_wait3A_1875 = arith.constant 0 : i32
    %dma_wait3A_1876 = arith.constant 0 : i32
    %dma_wait3A_1877 = tpu.memref_slice %arg3[%dma_wait3A_1865, %dma_wait3A_1866, %dma_wait3A_1874, %dma_wait3A_1875, %dma_wait3A_1876] : memref<8x2x64x2x2048xf32, #tpu.memory_space<vmem>> -> memref<1x1x64x2x2048xf32, #tpu.memory_space<vmem>>
    %dma_wait3A_1878 = tpu.memref_squeeze %dma_wait3A_1877 : memref<1x1x64x2x2048xf32, #tpu.memory_space<vmem>> -> memref<64x2x2048xf32, #tpu.memory_space<vmem>>
    tpu.wait_dma2 semaphore(%dma_wait3A_1869 : memref<!tpu.dma_semaphore, #tpu.memory_space<semaphore_mem>>) src(%dma_wait3A_1878 : memref<64x2x2048xf32, #tpu.memory_space<vmem>>) dst(%dma_wait3A_1873 : memref<64x2x2048xf32, #tpu.memory_space<any>>)
    %dma_wait3A_1879 = arith.constant 7 : i32
    %dma_wait3A_1880 = arith.constant 0 : i32
    %dma_wait3A_1881 = arith.constant 7 : i32
    %dma_wait3A_1882 = tpu.memref_slice %arg5[%dma_wait3A_1881] : memref<8x!tpu.dma_semaphore, #tpu.memory_space<semaphore_mem>> -> memref<1x!tpu.dma_semaphore, #tpu.memory_space<semaphore_mem>>
    %dma_wait3A_1883 = tpu.memref_squeeze %dma_wait3A_1882 : memref<1x!tpu.dma_semaphore, #tpu.memory_space<semaphore_mem>> -> memref<!tpu.dma_semaphore, #tpu.memory_space<semaphore_mem>>
    %dma_wait3A_1884 = arith.constant 1920 : i32
    %dma_wait3A_1885 = arith.constant 0 : i32
    %dma_wait3A_1886 = arith.constant 0 : i32
    %dma_wait3A_1887 = tpu.memref_slice %arg2[%dma_wait3A_1884, %dma_wait3A_1885, %dma_wait3A_1886] : memref<2048x2x2048xf32, #tpu.memory_space<any>> -> memref<64x2x2048xf32, #tpu.memory_space<any>>
    %dma_wait3A_1888 = arith.constant 0 : i32
    %dma_wait3A_1889 = arith.constant 0 : i32
    %dma_wait3A_1890 = arith.constant 0 : i32
    %dma_wait3A_1891 = tpu.memref_slice %arg3[%dma_wait3A_1879, %dma_wait3A_1880, %dma_wait3A_1888, %dma_wait3A_1889, %dma_wait3A_1890] : memref<8x2x64x2x2048xf32, #tpu.memory_space<vmem>> -> memref<1x1x64x2x2048xf32, #tpu.memory_space<vmem>>
    %dma_wait3A_1892 = tpu.memref_squeeze %dma_wait3A_1891 : memref<1x1x64x2x2048xf32, #tpu.memory_space<vmem>> -> memref<64x2x2048xf32, #tpu.memory_space<vmem>>
    tpu.wait_dma2 semaphore(%dma_wait3A_1883 : memref<!tpu.dma_semaphore, #tpu.memory_space<semaphore_mem>>) src(%dma_wait3A_1892 : memref<64x2x2048xf32, #tpu.memory_space<vmem>>) dst(%dma_wait3A_1887 : memref<64x2x2048xf32, #tpu.memory_space<any>>)
    %dma_wait3A_1893 = arith.constant 7 : i32
    %dma_wait3A_1894 = arith.constant 1 : i32
    %dma_wait3A_1895 = arith.constant 7 : i32
    %dma_wait3A_1896 = tpu.memref_slice %arg5[%dma_wait3A_1895] : memref<8x!tpu.dma_semaphore, #tpu.memory_space<semaphore_mem>> -> memref<1x!tpu.dma_semaphore, #tpu.memory_space<semaphore_mem>>
    %dma_wait3A_1897 = tpu.memref_squeeze %dma_wait3A_1896 : memref<1x!tpu.dma_semaphore, #tpu.memory_space<semaphore_mem>> -> memref<!tpu.dma_semaphore, #tpu.memory_space<semaphore_mem>>
    %dma_wait3A_1898 = arith.constant 1984 : i32
    %dma_wait3A_1899 = arith.constant 0 : i32
    %dma_wait3A_1900 = arith.constant 0 : i32
    %dma_wait3A_1901 = tpu.memref_slice %arg2[%dma_wait3A_1898, %dma_wait3A_1899, %dma_wait3A_1900] : memref<2048x2x2048xf32, #tpu.memory_space<any>> -> memref<64x2x2048xf32, #tpu.memory_space<any>>
    %dma_wait3A_1902 = arith.constant 0 : i32
    %dma_wait3A_1903 = arith.constant 0 : i32
    %dma_wait3A_1904 = arith.constant 0 : i32
    %dma_wait3A_1905 = tpu.memref_slice %arg3[%dma_wait3A_1893, %dma_wait3A_1894, %dma_wait3A_1902, %dma_wait3A_1903, %dma_wait3A_1904] : memref<8x2x64x2x2048xf32, #tpu.memory_space<vmem>> -> memref<1x1x64x2x2048xf32, #tpu.memory_space<vmem>>
    %dma_wait3A_1906 = tpu.memref_squeeze %dma_wait3A_1905 : memref<1x1x64x2x2048xf32, #tpu.memory_space<vmem>> -> memref<64x2x2048xf32, #tpu.memory_space<vmem>>
    tpu.wait_dma2 semaphore(%dma_wait3A_1897 : memref<!tpu.dma_semaphore, #tpu.memory_space<semaphore_mem>>) src(%dma_wait3A_1906 : memref<64x2x2048xf32, #tpu.memory_space<vmem>>) dst(%dma_wait3A_1901 : memref<64x2x2048xf32, #tpu.memory_space<any>>)
    return
  }
}

</mosaic_0001>

<sc_bundles>
// kernel: kernel.4.cloned.1.call-start
scs
__scs_entry_jumppad:
0x0: {  	(pc) =	sbr.rel $0x88, $3  }
0x1: {  	(tag) =	ssettag $0x0;
	lr =	simm.s32 $0x1  }
0x2: {  	[smem:$0x3F9D] =	sst lr;
	_ =	strace $0xD0000000  }
0x3: {  	_ = 	snop  }
0x4: {  	_ = 	snop  }
0x5: {  	_ = 	snop  }
0x6: {  	_ = 	snop  }
0x7: {  	_ = 	snop  }
__scs_overlays_trampoline_lowered:
0x8: {  	[smem:$0x3FAC] =	sst s0  }
0x9: {  	[smem:$0x3FAD] =	sst s1  }
0xa: {  	[smem:$0x3FAE] =	sst s2  }
0xb: {  	[smem:$0x3FAF] =	sst s3  }
0xc: {  	[smem:$0x3FB0] =	sst s4  }
0xd: {  	[smem:$0x3FB1] =	sst s5  }
0xe: {  	[smem:$0x3FB2] =	sst s6  }
0xf: {  	[smem:$0x3FB3] =	sst s7  }
0x10: {  	[smem:$0x3FB4] =	sst s8  }
0x11: {  	[smem:$0x3FB5] =	sst s9;
	s0 =	simm.s32 @!p0 $0x0  }
0x12: {  	s1 =	sld [smem:$0x3F9B];
	s0 =	simm.s32 @p0 $0x1  }
0x13: {  	[smem:$0x3FB6] =	sst s0;
	s0 =	simm.s32 @!p1 $0x0  }
0x14: {  	s2 =	sld [smem:$0x3F9A];
	s0 =	simm.s32 @p1 $0x1  }
0x15: {  	[smem:$0x3FB7] =	sst s0;
	s0 =	simm.s32 @!p2 $0x0  }
0x16: {  	s3 =	sld [smem:$0x3FDB];
	s0 =	simm.s32 @p2 $0x1  }
0x17: {  	s4 =	simm.s32 $0x1BF5;
	[smem:$0x3FB9] =	sst s0  }
0x18: {  	s0 =	sld [smem:$0x3F9C];
	_ =	swait.ge [sflag:s4], $0x0  }
0x19: {  	s7 =	sld [smem:$0x3F9D]  }
0x1a: {  	s8 =	sadd.s32 $0xFFFFE003, lr  }
0x1b: {  	s9 =	sadd.s32 $0xFFFFFEF7, lr;
	s5 =	simm.s32 $0xFFFFFFFF;
	p2 =	slt.u32 s8, $0xFFFFF086  }
0x1c: {  	p1 =	slt.u32 s9, $0xF7A;
	s5 =	simm.s32 @!p2 $0x0  }
0x1d: {  	s5 =	simm.s32 @p1 $0x1;
	p0 =	seq.s32 s7, s2  }
0x1e: {  	s7 =	smul.u32 @!p0 $0xF7A, s2;
	p2 =	seq.s32 @!p0 s5, $0x0  }
0x1f: {  	s9 =	smul.u32 $0xF7A, s1;
	s8 =	simm.s32 @!p0 $0x1BF5;
	p2 =	por !p2, p0  }
0x20: {  	[sflag:s8] =	ssyncset.s32 @!p0 $0xFFFFF086;
	s6 =	sadd.s32 @!p0 s3, s7;
	s7 =	simm.s32 @!p0 $0x108  }
0x21: {  	s3 =	sadd.s32 s3, s9;
	s6 =	sadd.s32 @!p0 $0x88, s6;
	s7 =	simm.s32 @p2 $0x1082  }
0x22: {  	[simem:s7], [sflag:s8] =	dma.local @!p0 [hbm:s6], $0xF7A  }
0x23: {  	s9 =	sor.u32 $0xD0000000, s2;
	s6 =	simm.s32 $0x108;
	_ =	swait.ge @!p0 [sflag:s8], $0x0  }
0x24: {  	s3 =	sadd.s32 $0x88, s3;
	s6 =	simm.s32 @!p1 $0x1082;
	[sflag:s4] =	ssyncset.s32 $0xFFFFF086  }
0x25: {  	[simem:s6], [sflag:s4] =	dma.local [hbm:s3], $0xF7A  }
0x26: {  	[smem:$0x3F9D] =	sst s1;
	(tag) =	ssettag s2;
	_ =	strace s9  }
0x27: {  	s1 =	sld [smem:$0x3FAD]  }
0x28: {  	s2 =	sld [smem:$0x3FAE]  }
0x29: {  	s4 =	sld [smem:$0x3FB0]  }
0x2a: {  	p0 =	seq.s32 s5, $0x0;
	s5 =	sld [smem:$0x3FB1]  }
0x2b: {  	s6 =	sld [smem:$0x3FB2]  }
0x2c: {  	s7 =	sld [smem:$0x3FB3]  }
0x2d: {  	s3 =	simm.s32 $0x108;
	s8 =	sld [smem:$0x3FB4]  }
0x2e: {  	s3 =	simm.s32 @!p0 $0x1082;
	s9 =	sld [smem:$0x3FB5]  }
0x2f: {  	lr =	sadd.s32 s0, s3;
	s0 =	sld [smem:$0x3FAC]  }
0x30: {  	s3 =	sld [smem:$0x3FAF]  }
0x31: {  	[smem:$0x3FB8] =	sst s10  }
0x32: {  	s10 =	sld [smem:$0x3FB6];
	_ =	sdelay $0x3  }
0x33: {  	p0 =	seq.s32 s10, $0x1;
	s10 =	sld [smem:$0x3FB8];
	_ =	sdelay $0x3  }
0x34: {  	[smem:$0x3FB8] =	sst s10  }
0x35: {  	s10 =	sld [smem:$0x3FB7];
	_ =	sdelay $0x3  }
0x36: {  	p1 =	seq.s32 s10, $0x1;
	s10 =	sld [smem:$0x3FB8];
	_ =	sdelay $0x3  }
0x37: {  	[smem:$0x3FB8] =	sst s10  }
0x38: {  	s10 =	sld [smem:$0x3FB9]  }
0x39: {  	_ = 	snop;
	(pc) =	sbr.ind lr, $3  }
0x3a: {  	_ = 	snop  }
0x3b: {  	_ = 	snop  }
0x3c: {  	p2 =	seq.s32 s10, $0x1;
	s10 =	sld [smem:$0x3FB8]  }
0x3d: {  	_ =	shalt  }
0x3e: {  	_ =	shalt  }
0x3f: {  	_ =	shalt  }
0x40: {  	_ =	shalt  }
0x41: {  	_ =	shalt  }
0x42: {  	_ =	shalt  }
0x43: {  	_ =	shalt  }
0x44: {  	_ =	shalt  }
0x45: {  	_ =	shalt  }
0x46: {  	_ =	shalt  }
0x47: {  	_ =	shalt  }
0x48: {  	_ =	shalt  }
0x49: {  	_ =	shalt  }
0x4a: {  	_ =	shalt  }
0x4b: {  	_ =	shalt  }
0x4c: {  	_ =	shalt  }
0x4d: {  	_ =	shalt  }
0x4e: {  	_ =	shalt  }
0x4f: {  	_ =	shalt  }
0x50: {  	_ =	shalt  }
0x51: {  	_ =	shalt  }
0x52: {  	_ =	shalt  }
0x53: {  	_ =	shalt  }
0x54: {  	_ =	shalt  }
0x55: {  	_ =	shalt  }
0x56: {  	_ =	shalt  }
0x57: {  	_ =	shalt  }
0x58: {  	_ =	shalt  }
0x59: {  	_ =	shalt  }
0x5a: {  	_ =	shalt  }
0x5b: {  	_ =	shalt  }
0x5c: {  	_ =	shalt  }
0x5d: {  	_ =	shalt  }
0x5e: {  	_ =	shalt  }
0x5f: {  	_ =	shalt  }
0x60: {  	_ =	shalt  }
0x61: {  	_ =	shalt  }
0x62: {  	_ =	shalt  }
0x63: {  	_ =	shalt  }
0x64: {  	_ =	shalt  }
0x65: {  	_ =	shalt  }
0x66: {  	_ =	shalt  }
0x67: {  	_ =	shalt  }
0x68: {  	_ =	shalt  }
0x69: {  	_ =	shalt  }
0x6a: {  	_ =	shalt  }
0x6b: {  	_ =	shalt  }
0x6c: {  	_ =	shalt  }
0x6d: {  	_ =	shalt  }
0x6e: {  	_ =	shalt  }
0x6f: {  	_ =	shalt  }
0x70: {  	_ =	shalt  }
0x71: {  	_ =	shalt  }
0x72: {  	_ =	shalt  }
0x73: {  	_ =	shalt  }
0x74: {  	_ =	shalt  }
0x75: {  	_ =	shalt  }
0x76: {  	_ =	shalt  }
0x77: {  	_ =	shalt  }
0x78: {  	_ =	shalt  }
0x79: {  	_ =	shalt  }
0x7a: {  	_ =	shalt  }
0x7b: {  	_ =	shalt  }
0x7c: {  	_ =	shalt  }
0x7d: {  	_ =	shalt  }
0x7e: {  	_ =	shalt  }
0x7f: {  	_ =	shalt  }
0x80: {  	_ =	shalt  }
0x81: {  	_ =	shalt  }
0x82: {  	_ =	shalt  }
0x83: {  	_ =	shalt  }
0x84: {  	_ =	shalt  }
0x85: {  	_ =	shalt  }
0x86: {  	_ =	shalt  }
0x87: {  	_ =	shalt  }
.Lfunc_end0:
.L_simem_size_0:
called_computation_lowered:
.L_overlay_start_0:
0x88: {  	s2 =	sld [smem:$0x3FD9]  }
0x89: {  	s3 =	sld [smem:$0x3FFE];
	_ =	sdelay $0x1  }
0x8a: {  	s1 =	srdreg.scid  }
0x8b: {  	s0 =	sand.u32 $0x1, s1  }
0x8c: {  	s23 =	sshll.u32 s0, $0xA;
	s2 =	sadd.s32 s3, s2  }
0x8d: {  	s2 =	sadd.s32 s2, s23  }
0x8e: {  	[smem:$0x3FC4] =	sst s2  }
0x8f: {  	_ = 	snop  }
0x90: {  	s2 =	sld [smem:$0x3FD0];
	_ =	sdelay $0x1  }
0x91: {  	s3 =	sld [smem:$0x3FC8]  }
0x92: {  	s5 =	simm.s32 $0xB;
	s6 =	simm.s32 $0x290;
	s4 =	sld [smem:$0x3FC6]  }
0x93: {  	[smem:s6], [sflag:s5] =	dma.local [hbm:s2], $0x1  }
0x94: {  	_ =	swait.eq [sflag:s5], $0x1  }
0x95: {  	[sflag:s5] =	ssyncset.done $0x0  }
0x96: {  	s24 =	simm.s32 $0x0;
	s2 =	sld [smem:$0x291];
	[sflag:s5] =	ssyncadd.s32 $0xFFFFFFFF  }
0x97: {  	[smem:$0xF] =	sst s24  }
0x98: {  	(tm) =	ssettm $0x1  }
0x99: {  	s25 =	sld [smem:$0x3FFB];
	_ =	sdelay $0x3  }
0x9a: {  	_ =	strace s25  }
0x9b: {  	s5 =	sld [smem:$0x3FFC];
	_ =	sdelay $0x3  }
0x9c: {  	_ =	strace s5  }
0x9d: {  	s5 =	sld [smem:$0x3FFD];
	_ =	sdelay $0x3  }
0x9e: {  	_ =	strace s5  }
0x9f: {  	s26 =	simm.s32 $0x1B8B;
	_ =	strace $0x8FFFFFFF  }
0xa0: {  	_ =	swait.ge [sflag:s26], $0x1  }
0xa1: {  	[sflag:s26] =	ssyncset.done $0x0  }
0xa2: {  	s28 =	simm.s32 $0x1B8E;
	p0 =	seq.s32 s0, $0x1;
	[sflag:s26] =	ssyncadd.s32 $0xFFFFFFFF  }
0xa3: {  	s7 =	simm.s32 @p0 $0x9;
	[smem:$0x3FD2] =	sst s28  }
0xa4: {  	s6 =	sadd.s32 @p0 $0x3340, s3;
	s5 =	sadd.s32 @p0 $0x3340, s2;
	_ =	strace $0x80000046  }
0xa5: {  	[hbm:s5], [sflag:s7] =	dma.local @p0 [hbm:s6], $0x3300  }
0xa6: {  	[hbm:s5], [sflag:s7] =	dma.local @p0 [hbm:s6], $0x3300  }
0xa7: {  	s5 =	simm.s32 @!p0 $0x9  }
0xa8: {  	[hbm:s2], [sflag:s5] =	dma.local @!p0 [hbm:s3], $0x3300  }
0xa9: {  	[hbm:s2], [sflag:s5] =	dma.local @!p0 [hbm:s3], $0x3300  }
0xaa: {  	s6 =	simm.s32 @!p0 $0x10;
	s3 =	sadd.s32 @!p0 $0x3300, s3;
	s5 =	simm.s32 @!p0 $0xA  }
0xab: {  	[smem:s6], [sflag:s5] =	dma.local @!p0 [hbm:s3], $0x40  }
0xac: {  	_ =	swait.ge @!p0 [sflag:s5], $0x40  }
0xad: {  	[sflag:s5] =	ssyncset.done @!p0 $0x0  }
0xae: {  	[sflag:s5] =	ssyncadd.s32 @!p0 $0xFFFFFFC0  }
0xaf: {  	s3 =	simm.s32 @!p0 $0x210  }
0xb0: {  	[smem:s3], [sflag:s5] =	dma.local @!p0 [hbm:s4], $0x10  }
0xb1: {  	_ =	swait.ge @!p0 [sflag:s5], $0x10  }
0xb2: {  	[sflag:s5] =	ssyncset.done @!p0 $0x0  }
0xb3: {  	[sflag:s5] =	ssyncadd.s32 @!p0 $0xFFFFFFF0  }
0xb4: {  	s3 =	sld @!p0 [smem:$0x210];
	_ =	sdelay $0x3  }
0xb5: {  	s2 =	sadd.s32 @!p0 $0x3300, s2;
	[smem:$0xDC] =	sst @!p0 s3  }
0xb6: {  	[hbm:s2], [sflag:s5] =	dma.local @!p0 [smem:s6], $0x40  }
0xb7: {  	_ =	swait.ge @!p0 [sflag:s5], $0x40  }
0xb8: {  	[sflag:s5] =	ssyncset.done @!p0 $0x0  }
0xb9: {  	[sflag:s5] =	ssyncadd.s32 @!p0 $0xFFFFFFC0;
	_ =	sdelay $0x1  }
0xba: {  	s29 =	simm.s32 $0x9  }
0xbb: {  	_ =	swait.ge [sflag:s29], $0x3300  }
0xbc: {  	[sflag:s29] =	ssyncset.done $0x0  }
0xbd: {  	[sflag:s29] =	ssyncadd.s32 $0xFFFFCD00  }
0xbe: {  	_ =	strace $0x90000046  }
0xbf: {  	_ =	sfence  }
0xc0: {  	s30 =	sld [smem:$0x0];
	_ =	sdelay $0x2  }
0xc1: {  	s31 =	sshll.u32 s1, $0xD;
	s1 =	sshrl.u32 s1, $0x2  }
0xc2: {  	s3 =	sand.u32 $0x4000, s31;
	s1 =	sadd.s32 s1, s30  }
0xc3: {  	s0 =	sor.u32 s3, s0;
	s1 =	sshll.u32 s1, $0x11  }
0xc4: {  	s0 =	sor.u32 s1, s0  }
0xc5: {  	s0 =	sadd.s32 $0x8F2B, s0;
	(pc) =	sbr.abs _section_cstart, $3  }
0xc6: {  	[sflag:s0] =	ssyncadd.remote.s32 $0x1  }
0xc7: {  	_ =	strace $0x9FFFFFFF  }
0xc8: {  	(tm) =	ssettm $0x7FFFFFFF  }
0xc9: {  	_ =	shalt  }

</sc_bundles>
